<compile_context>
chip_gen: v7x
topology: tpu7x:2x2x1
jax: 0.10.2.dev20260603
libtpu: 0.0.44.dev20260713+nightly
codegen_flags: <defaults>
</compile_context>

<pallas_src>
import functools

import jax
import jax.numpy as jnp
from jax import lax
from jax.experimental import pallas as pl
from jax.experimental.pallas import tpu as pltpu
from jax.experimental.pallas import tpu_sc as plsc

EMB = 32
RCH = 16
BCH = 128


def _sc_gather(u2, i2, Ugmf, Igmf, Umlp, Imlp, B, NC, NW, b_per_w):
    mesh = plsc.VectorSubcoreMesh(core_axis_name="c", subcore_axis_name="s")
    out_t = tuple(jax.ShapeDtypeStruct((B, EMB), jnp.float32) for _ in range(4))

    @functools.partial(
        pl.kernel,
        mesh=mesh,
        out_type=out_t,
        scratch_types=[
            pltpu.VMEM((b_per_w,), jnp.int32),
            pltpu.VMEM((b_per_w,), jnp.int32),
            pltpu.VMEM((BCH, EMB), jnp.float32),
            pltpu.VMEM((BCH, EMB), jnp.float32),
            pltpu.VMEM((BCH, EMB), jnp.float32),
            pltpu.VMEM((BCH, EMB), jnp.float32),
            pltpu.SemaphoreType.DMA,
        ],
    )
    def gather_k(u_hbm, i_hbm, t0, t1, t2, t3, o0, o1, o2, o3,
                 ui_v, ii_v, r0, r1, r2, r3, sem):
        wid = lax.axis_index("s") * NC + lax.axis_index("c")
        base = wid * b_per_w
        pltpu.sync_copy(u_hbm.at[pl.ds(base, b_per_w)], ui_v)
        pltpu.sync_copy(i_hbm.at[pl.ds(base, b_per_w)], ii_v)

        def big_chunk(c, _):
            cb = c * BCH

            def burst(d, _):
                vu = ui_v[pl.ds(cb + d * RCH, RCH)]
                vi = ii_v[pl.ds(cb + d * RCH, RCH)]
                copies = []
                for k in range(RCH):
                    iu = vu[k]
                    ii = vi[k]
                    dst = pl.ds(d * RCH + k, 1)
                    copies.append(pltpu.async_copy(
                        t0.at[pl.ds(iu, 1)], r0.at[dst], sem))
                    copies.append(pltpu.async_copy(
                        t1.at[pl.ds(ii, 1)], r1.at[dst], sem))
                    copies.append(pltpu.async_copy(
                        t2.at[pl.ds(iu, 1)], r2.at[dst], sem))
                    copies.append(pltpu.async_copy(
                        t3.at[pl.ds(ii, 1)], r3.at[dst], sem))
                for cp in copies:
                    cp.wait()
                return ()

            lax.fori_loop(0, BCH // RCH, burst, ())
            pltpu.sync_copy(r0, o0.at[pl.ds(base + cb, BCH)])
            pltpu.sync_copy(r1, o1.at[pl.ds(base + cb, BCH)])
            pltpu.sync_copy(r2, o2.at[pl.ds(base + cb, BCH)])
            pltpu.sync_copy(r3, o3.at[pl.ds(base + cb, BCH)])
            return ()

        lax.fori_loop(0, b_per_w // BCH, big_chunk, ())

    return gather_k(u2, i2, Ugmf, Igmf, Umlp, Imlp)


def _mlp_body(ug_r, ig_r, um_r, im_r, w0_r, b0_r, w1_r, b1_r, w2_r, b2_r,
              wf_r, bf_r, out_r):
    gmf = ug_r[...] * ig_r[...]
    h = jnp.concatenate([um_r[...], im_r[...]], axis=1)
    h = jnp.maximum(
        jnp.dot(h, w0_r[...], preferred_element_type=jnp.float32) + b0_r[...], 0.0)
    h = jnp.maximum(
        jnp.dot(h, w1_r[...], preferred_element_type=jnp.float32) + b1_r[...], 0.0)
    h = jnp.maximum(
        jnp.dot(h, w2_r[...], preferred_element_type=jnp.float32) + b2_r[...], 0.0)
    cat = jnp.concatenate([gmf, h], axis=1)
    logit = jnp.dot(cat, wf_r[...], preferred_element_type=jnp.float32) + bf_r[...]
    out_r[...] = jax.nn.sigmoid(logit)


def _tc_mlp(ug, ig, um, im, W0, b0, W1, b1, W2, b2, Wf, bf, interpret=False):
    B = ug.shape[0]
    return pl.pallas_call(
        _mlp_body,
        out_shape=jax.ShapeDtypeStruct((B, 1), jnp.float32),
        interpret=interpret,
    )(ug, ig, um, im, W0, b0, W1, b1, W2, b2, Wf, bf)


def kernel(x, Ugmf, Igmf, Umlp, Imlp, W0, b0, W1, b1, W2, b2, Wf, bf):
    B = x.shape[0]
    info = plsc.get_sparse_core_info()
    NC, NS = info.num_cores, info.num_subcores
    NW = NC * NS
    b_per_w = B // NW
    u2 = x[:, 0].astype(jnp.int32)
    i2 = x[:, 1].astype(jnp.int32)
    ug, ig, um, im = _sc_gather(u2, i2, Ugmf, Igmf, Umlp, Imlp,
                                B, NC, NW, b_per_w)
    out = _tc_mlp(ug, ig, um, im, W0, b0, W1, b1, W2, b2, Wf, bf)
    return out[:, 0]

# --- scband reference (transcript-rebuilt; emitter-appended) ---
"""Pipeline reference for scband-ncf-33689723469884 (READ-ONLY COPY).

The authoritative reference and input builder live on the scoring server;
editing this copy changes nothing except your own understanding.
"""

import jax, jax.numpy as jnp
import numpy as np

NUM_USERS = 1000000
NUM_ITEMS = 1000000
EMB = 32
HIDDEN = [64, 32, 16]
BATCH = 16384


def setup_inputs(seed: int = 0) -> dict:
    key = jax.random.key(seed)
    ks = jax.random.split(key, 16)
    x = jax.random.randint(ks[0], (BATCH, 2), 0, NUM_USERS, dtype=jnp.int64 if jax.config.jax_enable_x64 else jnp.int32)
    s = 0.05
    Ugmf = jax.random.normal(ks[1], (NUM_USERS, EMB), jnp.float32) * s
    Igmf = jax.random.normal(ks[2], (NUM_ITEMS, EMB), jnp.float32) * s
    Umlp = jax.random.normal(ks[3], (NUM_USERS, EMB), jnp.float32) * s
    Imlp = jax.random.normal(ks[4], (NUM_ITEMS, EMB), jnp.float32) * s
    in_dim = 2 * EMB
    W0 = jax.random.normal(ks[5], (in_dim, HIDDEN[0]), jnp.float32) * (1.0 / np.sqrt(in_dim))
    b0 = jnp.zeros((HIDDEN[0],), jnp.float32)
    W1 = jax.random.normal(ks[6], (HIDDEN[0], HIDDEN[1]), jnp.float32) * (1.0 / np.sqrt(HIDDEN[0]))
    b1 = jnp.zeros((HIDDEN[1],), jnp.float32)
    W2 = jax.random.normal(ks[7], (HIDDEN[1], HIDDEN[2]), jnp.float32) * (1.0 / np.sqrt(HIDDEN[1]))
    b2 = jnp.zeros((HIDDEN[2],), jnp.float32)
    Wf = jax.random.normal(ks[8], (HIDDEN[2] + EMB, 1), jnp.float32) * (1.0 / np.sqrt(HIDDEN[2] + EMB))
    bf = jnp.zeros((1,), jnp.float32)
    return {"x": x, "Ugmf": Ugmf, "Igmf": Igmf, "Umlp": Umlp, "Imlp": Imlp,
            "W0": W0, "b0": b0, "W1": W1, "b1": b1, "W2": W2, "b2": b2, "Wf": Wf, "bf": bf}


def reference(x, Ugmf, Igmf, Umlp, Imlp, W0, b0, W1, b1, W2, b2, Wf, bf):
    user_id = x[:, 0]
    item_id = x[:, 1]
    gmf_u = jnp.take(Ugmf, user_id, axis=0)
    gmf_i = jnp.take(Igmf, item_id, axis=0)
    gmf_out = gmf_u * gmf_i
    mlp_u = jnp.take(Umlp, user_id, axis=0)
    mlp_i = jnp.take(Imlp, item_id, axis=0)
    h = jnp.concatenate([mlp_u, mlp_i], axis=-1)
    h = jax.nn.relu(h @ W0 + b0)
    h = jax.nn.relu(h @ W1 + b1)
    h = jax.nn.relu(h @ W2 + b2)
    concat = jnp.concatenate([gmf_out, h], axis=-1)
    pred = jax.nn.sigmoid(concat @ Wf + bf)
    return jnp.squeeze(pred, axis=-1)

if __name__ == "__main__":
    import jax
    _d = setup_inputs()
    print(jax.jit(kernel)(*tuple(_d.values())))

</pallas_src>

<mosaic_0001>
#map = affine_map<(d0, d1) -> (0)>
#map1 = affine_map<(d0, d1) -> (0, 0)>
module attributes {stable_mosaic.version = 14 : i64} {
  func.func @gather_k(%arg0: i32, %arg1: i32, %arg2: memref<16384xi32, #tpu.memory_space<hbm>>, %arg3: memref<16384xi32, #tpu.memory_space<hbm>>, %arg4: memref<1000000x32xf32, #tpu.memory_space<hbm>>, %arg5: memref<1000000x32xf32, #tpu.memory_space<hbm>>, %arg6: memref<1000000x32xf32, #tpu.memory_space<hbm>>, %arg7: memref<1000000x32xf32, #tpu.memory_space<hbm>>, %arg8: memref<16384x32xf32, #tpu.memory_space<hbm>>, %arg9: memref<16384x32xf32, #tpu.memory_space<hbm>>, %arg10: memref<16384x32xf32, #tpu.memory_space<hbm>>, %arg11: memref<16384x32xf32, #tpu.memory_space<hbm>>, %arg12: memref<512xi32, #tpu.memory_space<vmem>>, %arg13: memref<512xi32, #tpu.memory_space<vmem>>, %arg14: memref<128x32xf32, #tpu.memory_space<vmem>>, %arg15: memref<128x32xf32, #tpu.memory_space<vmem>>, %arg16: memref<128x32xf32, #tpu.memory_space<vmem>>, %arg17: memref<128x32xf32, #tpu.memory_space<vmem>>, %arg18: memref<!tpu.dma_semaphore, #tpu.memory_space<semaphore_mem>>) attributes {dimension_semantics = [#tpu.dimension_semantics<core_parallel>, #tpu.dimension_semantics<subcore_parallel>], iteration_bounds = array<i64: 2, 16>, scalar_prefetch = 0 : i64, scratch_operands = 7 : i64, tpu.core_type = #tpu.core_type<sc_vector_subcore>, window_params = [{transform_indices = #map}, {transform_indices = #map}, {transform_indices = #map1}, {transform_indices = #map1}, {transform_indices = #map1}, {transform_indices = #map1}, {transform_indices = #map1}, {transform_indices = #map1}, {transform_indices = #map1}, {transform_indices = #map1}]} {
    %mul3A = arith.constant 2 : i32
    %mul3A_0 = arith.muli %arg1, %mul3A : i32
    %add3A = arith.addi %mul3A_0, %arg0 : i32
    %mul3A_1 = arith.constant 512 : i32
    %mul3A_2 = arith.muli %add3A, %mul3A_1 : i32
    "tpu.region"() ({
      %run_scoped3A = tpu.sem_alloc : memref<!tpu.dma_semaphore, #tpu.memory_space<semaphore_mem>>
      %dma_start3A = tpu.memref_slice %arg2[%mul3A_2] : memref<16384xi32, #tpu.memory_space<hbm>> -> memref<512xi32, #tpu.memory_space<hbm>>
      %dma_start3A_7 = tpu.memref_slice %arg2[%mul3A_2] : memref<16384xi32, #tpu.memory_space<hbm>> -> memref<512xi32, #tpu.memory_space<hbm>>
      tpu.enqueue_dma source(%dma_start3A_7 : memref<512xi32, #tpu.memory_space<hbm>>) target(%arg12 : memref<512xi32, #tpu.memory_space<vmem>>) target_semaphore(%run_scoped3A : memref<!tpu.dma_semaphore, #tpu.memory_space<semaphore_mem>>)
      %dma_wait3A = tpu.memref_slice %arg2[%mul3A_2] : memref<16384xi32, #tpu.memory_space<hbm>> -> memref<512xi32, #tpu.memory_space<hbm>>
      %dma_wait3A_8 = tpu.memref_slice %arg2[%mul3A_2] : memref<16384xi32, #tpu.memory_space<hbm>> -> memref<512xi32, #tpu.memory_space<hbm>>
      tpu.wait_dma2 semaphore(%run_scoped3A : memref<!tpu.dma_semaphore, #tpu.memory_space<semaphore_mem>>) src(%dma_wait3A_8 : memref<512xi32, #tpu.memory_space<hbm>>) dst(%arg12 : memref<512xi32, #tpu.memory_space<vmem>>)
      tpu.yield
    }) : () -> ()
    "tpu.region"() ({
      %run_scoped3A = tpu.sem_alloc : memref<!tpu.dma_semaphore, #tpu.memory_space<semaphore_mem>>
      %dma_start3A = tpu.memref_slice %arg3[%mul3A_2] : memref<16384xi32, #tpu.memory_space<hbm>> -> memref<512xi32, #tpu.memory_space<hbm>>
      %dma_start3A_7 = tpu.memref_slice %arg3[%mul3A_2] : memref<16384xi32, #tpu.memory_space<hbm>> -> memref<512xi32, #tpu.memory_space<hbm>>
      tpu.enqueue_dma source(%dma_start3A_7 : memref<512xi32, #tpu.memory_space<hbm>>) target(%arg13 : memref<512xi32, #tpu.memory_space<vmem>>) target_semaphore(%run_scoped3A : memref<!tpu.dma_semaphore, #tpu.memory_space<semaphore_mem>>)
      %dma_wait3A = tpu.memref_slice %arg3[%mul3A_2] : memref<16384xi32, #tpu.memory_space<hbm>> -> memref<512xi32, #tpu.memory_space<hbm>>
      %dma_wait3A_8 = tpu.memref_slice %arg3[%mul3A_2] : memref<16384xi32, #tpu.memory_space<hbm>> -> memref<512xi32, #tpu.memory_space<hbm>>
      tpu.wait_dma2 semaphore(%run_scoped3A : memref<!tpu.dma_semaphore, #tpu.memory_space<semaphore_mem>>) src(%dma_wait3A_8 : memref<512xi32, #tpu.memory_space<hbm>>) dst(%arg13 : memref<512xi32, #tpu.memory_space<vmem>>)
      tpu.yield
    }) : () -> ()
    %scan3A = arith.constant 0 : i32
    %scan3A_3 = arith.constant 4 : i32
    %scan3A_4 = arith.addi %scan3A, %scan3A_3 : i32
    %scan3A_5 = arith.constant 1 : i32
    scf.for %scan3A_7 = %scan3A to %scan3A_4 step %scan3A_5  : i32 {
      %mul3A_8 = arith.constant 128 : i32
      %mul3A_9 = arith.muli %scan3A_7, %mul3A_8 : i32
      %scan3A_10 = arith.constant 0 : i32
      %scan3A_11 = arith.constant 8 : i32
      %scan3A_12 = arith.addi %scan3A_10, %scan3A_11 : i32
      %scan3A_13 = arith.constant 1 : i32
      scf.for %scan3A_19 = %scan3A_10 to %scan3A_12 step %scan3A_13  : i32 {
        %mul3A_20 = arith.constant 16 : i32
        %mul3A_21 = arith.muli %scan3A_19, %mul3A_20 : i32
        %add3A_22 = arith.addi %mul3A_9, %mul3A_21 : i32
        %get3A = arith.index_cast %add3A_22 : i32 to index
        %get3A_23 = tpu.vector_load %arg12[%get3A] {strides = array<i32>} : memref<512xi32, #tpu.memory_space<vmem>>, vector<16xi32>,
        %get3A_24 = vector.shape_cast %get3A_23 : vector<16xi32> to vector<16xi32>
        %mul3A_25 = arith.constant 16 : i32
        %mul3A_26 = arith.muli %scan3A_19, %mul3A_25 : i32
        %add3A_27 = arith.addi %mul3A_9, %mul3A_26 : i32
        %get3A_28 = arith.index_cast %add3A_27 : i32 to index
        %get3A_29 = tpu.vector_load %arg13[%get3A_28] {strides = array<i32>} : memref<512xi32, #tpu.memory_space<vmem>>, vector<16xi32>,
        %get3A_30 = vector.shape_cast %get3A_29 : vector<16xi32> to vector<16xi32>
        %slice3A = vector.extract_strided_slice %get3A_24 {offsets = [0], sizes = [1], strides = [1]} : vector<16xi32> to vector<1xi32>
        %squeeze3A = vector.extract %slice3A[0] : i32 from vector<1xi32>
        %slice3A_31 = vector.extract_strided_slice %get3A_30 {offsets = [0], sizes = [1], strides = [1]} : vector<16xi32> to vector<1xi32>
        %squeeze3A_32 = vector.extract %slice3A_31[0] : i32 from vector<1xi32>
        %mul3A_33 = arith.constant 16 : i32
        %mul3A_34 = arith.muli %scan3A_19, %mul3A_33 : i32
        %add3A_35 = arith.constant 0 : i32
        %add3A_36 = arith.addi %mul3A_34, %add3A_35 : i32
        %dma_start3A = arith.constant 0 : i32
        %dma_start3A_37 = tpu.memref_slice %arg14[%add3A_36, %dma_start3A] : memref<128x32xf32, #tpu.memory_space<vmem>> -> memref<1x32xf32, #tpu.memory_space<vmem>>
        %dma_start3A_38 = arith.constant 0 : i32
        %dma_start3A_39 = tpu.memref_slice %arg4[%squeeze3A, %dma_start3A_38] : memref<1000000x32xf32, #tpu.memory_space<hbm>> -> memref<1x32xf32, #tpu.memory_space<hbm>>
        %dma_start3A_40 = arith.constant 0 : i32
        %dma_start3A_41 = tpu.memref_slice %arg14[%add3A_36, %dma_start3A_40] : memref<128x32xf32, #tpu.memory_space<vmem>> -> memref<1x32xf32, #tpu.memory_space<vmem>>
        %dma_start3A_42 = arith.constant 0 : i32
        %dma_start3A_43 = tpu.memref_slice %arg4[%squeeze3A, %dma_start3A_42] : memref<1000000x32xf32, #tpu.memory_space<hbm>> -> memref<1x32xf32, #tpu.memory_space<hbm>>
        tpu.enqueue_dma source(%dma_start3A_43 : memref<1x32xf32, #tpu.memory_space<hbm>>) target(%dma_start3A_41 : memref<1x32xf32, #tpu.memory_space<vmem>>) target_semaphore(%arg18 : memref<!tpu.dma_semaphore, #tpu.memory_space<semaphore_mem>>)
        %dma_start3A_44 = arith.constant 0 : i32
        %dma_start3A_45 = tpu.memref_slice %arg15[%add3A_36, %dma_start3A_44] : memref<128x32xf32, #tpu.memory_space<vmem>> -> memref<1x32xf32, #tpu.memory_space<vmem>>
        %dma_start3A_46 = arith.constant 0 : i32
        %dma_start3A_47 = tpu.memref_slice %arg5[%squeeze3A_32, %dma_start3A_46] : memref<1000000x32xf32, #tpu.memory_space<hbm>> -> memref<1x32xf32, #tpu.memory_space<hbm>>
        %dma_start3A_48 = arith.constant 0 : i32
        %dma_start3A_49 = tpu.memref_slice %arg15[%add3A_36, %dma_start3A_48] : memref<128x32xf32, #tpu.memory_space<vmem>> -> memref<1x32xf32, #tpu.memory_space<vmem>>
        %dma_start3A_50 = arith.constant 0 : i32
        %dma_start3A_51 = tpu.memref_slice %arg5[%squeeze3A_32, %dma_start3A_50] : memref<1000000x32xf32, #tpu.memory_space<hbm>> -> memref<1x32xf32, #tpu.memory_space<hbm>>
        tpu.enqueue_dma source(%dma_start3A_51 : memref<1x32xf32, #tpu.memory_space<hbm>>) target(%dma_start3A_49 : memref<1x32xf32, #tpu.memory_space<vmem>>) target_semaphore(%arg18 : memref<!tpu.dma_semaphore, #tpu.memory_space<semaphore_mem>>)
        %dma_start3A_52 = arith.constant 0 : i32
        %dma_start3A_53 = tpu.memref_slice %arg16[%add3A_36, %dma_start3A_52] : memref<128x32xf32, #tpu.memory_space<vmem>> -> memref<1x32xf32, #tpu.memory_space<vmem>>
        %dma_start3A_54 = arith.constant 0 : i32
        %dma_start3A_55 = tpu.memref_slice %arg6[%squeeze3A, %dma_start3A_54] : memref<1000000x32xf32, #tpu.memory_space<hbm>> -> memref<1x32xf32, #tpu.memory_space<hbm>>
        %dma_start3A_56 = arith.constant 0 : i32
        %dma_start3A_57 = tpu.memref_slice %arg16[%add3A_36, %dma_start3A_56] : memref<128x32xf32, #tpu.memory_space<vmem>> -> memref<1x32xf32, #tpu.memory_space<vmem>>
        %dma_start3A_58 = arith.constant 0 : i32
        %dma_start3A_59 = tpu.memref_slice %arg6[%squeeze3A, %dma_start3A_58] : memref<1000000x32xf32, #tpu.memory_space<hbm>> -> memref<1x32xf32, #tpu.memory_space<hbm>>
        tpu.enqueue_dma source(%dma_start3A_59 : memref<1x32xf32, #tpu.memory_space<hbm>>) target(%dma_start3A_57 : memref<1x32xf32, #tpu.memory_space<vmem>>) target_semaphore(%arg18 : memref<!tpu.dma_semaphore, #tpu.memory_space<semaphore_mem>>)
        %dma_start3A_60 = arith.constant 0 : i32
        %dma_start3A_61 = tpu.memref_slice %arg17[%add3A_36, %dma_start3A_60] : memref<128x32xf32, #tpu.memory_space<vmem>> -> memref<1x32xf32, #tpu.memory_space<vmem>>
        %dma_start3A_62 = arith.constant 0 : i32
        %dma_start3A_63 = tpu.memref_slice %arg7[%squeeze3A_32, %dma_start3A_62] : memref<1000000x32xf32, #tpu.memory_space<hbm>> -> memref<1x32xf32, #tpu.memory_space<hbm>>
        %dma_start3A_64 = arith.constant 0 : i32
        %dma_start3A_65 = tpu.memref_slice %arg17[%add3A_36, %dma_start3A_64] : memref<128x32xf32, #tpu.memory_space<vmem>> -> memref<1x32xf32, #tpu.memory_space<vmem>>
        %dma_start3A_66 = arith.constant 0 : i32
        %dma_start3A_67 = tpu.memref_slice %arg7[%squeeze3A_32, %dma_start3A_66] : memref<1000000x32xf32, #tpu.memory_space<hbm>> -> memref<1x32xf32, #tpu.memory_space<hbm>>
        tpu.enqueue_dma source(%dma_start3A_67 : memref<1x32xf32, #tpu.memory_space<hbm>>) target(%dma_start3A_65 : memref<1x32xf32, #tpu.memory_space<vmem>>) target_semaphore(%arg18 : memref<!tpu.dma_semaphore, #tpu.memory_space<semaphore_mem>>)
        %slice3A_68 = vector.extract_strided_slice %get3A_24 {offsets = [1], sizes = [1], strides = [1]} : vector<16xi32> to vector<1xi32>
        %squeeze3A_69 = vector.extract %slice3A_68[0] : i32 from vector<1xi32>
        %slice3A_70 = vector.extract_strided_slice %get3A_30 {offsets = [1], sizes = [1], strides = [1]} : vector<16xi32> to vector<1xi32>
        %squeeze3A_71 = vector.extract %slice3A_70[0] : i32 from vector<1xi32>
        %mul3A_72 = arith.constant 16 : i32
        %mul3A_73 = arith.muli %scan3A_19, %mul3A_72 : i32
        %add3A_74 = arith.constant 1 : i32
        %add3A_75 = arith.addi %mul3A_73, %add3A_74 : i32
        %dma_start3A_76 = arith.constant 0 : i32
        %dma_start3A_77 = tpu.memref_slice %arg14[%add3A_75, %dma_start3A_76] : memref<128x32xf32, #tpu.memory_space<vmem>> -> memref<1x32xf32, #tpu.memory_space<vmem>>
        %dma_start3A_78 = arith.constant 0 : i32
        %dma_start3A_79 = tpu.memref_slice %arg4[%squeeze3A_69, %dma_start3A_78] : memref<1000000x32xf32, #tpu.memory_space<hbm>> -> memref<1x32xf32, #tpu.memory_space<hbm>>
        %dma_start3A_80 = arith.constant 0 : i32
        %dma_start3A_81 = tpu.memref_slice %arg14[%add3A_75, %dma_start3A_80] : memref<128x32xf32, #tpu.memory_space<vmem>> -> memref<1x32xf32, #tpu.memory_space<vmem>>
        %dma_start3A_82 = arith.constant 0 : i32
        %dma_start3A_83 = tpu.memref_slice %arg4[%squeeze3A_69, %dma_start3A_82] : memref<1000000x32xf32, #tpu.memory_space<hbm>> -> memref<1x32xf32, #tpu.memory_space<hbm>>
        tpu.enqueue_dma source(%dma_start3A_83 : memref<1x32xf32, #tpu.memory_space<hbm>>) target(%dma_start3A_81 : memref<1x32xf32, #tpu.memory_space<vmem>>) target_semaphore(%arg18 : memref<!tpu.dma_semaphore, #tpu.memory_space<semaphore_mem>>)
        %dma_start3A_84 = arith.constant 0 : i32
        %dma_start3A_85 = tpu.memref_slice %arg15[%add3A_75, %dma_start3A_84] : memref<128x32xf32, #tpu.memory_space<vmem>> -> memref<1x32xf32, #tpu.memory_space<vmem>>
        %dma_start3A_86 = arith.constant 0 : i32
        %dma_start3A_87 = tpu.memref_slice %arg5[%squeeze3A_71, %dma_start3A_86] : memref<1000000x32xf32, #tpu.memory_space<hbm>> -> memref<1x32xf32, #tpu.memory_space<hbm>>
        %dma_start3A_88 = arith.constant 0 : i32
        %dma_start3A_89 = tpu.memref_slice %arg15[%add3A_75, %dma_start3A_88] : memref<128x32xf32, #tpu.memory_space<vmem>> -> memref<1x32xf32, #tpu.memory_space<vmem>>
        %dma_start3A_90 = arith.constant 0 : i32
        %dma_start3A_91 = tpu.memref_slice %arg5[%squeeze3A_71, %dma_start3A_90] : memref<1000000x32xf32, #tpu.memory_space<hbm>> -> memref<1x32xf32, #tpu.memory_space<hbm>>
        tpu.enqueue_dma source(%dma_start3A_91 : memref<1x32xf32, #tpu.memory_space<hbm>>) target(%dma_start3A_89 : memref<1x32xf32, #tpu.memory_space<vmem>>) target_semaphore(%arg18 : memref<!tpu.dma_semaphore, #tpu.memory_space<semaphore_mem>>)
        %dma_start3A_92 = arith.constant 0 : i32
        %dma_start3A_93 = tpu.memref_slice %arg16[%add3A_75, %dma_start3A_92] : memref<128x32xf32, #tpu.memory_space<vmem>> -> memref<1x32xf32, #tpu.memory_space<vmem>>
        %dma_start3A_94 = arith.constant 0 : i32
        %dma_start3A_95 = tpu.memref_slice %arg6[%squeeze3A_69, %dma_start3A_94] : memref<1000000x32xf32, #tpu.memory_space<hbm>> -> memref<1x32xf32, #tpu.memory_space<hbm>>
        %dma_start3A_96 = arith.constant 0 : i32
        %dma_start3A_97 = tpu.memref_slice %arg16[%add3A_75, %dma_start3A_96] : memref<128x32xf32, #tpu.memory_space<vmem>> -> memref<1x32xf32, #tpu.memory_space<vmem>>
        %dma_start3A_98 = arith.constant 0 : i32
        %dma_start3A_99 = tpu.memref_slice %arg6[%squeeze3A_69, %dma_start3A_98] : memref<1000000x32xf32, #tpu.memory_space<hbm>> -> memref<1x32xf32, #tpu.memory_space<hbm>>
        tpu.enqueue_dma source(%dma_start3A_99 : memref<1x32xf32, #tpu.memory_space<hbm>>) target(%dma_start3A_97 : memref<1x32xf32, #tpu.memory_space<vmem>>) target_semaphore(%arg18 : memref<!tpu.dma_semaphore, #tpu.memory_space<semaphore_mem>>)
        %dma_start3A_100 = arith.constant 0 : i32
        %dma_start3A_101 = tpu.memref_slice %arg17[%add3A_75, %dma_start3A_100] : memref<128x32xf32, #tpu.memory_space<vmem>> -> memref<1x32xf32, #tpu.memory_space<vmem>>
        %dma_start3A_102 = arith.constant 0 : i32
        %dma_start3A_103 = tpu.memref_slice %arg7[%squeeze3A_71, %dma_start3A_102] : memref<1000000x32xf32, #tpu.memory_space<hbm>> -> memref<1x32xf32, #tpu.memory_space<hbm>>
        %dma_start3A_104 = arith.constant 0 : i32
        %dma_start3A_105 = tpu.memref_slice %arg17[%add3A_75, %dma_start3A_104] : memref<128x32xf32, #tpu.memory_space<vmem>> -> memref<1x32xf32, #tpu.memory_space<vmem>>
        %dma_start3A_106 = arith.constant 0 : i32
        %dma_start3A_107 = tpu.memref_slice %arg7[%squeeze3A_71, %dma_start3A_106] : memref<1000000x32xf32, #tpu.memory_space<hbm>> -> memref<1x32xf32, #tpu.memory_space<hbm>>
        tpu.enqueue_dma source(%dma_start3A_107 : memref<1x32xf32, #tpu.memory_space<hbm>>) target(%dma_start3A_105 : memref<1x32xf32, #tpu.memory_space<vmem>>) target_semaphore(%arg18 : memref<!tpu.dma_semaphore, #tpu.memory_space<semaphore_mem>>)
        %slice3A_108 = vector.extract_strided_slice %get3A_24 {offsets = [2], sizes = [1], strides = [1]} : vector<16xi32> to vector<1xi32>
        %squeeze3A_109 = vector.extract %slice3A_108[0] : i32 from vector<1xi32>
        %slice3A_110 = vector.extract_strided_slice %get3A_30 {offsets = [2], sizes = [1], strides = [1]} : vector<16xi32> to vector<1xi32>
        %squeeze3A_111 = vector.extract %slice3A_110[0] : i32 from vector<1xi32>
        %mul3A_112 = arith.constant 16 : i32
        %mul3A_113 = arith.muli %scan3A_19, %mul3A_112 : i32
        %add3A_114 = arith.constant 2 : i32
        %add3A_115 = arith.addi %mul3A_113, %add3A_114 : i32
        %dma_start3A_116 = arith.constant 0 : i32
        %dma_start3A_117 = tpu.memref_slice %arg14[%add3A_115, %dma_start3A_116] : memref<128x32xf32, #tpu.memory_space<vmem>> -> memref<1x32xf32, #tpu.memory_space<vmem>>
        %dma_start3A_118 = arith.constant 0 : i32
        %dma_start3A_119 = tpu.memref_slice %arg4[%squeeze3A_109, %dma_start3A_118] : memref<1000000x32xf32, #tpu.memory_space<hbm>> -> memref<1x32xf32, #tpu.memory_space<hbm>>
        %dma_start3A_120 = arith.constant 0 : i32
        %dma_start3A_121 = tpu.memref_slice %arg14[%add3A_115, %dma_start3A_120] : memref<128x32xf32, #tpu.memory_space<vmem>> -> memref<1x32xf32, #tpu.memory_space<vmem>>
        %dma_start3A_122 = arith.constant 0 : i32
        %dma_start3A_123 = tpu.memref_slice %arg4[%squeeze3A_109, %dma_start3A_122] : memref<1000000x32xf32, #tpu.memory_space<hbm>> -> memref<1x32xf32, #tpu.memory_space<hbm>>
        tpu.enqueue_dma source(%dma_start3A_123 : memref<1x32xf32, #tpu.memory_space<hbm>>) target(%dma_start3A_121 : memref<1x32xf32, #tpu.memory_space<vmem>>) target_semaphore(%arg18 : memref<!tpu.dma_semaphore, #tpu.memory_space<semaphore_mem>>)
        %dma_start3A_124 = arith.constant 0 : i32
        %dma_start3A_125 = tpu.memref_slice %arg15[%add3A_115, %dma_start3A_124] : memref<128x32xf32, #tpu.memory_space<vmem>> -> memref<1x32xf32, #tpu.memory_space<vmem>>
        %dma_start3A_126 = arith.constant 0 : i32
        %dma_start3A_127 = tpu.memref_slice %arg5[%squeeze3A_111, %dma_start3A_126] : memref<1000000x32xf32, #tpu.memory_space<hbm>> -> memref<1x32xf32, #tpu.memory_space<hbm>>
        %dma_start3A_128 = arith.constant 0 : i32
        %dma_start3A_129 = tpu.memref_slice %arg15[%add3A_115, %dma_start3A_128] : memref<128x32xf32, #tpu.memory_space<vmem>> -> memref<1x32xf32, #tpu.memory_space<vmem>>
        %dma_start3A_130 = arith.constant 0 : i32
        %dma_start3A_131 = tpu.memref_slice %arg5[%squeeze3A_111, %dma_start3A_130] : memref<1000000x32xf32, #tpu.memory_space<hbm>> -> memref<1x32xf32, #tpu.memory_space<hbm>>
        tpu.enqueue_dma source(%dma_start3A_131 : memref<1x32xf32, #tpu.memory_space<hbm>>) target(%dma_start3A_129 : memref<1x32xf32, #tpu.memory_space<vmem>>) target_semaphore(%arg18 : memref<!tpu.dma_semaphore, #tpu.memory_space<semaphore_mem>>)
        %dma_start3A_132 = arith.constant 0 : i32
        %dma_start3A_133 = tpu.memref_slice %arg16[%add3A_115, %dma_start3A_132] : memref<128x32xf32, #tpu.memory_space<vmem>> -> memref<1x32xf32, #tpu.memory_space<vmem>>
        %dma_start3A_134 = arith.constant 0 : i32
        %dma_start3A_135 = tpu.memref_slice %arg6[%squeeze3A_109, %dma_start3A_134] : memref<1000000x32xf32, #tpu.memory_space<hbm>> -> memref<1x32xf32, #tpu.memory_space<hbm>>
        %dma_start3A_136 = arith.constant 0 : i32
        %dma_start3A_137 = tpu.memref_slice %arg16[%add3A_115, %dma_start3A_136] : memref<128x32xf32, #tpu.memory_space<vmem>> -> memref<1x32xf32, #tpu.memory_space<vmem>>
        %dma_start3A_138 = arith.constant 0 : i32
        %dma_start3A_139 = tpu.memref_slice %arg6[%squeeze3A_109, %dma_start3A_138] : memref<1000000x32xf32, #tpu.memory_space<hbm>> -> memref<1x32xf32, #tpu.memory_space<hbm>>
        tpu.enqueue_dma source(%dma_start3A_139 : memref<1x32xf32, #tpu.memory_space<hbm>>) target(%dma_start3A_137 : memref<1x32xf32, #tpu.memory_space<vmem>>) target_semaphore(%arg18 : memref<!tpu.dma_semaphore, #tpu.memory_space<semaphore_mem>>)
        %dma_start3A_140 = arith.constant 0 : i32
        %dma_start3A_141 = tpu.memref_slice %arg17[%add3A_115, %dma_start3A_140] : memref<128x32xf32, #tpu.memory_space<vmem>> -> memref<1x32xf32, #tpu.memory_space<vmem>>
        %dma_start3A_142 = arith.constant 0 : i32
        %dma_start3A_143 = tpu.memref_slice %arg7[%squeeze3A_111, %dma_start3A_142] : memref<1000000x32xf32, #tpu.memory_space<hbm>> -> memref<1x32xf32, #tpu.memory_space<hbm>>
        %dma_start3A_144 = arith.constant 0 : i32
        %dma_start3A_145 = tpu.memref_slice %arg17[%add3A_115, %dma_start3A_144] : memref<128x32xf32, #tpu.memory_space<vmem>> -> memref<1x32xf32, #tpu.memory_space<vmem>>
        %dma_start3A_146 = arith.constant 0 : i32
        %dma_start3A_147 = tpu.memref_slice %arg7[%squeeze3A_111, %dma_start3A_146] : memref<1000000x32xf32, #tpu.memory_space<hbm>> -> memref<1x32xf32, #tpu.memory_space<hbm>>
        tpu.enqueue_dma source(%dma_start3A_147 : memref<1x32xf32, #tpu.memory_space<hbm>>) target(%dma_start3A_145 : memref<1x32xf32, #tpu.memory_space<vmem>>) target_semaphore(%arg18 : memref<!tpu.dma_semaphore, #tpu.memory_space<semaphore_mem>>)
        %slice3A_148 = vector.extract_strided_slice %get3A_24 {offsets = [3], sizes = [1], strides = [1]} : vector<16xi32> to vector<1xi32>
        %squeeze3A_149 = vector.extract %slice3A_148[0] : i32 from vector<1xi32>
        %slice3A_150 = vector.extract_strided_slice %get3A_30 {offsets = [3], sizes = [1], strides = [1]} : vector<16xi32> to vector<1xi32>
        %squeeze3A_151 = vector.extract %slice3A_150[0] : i32 from vector<1xi32>
        %mul3A_152 = arith.constant 16 : i32
        %mul3A_153 = arith.muli %scan3A_19, %mul3A_152 : i32
        %add3A_154 = arith.constant 3 : i32
        %add3A_155 = arith.addi %mul3A_153, %add3A_154 : i32
        %dma_start3A_156 = arith.constant 0 : i32
        %dma_start3A_157 = tpu.memref_slice %arg14[%add3A_155, %dma_start3A_156] : memref<128x32xf32, #tpu.memory_space<vmem>> -> memref<1x32xf32, #tpu.memory_space<vmem>>
        %dma_start3A_158 = arith.constant 0 : i32
        %dma_start3A_159 = tpu.memref_slice %arg4[%squeeze3A_149, %dma_start3A_158] : memref<1000000x32xf32, #tpu.memory_space<hbm>> -> memref<1x32xf32, #tpu.memory_space<hbm>>
        %dma_start3A_160 = arith.constant 0 : i32
        %dma_start3A_161 = tpu.memref_slice %arg14[%add3A_155, %dma_start3A_160] : memref<128x32xf32, #tpu.memory_space<vmem>> -> memref<1x32xf32, #tpu.memory_space<vmem>>
        %dma_start3A_162 = arith.constant 0 : i32
        %dma_start3A_163 = tpu.memref_slice %arg4[%squeeze3A_149, %dma_start3A_162] : memref<1000000x32xf32, #tpu.memory_space<hbm>> -> memref<1x32xf32, #tpu.memory_space<hbm>>
        tpu.enqueue_dma source(%dma_start3A_163 : memref<1x32xf32, #tpu.memory_space<hbm>>) target(%dma_start3A_161 : memref<1x32xf32, #tpu.memory_space<vmem>>) target_semaphore(%arg18 : memref<!tpu.dma_semaphore, #tpu.memory_space<semaphore_mem>>)
        %dma_start3A_164 = arith.constant 0 : i32
        %dma_start3A_165 = tpu.memref_slice %arg15[%add3A_155, %dma_start3A_164] : memref<128x32xf32, #tpu.memory_space<vmem>> -> memref<1x32xf32, #tpu.memory_space<vmem>>
        %dma_start3A_166 = arith.constant 0 : i32
        %dma_start3A_167 = tpu.memref_slice %arg5[%squeeze3A_151, %dma_start3A_166] : memref<1000000x32xf32, #tpu.memory_space<hbm>> -> memref<1x32xf32, #tpu.memory_space<hbm>>
        %dma_start3A_168 = arith.constant 0 : i32
        %dma_start3A_169 = tpu.memref_slice %arg15[%add3A_155, %dma_start3A_168] : memref<128x32xf32, #tpu.memory_space<vmem>> -> memref<1x32xf32, #tpu.memory_space<vmem>>
        %dma_start3A_170 = arith.constant 0 : i32
        %dma_start3A_171 = tpu.memref_slice %arg5[%squeeze3A_151, %dma_start3A_170] : memref<1000000x32xf32, #tpu.memory_space<hbm>> -> memref<1x32xf32, #tpu.memory_space<hbm>>
        tpu.enqueue_dma source(%dma_start3A_171 : memref<1x32xf32, #tpu.memory_space<hbm>>) target(%dma_start3A_169 : memref<1x32xf32, #tpu.memory_space<vmem>>) target_semaphore(%arg18 : memref<!tpu.dma_semaphore, #tpu.memory_space<semaphore_mem>>)
        %dma_start3A_172 = arith.constant 0 : i32
        %dma_start3A_173 = tpu.memref_slice %arg16[%add3A_155, %dma_start3A_172] : memref<128x32xf32, #tpu.memory_space<vmem>> -> memref<1x32xf32, #tpu.memory_space<vmem>>
        %dma_start3A_174 = arith.constant 0 : i32
        %dma_start3A_175 = tpu.memref_slice %arg6[%squeeze3A_149, %dma_start3A_174] : memref<1000000x32xf32, #tpu.memory_space<hbm>> -> memref<1x32xf32, #tpu.memory_space<hbm>>
        %dma_start3A_176 = arith.constant 0 : i32
        %dma_start3A_177 = tpu.memref_slice %arg16[%add3A_155, %dma_start3A_176] : memref<128x32xf32, #tpu.memory_space<vmem>> -> memref<1x32xf32, #tpu.memory_space<vmem>>
        %dma_start3A_178 = arith.constant 0 : i32
        %dma_start3A_179 = tpu.memref_slice %arg6[%squeeze3A_149, %dma_start3A_178] : memref<1000000x32xf32, #tpu.memory_space<hbm>> -> memref<1x32xf32, #tpu.memory_space<hbm>>
        tpu.enqueue_dma source(%dma_start3A_179 : memref<1x32xf32, #tpu.memory_space<hbm>>) target(%dma_start3A_177 : memref<1x32xf32, #tpu.memory_space<vmem>>) target_semaphore(%arg18 : memref<!tpu.dma_semaphore, #tpu.memory_space<semaphore_mem>>)
        %dma_start3A_180 = arith.constant 0 : i32
        %dma_start3A_181 = tpu.memref_slice %arg17[%add3A_155, %dma_start3A_180] : memref<128x32xf32, #tpu.memory_space<vmem>> -> memref<1x32xf32, #tpu.memory_space<vmem>>
        %dma_start3A_182 = arith.constant 0 : i32
        %dma_start3A_183 = tpu.memref_slice %arg7[%squeeze3A_151, %dma_start3A_182] : memref<1000000x32xf32, #tpu.memory_space<hbm>> -> memref<1x32xf32, #tpu.memory_space<hbm>>
        %dma_start3A_184 = arith.constant 0 : i32
        %dma_start3A_185 = tpu.memref_slice %arg17[%add3A_155, %dma_start3A_184] : memref<128x32xf32, #tpu.memory_space<vmem>> -> memref<1x32xf32, #tpu.memory_space<vmem>>
        %dma_start3A_186 = arith.constant 0 : i32
        %dma_start3A_187 = tpu.memref_slice %arg7[%squeeze3A_151, %dma_start3A_186] : memref<1000000x32xf32, #tpu.memory_space<hbm>> -> memref<1x32xf32, #tpu.memory_space<hbm>>
        tpu.enqueue_dma source(%dma_start3A_187 : memref<1x32xf32, #tpu.memory_space<hbm>>) target(%dma_start3A_185 : memref<1x32xf32, #tpu.memory_space<vmem>>) target_semaphore(%arg18 : memref<!tpu.dma_semaphore, #tpu.memory_space<semaphore_mem>>)
        %slice3A_188 = vector.extract_strided_slice %get3A_24 {offsets = [4], sizes = [1], strides = [1]} : vector<16xi32> to vector<1xi32>
        %squeeze3A_189 = vector.extract %slice3A_188[0] : i32 from vector<1xi32>
        %slice3A_190 = vector.extract_strided_slice %get3A_30 {offsets = [4], sizes = [1], strides = [1]} : vector<16xi32> to vector<1xi32>
        %squeeze3A_191 = vector.extract %slice3A_190[0] : i32 from vector<1xi32>
        %mul3A_192 = arith.constant 16 : i32
        %mul3A_193 = arith.muli %scan3A_19, %mul3A_192 : i32
        %add3A_194 = arith.constant 4 : i32
        %add3A_195 = arith.addi %mul3A_193, %add3A_194 : i32
        %dma_start3A_196 = arith.constant 0 : i32
        %dma_start3A_197 = tpu.memref_slice %arg14[%add3A_195, %dma_start3A_196] : memref<128x32xf32, #tpu.memory_space<vmem>> -> memref<1x32xf32, #tpu.memory_space<vmem>>
        %dma_start3A_198 = arith.constant 0 : i32
        %dma_start3A_199 = tpu.memref_slice %arg4[%squeeze3A_189, %dma_start3A_198] : memref<1000000x32xf32, #tpu.memory_space<hbm>> -> memref<1x32xf32, #tpu.memory_space<hbm>>
        %dma_start3A_200 = arith.constant 0 : i32
        %dma_start3A_201 = tpu.memref_slice %arg14[%add3A_195, %dma_start3A_200] : memref<128x32xf32, #tpu.memory_space<vmem>> -> memref<1x32xf32, #tpu.memory_space<vmem>>
        %dma_start3A_202 = arith.constant 0 : i32
        %dma_start3A_203 = tpu.memref_slice %arg4[%squeeze3A_189, %dma_start3A_202] : memref<1000000x32xf32, #tpu.memory_space<hbm>> -> memref<1x32xf32, #tpu.memory_space<hbm>>
        tpu.enqueue_dma source(%dma_start3A_203 : memref<1x32xf32, #tpu.memory_space<hbm>>) target(%dma_start3A_201 : memref<1x32xf32, #tpu.memory_space<vmem>>) target_semaphore(%arg18 : memref<!tpu.dma_semaphore, #tpu.memory_space<semaphore_mem>>)
        %dma_start3A_204 = arith.constant 0 : i32
        %dma_start3A_205 = tpu.memref_slice %arg15[%add3A_195, %dma_start3A_204] : memref<128x32xf32, #tpu.memory_space<vmem>> -> memref<1x32xf32, #tpu.memory_space<vmem>>
        %dma_start3A_206 = arith.constant 0 : i32
        %dma_start3A_207 = tpu.memref_slice %arg5[%squeeze3A_191, %dma_start3A_206] : memref<1000000x32xf32, #tpu.memory_space<hbm>> -> memref<1x32xf32, #tpu.memory_space<hbm>>
        %dma_start3A_208 = arith.constant 0 : i32
        %dma_start3A_209 = tpu.memref_slice %arg15[%add3A_195, %dma_start3A_208] : memref<128x32xf32, #tpu.memory_space<vmem>> -> memref<1x32xf32, #tpu.memory_space<vmem>>
        %dma_start3A_210 = arith.constant 0 : i32
        %dma_start3A_211 = tpu.memref_slice %arg5[%squeeze3A_191, %dma_start3A_210] : memref<1000000x32xf32, #tpu.memory_space<hbm>> -> memref<1x32xf32, #tpu.memory_space<hbm>>
        tpu.enqueue_dma source(%dma_start3A_211 : memref<1x32xf32, #tpu.memory_space<hbm>>) target(%dma_start3A_209 : memref<1x32xf32, #tpu.memory_space<vmem>>) target_semaphore(%arg18 : memref<!tpu.dma_semaphore, #tpu.memory_space<semaphore_mem>>)
        %dma_start3A_212 = arith.constant 0 : i32
        %dma_start3A_213 = tpu.memref_slice %arg16[%add3A_195, %dma_start3A_212] : memref<128x32xf32, #tpu.memory_space<vmem>> -> memref<1x32xf32, #tpu.memory_space<vmem>>
        %dma_start3A_214 = arith.constant 0 : i32
        %dma_start3A_215 = tpu.memref_slice %arg6[%squeeze3A_189, %dma_start3A_214] : memref<1000000x32xf32, #tpu.memory_space<hbm>> -> memref<1x32xf32, #tpu.memory_space<hbm>>
        %dma_start3A_216 = arith.constant 0 : i32
        %dma_start3A_217 = tpu.memref_slice %arg16[%add3A_195, %dma_start3A_216] : memref<128x32xf32, #tpu.memory_space<vmem>> -> memref<1x32xf32, #tpu.memory_space<vmem>>
        %dma_start3A_218 = arith.constant 0 : i32
        %dma_start3A_219 = tpu.memref_slice %arg6[%squeeze3A_189, %dma_start3A_218] : memref<1000000x32xf32, #tpu.memory_space<hbm>> -> memref<1x32xf32, #tpu.memory_space<hbm>>
        tpu.enqueue_dma source(%dma_start3A_219 : memref<1x32xf32, #tpu.memory_space<hbm>>) target(%dma_start3A_217 : memref<1x32xf32, #tpu.memory_space<vmem>>) target_semaphore(%arg18 : memref<!tpu.dma_semaphore, #tpu.memory_space<semaphore_mem>>)
        %dma_start3A_220 = arith.constant 0 : i32
        %dma_start3A_221 = tpu.memref_slice %arg17[%add3A_195, %dma_start3A_220] : memref<128x32xf32, #tpu.memory_space<vmem>> -> memref<1x32xf32, #tpu.memory_space<vmem>>
        %dma_start3A_222 = arith.constant 0 : i32
        %dma_start3A_223 = tpu.memref_slice %arg7[%squeeze3A_191, %dma_start3A_222] : memref<1000000x32xf32, #tpu.memory_space<hbm>> -> memref<1x32xf32, #tpu.memory_space<hbm>>
        %dma_start3A_224 = arith.constant 0 : i32
        %dma_start3A_225 = tpu.memref_slice %arg17[%add3A_195, %dma_start3A_224] : memref<128x32xf32, #tpu.memory_space<vmem>> -> memref<1x32xf32, #tpu.memory_space<vmem>>
        %dma_start3A_226 = arith.constant 0 : i32
        %dma_start3A_227 = tpu.memref_slice %arg7[%squeeze3A_191, %dma_start3A_226] : memref<1000000x32xf32, #tpu.memory_space<hbm>> -> memref<1x32xf32, #tpu.memory_space<hbm>>
        tpu.enqueue_dma source(%dma_start3A_227 : memref<1x32xf32, #tpu.memory_space<hbm>>) target(%dma_start3A_225 : memref<1x32xf32, #tpu.memory_space<vmem>>) target_semaphore(%arg18 : memref<!tpu.dma_semaphore, #tpu.memory_space<semaphore_mem>>)
        %slice3A_228 = vector.extract_strided_slice %get3A_24 {offsets = [5], sizes = [1], strides = [1]} : vector<16xi32> to vector<1xi32>
        %squeeze3A_229 = vector.extract %slice3A_228[0] : i32 from vector<1xi32>
        %slice3A_230 = vector.extract_strided_slice %get3A_30 {offsets = [5], sizes = [1], strides = [1]} : vector<16xi32> to vector<1xi32>
        %squeeze3A_231 = vector.extract %slice3A_230[0] : i32 from vector<1xi32>
        %mul3A_232 = arith.constant 16 : i32
        %mul3A_233 = arith.muli %scan3A_19, %mul3A_232 : i32
        %add3A_234 = arith.constant 5 : i32
        %add3A_235 = arith.addi %mul3A_233, %add3A_234 : i32
        %dma_start3A_236 = arith.constant 0 : i32
        %dma_start3A_237 = tpu.memref_slice %arg14[%add3A_235, %dma_start3A_236] : memref<128x32xf32, #tpu.memory_space<vmem>> -> memref<1x32xf32, #tpu.memory_space<vmem>>
        %dma_start3A_238 = arith.constant 0 : i32
        %dma_start3A_239 = tpu.memref_slice %arg4[%squeeze3A_229, %dma_start3A_238] : memref<1000000x32xf32, #tpu.memory_space<hbm>> -> memref<1x32xf32, #tpu.memory_space<hbm>>
        %dma_start3A_240 = arith.constant 0 : i32
        %dma_start3A_241 = tpu.memref_slice %arg14[%add3A_235, %dma_start3A_240] : memref<128x32xf32, #tpu.memory_space<vmem>> -> memref<1x32xf32, #tpu.memory_space<vmem>>
        %dma_start3A_242 = arith.constant 0 : i32
        %dma_start3A_243 = tpu.memref_slice %arg4[%squeeze3A_229, %dma_start3A_242] : memref<1000000x32xf32, #tpu.memory_space<hbm>> -> memref<1x32xf32, #tpu.memory_space<hbm>>
        tpu.enqueue_dma source(%dma_start3A_243 : memref<1x32xf32, #tpu.memory_space<hbm>>) target(%dma_start3A_241 : memref<1x32xf32, #tpu.memory_space<vmem>>) target_semaphore(%arg18 : memref<!tpu.dma_semaphore, #tpu.memory_space<semaphore_mem>>)
        %dma_start3A_244 = arith.constant 0 : i32
        %dma_start3A_245 = tpu.memref_slice %arg15[%add3A_235, %dma_start3A_244] : memref<128x32xf32, #tpu.memory_space<vmem>> -> memref<1x32xf32, #tpu.memory_space<vmem>>
        %dma_start3A_246 = arith.constant 0 : i32
        %dma_start3A_247 = tpu.memref_slice %arg5[%squeeze3A_231, %dma_start3A_246] : memref<1000000x32xf32, #tpu.memory_space<hbm>> -> memref<1x32xf32, #tpu.memory_space<hbm>>
        %dma_start3A_248 = arith.constant 0 : i32
        %dma_start3A_249 = tpu.memref_slice %arg15[%add3A_235, %dma_start3A_248] : memref<128x32xf32, #tpu.memory_space<vmem>> -> memref<1x32xf32, #tpu.memory_space<vmem>>
        %dma_start3A_250 = arith.constant 0 : i32
        %dma_start3A_251 = tpu.memref_slice %arg5[%squeeze3A_231, %dma_start3A_250] : memref<1000000x32xf32, #tpu.memory_space<hbm>> -> memref<1x32xf32, #tpu.memory_space<hbm>>
        tpu.enqueue_dma source(%dma_start3A_251 : memref<1x32xf32, #tpu.memory_space<hbm>>) target(%dma_start3A_249 : memref<1x32xf32, #tpu.memory_space<vmem>>) target_semaphore(%arg18 : memref<!tpu.dma_semaphore, #tpu.memory_space<semaphore_mem>>)
        %dma_start3A_252 = arith.constant 0 : i32
        %dma_start3A_253 = tpu.memref_slice %arg16[%add3A_235, %dma_start3A_252] : memref<128x32xf32, #tpu.memory_space<vmem>> -> memref<1x32xf32, #tpu.memory_space<vmem>>
        %dma_start3A_254 = arith.constant 0 : i32
        %dma_start3A_255 = tpu.memref_slice %arg6[%squeeze3A_229, %dma_start3A_254] : memref<1000000x32xf32, #tpu.memory_space<hbm>> -> memref<1x32xf32, #tpu.memory_space<hbm>>
        %dma_start3A_256 = arith.constant 0 : i32
        %dma_start3A_257 = tpu.memref_slice %arg16[%add3A_235, %dma_start3A_256] : memref<128x32xf32, #tpu.memory_space<vmem>> -> memref<1x32xf32, #tpu.memory_space<vmem>>
        %dma_start3A_258 = arith.constant 0 : i32
        %dma_start3A_259 = tpu.memref_slice %arg6[%squeeze3A_229, %dma_start3A_258] : memref<1000000x32xf32, #tpu.memory_space<hbm>> -> memref<1x32xf32, #tpu.memory_space<hbm>>
        tpu.enqueue_dma source(%dma_start3A_259 : memref<1x32xf32, #tpu.memory_space<hbm>>) target(%dma_start3A_257 : memref<1x32xf32, #tpu.memory_space<vmem>>) target_semaphore(%arg18 : memref<!tpu.dma_semaphore, #tpu.memory_space<semaphore_mem>>)
        %dma_start3A_260 = arith.constant 0 : i32
        %dma_start3A_261 = tpu.memref_slice %arg17[%add3A_235, %dma_start3A_260] : memref<128x32xf32, #tpu.memory_space<vmem>> -> memref<1x32xf32, #tpu.memory_space<vmem>>
        %dma_start3A_262 = arith.constant 0 : i32
        %dma_start3A_263 = tpu.memref_slice %arg7[%squeeze3A_231, %dma_start3A_262] : memref<1000000x32xf32, #tpu.memory_space<hbm>> -> memref<1x32xf32, #tpu.memory_space<hbm>>
        %dma_start3A_264 = arith.constant 0 : i32
        %dma_start3A_265 = tpu.memref_slice %arg17[%add3A_235, %dma_start3A_264] : memref<128x32xf32, #tpu.memory_space<vmem>> -> memref<1x32xf32, #tpu.memory_space<vmem>>
        %dma_start3A_266 = arith.constant 0 : i32
        %dma_start3A_267 = tpu.memref_slice %arg7[%squeeze3A_231, %dma_start3A_266] : memref<1000000x32xf32, #tpu.memory_space<hbm>> -> memref<1x32xf32, #tpu.memory_space<hbm>>
        tpu.enqueue_dma source(%dma_start3A_267 : memref<1x32xf32, #tpu.memory_space<hbm>>) target(%dma_start3A_265 : memref<1x32xf32, #tpu.memory_space<vmem>>) target_semaphore(%arg18 : memref<!tpu.dma_semaphore, #tpu.memory_space<semaphore_mem>>)
        %slice3A_268 = vector.extract_strided_slice %get3A_24 {offsets = [6], sizes = [1], strides = [1]} : vector<16xi32> to vector<1xi32>
        %squeeze3A_269 = vector.extract %slice3A_268[0] : i32 from vector<1xi32>
        %slice3A_270 = vector.extract_strided_slice %get3A_30 {offsets = [6], sizes = [1], strides = [1]} : vector<16xi32> to vector<1xi32>
        %squeeze3A_271 = vector.extract %slice3A_270[0] : i32 from vector<1xi32>
        %mul3A_272 = arith.constant 16 : i32
        %mul3A_273 = arith.muli %scan3A_19, %mul3A_272 : i32
        %add3A_274 = arith.constant 6 : i32
        %add3A_275 = arith.addi %mul3A_273, %add3A_274 : i32
        %dma_start3A_276 = arith.constant 0 : i32
        %dma_start3A_277 = tpu.memref_slice %arg14[%add3A_275, %dma_start3A_276] : memref<128x32xf32, #tpu.memory_space<vmem>> -> memref<1x32xf32, #tpu.memory_space<vmem>>
        %dma_start3A_278 = arith.constant 0 : i32
        %dma_start3A_279 = tpu.memref_slice %arg4[%squeeze3A_269, %dma_start3A_278] : memref<1000000x32xf32, #tpu.memory_space<hbm>> -> memref<1x32xf32, #tpu.memory_space<hbm>>
        %dma_start3A_280 = arith.constant 0 : i32
        %dma_start3A_281 = tpu.memref_slice %arg14[%add3A_275, %dma_start3A_280] : memref<128x32xf32, #tpu.memory_space<vmem>> -> memref<1x32xf32, #tpu.memory_space<vmem>>
        %dma_start3A_282 = arith.constant 0 : i32
        %dma_start3A_283 = tpu.memref_slice %arg4[%squeeze3A_269, %dma_start3A_282] : memref<1000000x32xf32, #tpu.memory_space<hbm>> -> memref<1x32xf32, #tpu.memory_space<hbm>>
        tpu.enqueue_dma source(%dma_start3A_283 : memref<1x32xf32, #tpu.memory_space<hbm>>) target(%dma_start3A_281 : memref<1x32xf32, #tpu.memory_space<vmem>>) target_semaphore(%arg18 : memref<!tpu.dma_semaphore, #tpu.memory_space<semaphore_mem>>)
        %dma_start3A_284 = arith.constant 0 : i32
        %dma_start3A_285 = tpu.memref_slice %arg15[%add3A_275, %dma_start3A_284] : memref<128x32xf32, #tpu.memory_space<vmem>> -> memref<1x32xf32, #tpu.memory_space<vmem>>
        %dma_start3A_286 = arith.constant 0 : i32
        %dma_start3A_287 = tpu.memref_slice %arg5[%squeeze3A_271, %dma_start3A_286] : memref<1000000x32xf32, #tpu.memory_space<hbm>> -> memref<1x32xf32, #tpu.memory_space<hbm>>
        %dma_start3A_288 = arith.constant 0 : i32
        %dma_start3A_289 = tpu.memref_slice %arg15[%add3A_275, %dma_start3A_288] : memref<128x32xf32, #tpu.memory_space<vmem>> -> memref<1x32xf32, #tpu.memory_space<vmem>>
        %dma_start3A_290 = arith.constant 0 : i32
        %dma_start3A_291 = tpu.memref_slice %arg5[%squeeze3A_271, %dma_start3A_290] : memref<1000000x32xf32, #tpu.memory_space<hbm>> -> memref<1x32xf32, #tpu.memory_space<hbm>>
        tpu.enqueue_dma source(%dma_start3A_291 : memref<1x32xf32, #tpu.memory_space<hbm>>) target(%dma_start3A_289 : memref<1x32xf32, #tpu.memory_space<vmem>>) target_semaphore(%arg18 : memref<!tpu.dma_semaphore, #tpu.memory_space<semaphore_mem>>)
        %dma_start3A_292 = arith.constant 0 : i32
        %dma_start3A_293 = tpu.memref_slice %arg16[%add3A_275, %dma_start3A_292] : memref<128x32xf32, #tpu.memory_space<vmem>> -> memref<1x32xf32, #tpu.memory_space<vmem>>
        %dma_start3A_294 = arith.constant 0 : i32
        %dma_start3A_295 = tpu.memref_slice %arg6[%squeeze3A_269, %dma_start3A_294] : memref<1000000x32xf32, #tpu.memory_space<hbm>> -> memref<1x32xf32, #tpu.memory_space<hbm>>
        %dma_start3A_296 = arith.constant 0 : i32
        %dma_start3A_297 = tpu.memref_slice %arg16[%add3A_275, %dma_start3A_296] : memref<128x32xf32, #tpu.memory_space<vmem>> -> memref<1x32xf32, #tpu.memory_space<vmem>>
        %dma_start3A_298 = arith.constant 0 : i32
        %dma_start3A_299 = tpu.memref_slice %arg6[%squeeze3A_269, %dma_start3A_298] : memref<1000000x32xf32, #tpu.memory_space<hbm>> -> memref<1x32xf32, #tpu.memory_space<hbm>>
        tpu.enqueue_dma source(%dma_start3A_299 : memref<1x32xf32, #tpu.memory_space<hbm>>) target(%dma_start3A_297 : memref<1x32xf32, #tpu.memory_space<vmem>>) target_semaphore(%arg18 : memref<!tpu.dma_semaphore, #tpu.memory_space<semaphore_mem>>)
        %dma_start3A_300 = arith.constant 0 : i32
        %dma_start3A_301 = tpu.memref_slice %arg17[%add3A_275, %dma_start3A_300] : memref<128x32xf32, #tpu.memory_space<vmem>> -> memref<1x32xf32, #tpu.memory_space<vmem>>
        %dma_start3A_302 = arith.constant 0 : i32
        %dma_start3A_303 = tpu.memref_slice %arg7[%squeeze3A_271, %dma_start3A_302] : memref<1000000x32xf32, #tpu.memory_space<hbm>> -> memref<1x32xf32, #tpu.memory_space<hbm>>
        %dma_start3A_304 = arith.constant 0 : i32
        %dma_start3A_305 = tpu.memref_slice %arg17[%add3A_275, %dma_start3A_304] : memref<128x32xf32, #tpu.memory_space<vmem>> -> memref<1x32xf32, #tpu.memory_space<vmem>>
        %dma_start3A_306 = arith.constant 0 : i32
        %dma_start3A_307 = tpu.memref_slice %arg7[%squeeze3A_271, %dma_start3A_306] : memref<1000000x32xf32, #tpu.memory_space<hbm>> -> memref<1x32xf32, #tpu.memory_space<hbm>>
        tpu.enqueue_dma source(%dma_start3A_307 : memref<1x32xf32, #tpu.memory_space<hbm>>) target(%dma_start3A_305 : memref<1x32xf32, #tpu.memory_space<vmem>>) target_semaphore(%arg18 : memref<!tpu.dma_semaphore, #tpu.memory_space<semaphore_mem>>)
        %slice3A_308 = vector.extract_strided_slice %get3A_24 {offsets = [7], sizes = [1], strides = [1]} : vector<16xi32> to vector<1xi32>
        %squeeze3A_309 = vector.extract %slice3A_308[0] : i32 from vector<1xi32>
        %slice3A_310 = vector.extract_strided_slice %get3A_30 {offsets = [7], sizes = [1], strides = [1]} : vector<16xi32> to vector<1xi32>
        %squeeze3A_311 = vector.extract %slice3A_310[0] : i32 from vector<1xi32>
        %mul3A_312 = arith.constant 16 : i32
        %mul3A_313 = arith.muli %scan3A_19, %mul3A_312 : i32
        %add3A_314 = arith.constant 7 : i32
        %add3A_315 = arith.addi %mul3A_313, %add3A_314 : i32
        %dma_start3A_316 = arith.constant 0 : i32
        %dma_start3A_317 = tpu.memref_slice %arg14[%add3A_315, %dma_start3A_316] : memref<128x32xf32, #tpu.memory_space<vmem>> -> memref<1x32xf32, #tpu.memory_space<vmem>>
        %dma_start3A_318 = arith.constant 0 : i32
        %dma_start3A_319 = tpu.memref_slice %arg4[%squeeze3A_309, %dma_start3A_318] : memref<1000000x32xf32, #tpu.memory_space<hbm>> -> memref<1x32xf32, #tpu.memory_space<hbm>>
        %dma_start3A_320 = arith.constant 0 : i32
        %dma_start3A_321 = tpu.memref_slice %arg14[%add3A_315, %dma_start3A_320] : memref<128x32xf32, #tpu.memory_space<vmem>> -> memref<1x32xf32, #tpu.memory_space<vmem>>
        %dma_start3A_322 = arith.constant 0 : i32
        %dma_start3A_323 = tpu.memref_slice %arg4[%squeeze3A_309, %dma_start3A_322] : memref<1000000x32xf32, #tpu.memory_space<hbm>> -> memref<1x32xf32, #tpu.memory_space<hbm>>
        tpu.enqueue_dma source(%dma_start3A_323 : memref<1x32xf32, #tpu.memory_space<hbm>>) target(%dma_start3A_321 : memref<1x32xf32, #tpu.memory_space<vmem>>) target_semaphore(%arg18 : memref<!tpu.dma_semaphore, #tpu.memory_space<semaphore_mem>>)
        %dma_start3A_324 = arith.constant 0 : i32
        %dma_start3A_325 = tpu.memref_slice %arg15[%add3A_315, %dma_start3A_324] : memref<128x32xf32, #tpu.memory_space<vmem>> -> memref<1x32xf32, #tpu.memory_space<vmem>>
        %dma_start3A_326 = arith.constant 0 : i32
        %dma_start3A_327 = tpu.memref_slice %arg5[%squeeze3A_311, %dma_start3A_326] : memref<1000000x32xf32, #tpu.memory_space<hbm>> -> memref<1x32xf32, #tpu.memory_space<hbm>>
        %dma_start3A_328 = arith.constant 0 : i32
        %dma_start3A_329 = tpu.memref_slice %arg15[%add3A_315, %dma_start3A_328] : memref<128x32xf32, #tpu.memory_space<vmem>> -> memref<1x32xf32, #tpu.memory_space<vmem>>
        %dma_start3A_330 = arith.constant 0 : i32
        %dma_start3A_331 = tpu.memref_slice %arg5[%squeeze3A_311, %dma_start3A_330] : memref<1000000x32xf32, #tpu.memory_space<hbm>> -> memref<1x32xf32, #tpu.memory_space<hbm>>
        tpu.enqueue_dma source(%dma_start3A_331 : memref<1x32xf32, #tpu.memory_space<hbm>>) target(%dma_start3A_329 : memref<1x32xf32, #tpu.memory_space<vmem>>) target_semaphore(%arg18 : memref<!tpu.dma_semaphore, #tpu.memory_space<semaphore_mem>>)
        %dma_start3A_332 = arith.constant 0 : i32
        %dma_start3A_333 = tpu.memref_slice %arg16[%add3A_315, %dma_start3A_332] : memref<128x32xf32, #tpu.memory_space<vmem>> -> memref<1x32xf32, #tpu.memory_space<vmem>>
        %dma_start3A_334 = arith.constant 0 : i32
        %dma_start3A_335 = tpu.memref_slice %arg6[%squeeze3A_309, %dma_start3A_334] : memref<1000000x32xf32, #tpu.memory_space<hbm>> -> memref<1x32xf32, #tpu.memory_space<hbm>>
        %dma_start3A_336 = arith.constant 0 : i32
        %dma_start3A_337 = tpu.memref_slice %arg16[%add3A_315, %dma_start3A_336] : memref<128x32xf32, #tpu.memory_space<vmem>> -> memref<1x32xf32, #tpu.memory_space<vmem>>
        %dma_start3A_338 = arith.constant 0 : i32
        %dma_start3A_339 = tpu.memref_slice %arg6[%squeeze3A_309, %dma_start3A_338] : memref<1000000x32xf32, #tpu.memory_space<hbm>> -> memref<1x32xf32, #tpu.memory_space<hbm>>
        tpu.enqueue_dma source(%dma_start3A_339 : memref<1x32xf32, #tpu.memory_space<hbm>>) target(%dma_start3A_337 : memref<1x32xf32, #tpu.memory_space<vmem>>) target_semaphore(%arg18 : memref<!tpu.dma_semaphore, #tpu.memory_space<semaphore_mem>>)
        %dma_start3A_340 = arith.constant 0 : i32
        %dma_start3A_341 = tpu.memref_slice %arg17[%add3A_315, %dma_start3A_340] : memref<128x32xf32, #tpu.memory_space<vmem>> -> memref<1x32xf32, #tpu.memory_space<vmem>>
        %dma_start3A_342 = arith.constant 0 : i32
        %dma_start3A_343 = tpu.memref_slice %arg7[%squeeze3A_311, %dma_start3A_342] : memref<1000000x32xf32, #tpu.memory_space<hbm>> -> memref<1x32xf32, #tpu.memory_space<hbm>>
        %dma_start3A_344 = arith.constant 0 : i32
        %dma_start3A_345 = tpu.memref_slice %arg17[%add3A_315, %dma_start3A_344] : memref<128x32xf32, #tpu.memory_space<vmem>> -> memref<1x32xf32, #tpu.memory_space<vmem>>
        %dma_start3A_346 = arith.constant 0 : i32
        %dma_start3A_347 = tpu.memref_slice %arg7[%squeeze3A_311, %dma_start3A_346] : memref<1000000x32xf32, #tpu.memory_space<hbm>> -> memref<1x32xf32, #tpu.memory_space<hbm>>
        tpu.enqueue_dma source(%dma_start3A_347 : memref<1x32xf32, #tpu.memory_space<hbm>>) target(%dma_start3A_345 : memref<1x32xf32, #tpu.memory_space<vmem>>) target_semaphore(%arg18 : memref<!tpu.dma_semaphore, #tpu.memory_space<semaphore_mem>>)
        %slice3A_348 = vector.extract_strided_slice %get3A_24 {offsets = [8], sizes = [1], strides = [1]} : vector<16xi32> to vector<1xi32>
        %squeeze3A_349 = vector.extract %slice3A_348[0] : i32 from vector<1xi32>
        %slice3A_350 = vector.extract_strided_slice %get3A_30 {offsets = [8], sizes = [1], strides = [1]} : vector<16xi32> to vector<1xi32>
        %squeeze3A_351 = vector.extract %slice3A_350[0] : i32 from vector<1xi32>
        %mul3A_352 = arith.constant 16 : i32
        %mul3A_353 = arith.muli %scan3A_19, %mul3A_352 : i32
        %add3A_354 = arith.constant 8 : i32
        %add3A_355 = arith.addi %mul3A_353, %add3A_354 : i32
        %dma_start3A_356 = arith.constant 0 : i32
        %dma_start3A_357 = tpu.memref_slice %arg14[%add3A_355, %dma_start3A_356] : memref<128x32xf32, #tpu.memory_space<vmem>> -> memref<1x32xf32, #tpu.memory_space<vmem>>
        %dma_start3A_358 = arith.constant 0 : i32
        %dma_start3A_359 = tpu.memref_slice %arg4[%squeeze3A_349, %dma_start3A_358] : memref<1000000x32xf32, #tpu.memory_space<hbm>> -> memref<1x32xf32, #tpu.memory_space<hbm>>
        %dma_start3A_360 = arith.constant 0 : i32
        %dma_start3A_361 = tpu.memref_slice %arg14[%add3A_355, %dma_start3A_360] : memref<128x32xf32, #tpu.memory_space<vmem>> -> memref<1x32xf32, #tpu.memory_space<vmem>>
        %dma_start3A_362 = arith.constant 0 : i32
        %dma_start3A_363 = tpu.memref_slice %arg4[%squeeze3A_349, %dma_start3A_362] : memref<1000000x32xf32, #tpu.memory_space<hbm>> -> memref<1x32xf32, #tpu.memory_space<hbm>>
        tpu.enqueue_dma source(%dma_start3A_363 : memref<1x32xf32, #tpu.memory_space<hbm>>) target(%dma_start3A_361 : memref<1x32xf32, #tpu.memory_space<vmem>>) target_semaphore(%arg18 : memref<!tpu.dma_semaphore, #tpu.memory_space<semaphore_mem>>)
        %dma_start3A_364 = arith.constant 0 : i32
        %dma_start3A_365 = tpu.memref_slice %arg15[%add3A_355, %dma_start3A_364] : memref<128x32xf32, #tpu.memory_space<vmem>> -> memref<1x32xf32, #tpu.memory_space<vmem>>
        %dma_start3A_366 = arith.constant 0 : i32
        %dma_start3A_367 = tpu.memref_slice %arg5[%squeeze3A_351, %dma_start3A_366] : memref<1000000x32xf32, #tpu.memory_space<hbm>> -> memref<1x32xf32, #tpu.memory_space<hbm>>
        %dma_start3A_368 = arith.constant 0 : i32
        %dma_start3A_369 = tpu.memref_slice %arg15[%add3A_355, %dma_start3A_368] : memref<128x32xf32, #tpu.memory_space<vmem>> -> memref<1x32xf32, #tpu.memory_space<vmem>>
        %dma_start3A_370 = arith.constant 0 : i32
        %dma_start3A_371 = tpu.memref_slice %arg5[%squeeze3A_351, %dma_start3A_370] : memref<1000000x32xf32, #tpu.memory_space<hbm>> -> memref<1x32xf32, #tpu.memory_space<hbm>>
        tpu.enqueue_dma source(%dma_start3A_371 : memref<1x32xf32, #tpu.memory_space<hbm>>) target(%dma_start3A_369 : memref<1x32xf32, #tpu.memory_space<vmem>>) target_semaphore(%arg18 : memref<!tpu.dma_semaphore, #tpu.memory_space<semaphore_mem>>)
        %dma_start3A_372 = arith.constant 0 : i32
        %dma_start3A_373 = tpu.memref_slice %arg16[%add3A_355, %dma_start3A_372] : memref<128x32xf32, #tpu.memory_space<vmem>> -> memref<1x32xf32, #tpu.memory_space<vmem>>
        %dma_start3A_374 = arith.constant 0 : i32
        %dma_start3A_375 = tpu.memref_slice %arg6[%squeeze3A_349, %dma_start3A_374] : memref<1000000x32xf32, #tpu.memory_space<hbm>> -> memref<1x32xf32, #tpu.memory_space<hbm>>
        %dma_start3A_376 = arith.constant 0 : i32
        %dma_start3A_377 = tpu.memref_slice %arg16[%add3A_355, %dma_start3A_376] : memref<128x32xf32, #tpu.memory_space<vmem>> -> memref<1x32xf32, #tpu.memory_space<vmem>>
        %dma_start3A_378 = arith.constant 0 : i32
        %dma_start3A_379 = tpu.memref_slice %arg6[%squeeze3A_349, %dma_start3A_378] : memref<1000000x32xf32, #tpu.memory_space<hbm>> -> memref<1x32xf32, #tpu.memory_space<hbm>>
        tpu.enqueue_dma source(%dma_start3A_379 : memref<1x32xf32, #tpu.memory_space<hbm>>) target(%dma_start3A_377 : memref<1x32xf32, #tpu.memory_space<vmem>>) target_semaphore(%arg18 : memref<!tpu.dma_semaphore, #tpu.memory_space<semaphore_mem>>)
        %dma_start3A_380 = arith.constant 0 : i32
        %dma_start3A_381 = tpu.memref_slice %arg17[%add3A_355, %dma_start3A_380] : memref<128x32xf32, #tpu.memory_space<vmem>> -> memref<1x32xf32, #tpu.memory_space<vmem>>
        %dma_start3A_382 = arith.constant 0 : i32
        %dma_start3A_383 = tpu.memref_slice %arg7[%squeeze3A_351, %dma_start3A_382] : memref<1000000x32xf32, #tpu.memory_space<hbm>> -> memref<1x32xf32, #tpu.memory_space<hbm>>
        %dma_start3A_384 = arith.constant 0 : i32
        %dma_start3A_385 = tpu.memref_slice %arg17[%add3A_355, %dma_start3A_384] : memref<128x32xf32, #tpu.memory_space<vmem>> -> memref<1x32xf32, #tpu.memory_space<vmem>>
        %dma_start3A_386 = arith.constant 0 : i32
        %dma_start3A_387 = tpu.memref_slice %arg7[%squeeze3A_351, %dma_start3A_386] : memref<1000000x32xf32, #tpu.memory_space<hbm>> -> memref<1x32xf32, #tpu.memory_space<hbm>>
        tpu.enqueue_dma source(%dma_start3A_387 : memref<1x32xf32, #tpu.memory_space<hbm>>) target(%dma_start3A_385 : memref<1x32xf32, #tpu.memory_space<vmem>>) target_semaphore(%arg18 : memref<!tpu.dma_semaphore, #tpu.memory_space<semaphore_mem>>)
        %slice3A_388 = vector.extract_strided_slice %get3A_24 {offsets = [9], sizes = [1], strides = [1]} : vector<16xi32> to vector<1xi32>
        %squeeze3A_389 = vector.extract %slice3A_388[0] : i32 from vector<1xi32>
        %slice3A_390 = vector.extract_strided_slice %get3A_30 {offsets = [9], sizes = [1], strides = [1]} : vector<16xi32> to vector<1xi32>
        %squeeze3A_391 = vector.extract %slice3A_390[0] : i32 from vector<1xi32>
        %mul3A_392 = arith.constant 16 : i32
        %mul3A_393 = arith.muli %scan3A_19, %mul3A_392 : i32
        %add3A_394 = arith.constant 9 : i32
        %add3A_395 = arith.addi %mul3A_393, %add3A_394 : i32
        %dma_start3A_396 = arith.constant 0 : i32
        %dma_start3A_397 = tpu.memref_slice %arg14[%add3A_395, %dma_start3A_396] : memref<128x32xf32, #tpu.memory_space<vmem>> -> memref<1x32xf32, #tpu.memory_space<vmem>>
        %dma_start3A_398 = arith.constant 0 : i32
        %dma_start3A_399 = tpu.memref_slice %arg4[%squeeze3A_389, %dma_start3A_398] : memref<1000000x32xf32, #tpu.memory_space<hbm>> -> memref<1x32xf32, #tpu.memory_space<hbm>>
        %dma_start3A_400 = arith.constant 0 : i32
        %dma_start3A_401 = tpu.memref_slice %arg14[%add3A_395, %dma_start3A_400] : memref<128x32xf32, #tpu.memory_space<vmem>> -> memref<1x32xf32, #tpu.memory_space<vmem>>
        %dma_start3A_402 = arith.constant 0 : i32
        %dma_start3A_403 = tpu.memref_slice %arg4[%squeeze3A_389, %dma_start3A_402] : memref<1000000x32xf32, #tpu.memory_space<hbm>> -> memref<1x32xf32, #tpu.memory_space<hbm>>
        tpu.enqueue_dma source(%dma_start3A_403 : memref<1x32xf32, #tpu.memory_space<hbm>>) target(%dma_start3A_401 : memref<1x32xf32, #tpu.memory_space<vmem>>) target_semaphore(%arg18 : memref<!tpu.dma_semaphore, #tpu.memory_space<semaphore_mem>>)
        %dma_start3A_404 = arith.constant 0 : i32
        %dma_start3A_405 = tpu.memref_slice %arg15[%add3A_395, %dma_start3A_404] : memref<128x32xf32, #tpu.memory_space<vmem>> -> memref<1x32xf32, #tpu.memory_space<vmem>>
        %dma_start3A_406 = arith.constant 0 : i32
        %dma_start3A_407 = tpu.memref_slice %arg5[%squeeze3A_391, %dma_start3A_406] : memref<1000000x32xf32, #tpu.memory_space<hbm>> -> memref<1x32xf32, #tpu.memory_space<hbm>>
        %dma_start3A_408 = arith.constant 0 : i32
        %dma_start3A_409 = tpu.memref_slice %arg15[%add3A_395, %dma_start3A_408] : memref<128x32xf32, #tpu.memory_space<vmem>> -> memref<1x32xf32, #tpu.memory_space<vmem>>
        %dma_start3A_410 = arith.constant 0 : i32
        %dma_start3A_411 = tpu.memref_slice %arg5[%squeeze3A_391, %dma_start3A_410] : memref<1000000x32xf32, #tpu.memory_space<hbm>> -> memref<1x32xf32, #tpu.memory_space<hbm>>
        tpu.enqueue_dma source(%dma_start3A_411 : memref<1x32xf32, #tpu.memory_space<hbm>>) target(%dma_start3A_409 : memref<1x32xf32, #tpu.memory_space<vmem>>) target_semaphore(%arg18 : memref<!tpu.dma_semaphore, #tpu.memory_space<semaphore_mem>>)
        %dma_start3A_412 = arith.constant 0 : i32
        %dma_start3A_413 = tpu.memref_slice %arg16[%add3A_395, %dma_start3A_412] : memref<128x32xf32, #tpu.memory_space<vmem>> -> memref<1x32xf32, #tpu.memory_space<vmem>>
        %dma_start3A_414 = arith.constant 0 : i32
        %dma_start3A_415 = tpu.memref_slice %arg6[%squeeze3A_389, %dma_start3A_414] : memref<1000000x32xf32, #tpu.memory_space<hbm>> -> memref<1x32xf32, #tpu.memory_space<hbm>>
        %dma_start3A_416 = arith.constant 0 : i32
        %dma_start3A_417 = tpu.memref_slice %arg16[%add3A_395, %dma_start3A_416] : memref<128x32xf32, #tpu.memory_space<vmem>> -> memref<1x32xf32, #tpu.memory_space<vmem>>
        %dma_start3A_418 = arith.constant 0 : i32
        %dma_start3A_419 = tpu.memref_slice %arg6[%squeeze3A_389, %dma_start3A_418] : memref<1000000x32xf32, #tpu.memory_space<hbm>> -> memref<1x32xf32, #tpu.memory_space<hbm>>
        tpu.enqueue_dma source(%dma_start3A_419 : memref<1x32xf32, #tpu.memory_space<hbm>>) target(%dma_start3A_417 : memref<1x32xf32, #tpu.memory_space<vmem>>) target_semaphore(%arg18 : memref<!tpu.dma_semaphore, #tpu.memory_space<semaphore_mem>>)
        %dma_start3A_420 = arith.constant 0 : i32
        %dma_start3A_421 = tpu.memref_slice %arg17[%add3A_395, %dma_start3A_420] : memref<128x32xf32, #tpu.memory_space<vmem>> -> memref<1x32xf32, #tpu.memory_space<vmem>>
        %dma_start3A_422 = arith.constant 0 : i32
        %dma_start3A_423 = tpu.memref_slice %arg7[%squeeze3A_391, %dma_start3A_422] : memref<1000000x32xf32, #tpu.memory_space<hbm>> -> memref<1x32xf32, #tpu.memory_space<hbm>>
        %dma_start3A_424 = arith.constant 0 : i32
        %dma_start3A_425 = tpu.memref_slice %arg17[%add3A_395, %dma_start3A_424] : memref<128x32xf32, #tpu.memory_space<vmem>> -> memref<1x32xf32, #tpu.memory_space<vmem>>
        %dma_start3A_426 = arith.constant 0 : i32
        %dma_start3A_427 = tpu.memref_slice %arg7[%squeeze3A_391, %dma_start3A_426] : memref<1000000x32xf32, #tpu.memory_space<hbm>> -> memref<1x32xf32, #tpu.memory_space<hbm>>
        tpu.enqueue_dma source(%dma_start3A_427 : memref<1x32xf32, #tpu.memory_space<hbm>>) target(%dma_start3A_425 : memref<1x32xf32, #tpu.memory_space<vmem>>) target_semaphore(%arg18 : memref<!tpu.dma_semaphore, #tpu.memory_space<semaphore_mem>>)
        %slice3A_428 = vector.extract_strided_slice %get3A_24 {offsets = [10], sizes = [1], strides = [1]} : vector<16xi32> to vector<1xi32>
        %squeeze3A_429 = vector.extract %slice3A_428[0] : i32 from vector<1xi32>
        %slice3A_430 = vector.extract_strided_slice %get3A_30 {offsets = [10], sizes = [1], strides = [1]} : vector<16xi32> to vector<1xi32>
        %squeeze3A_431 = vector.extract %slice3A_430[0] : i32 from vector<1xi32>
        %mul3A_432 = arith.constant 16 : i32
        %mul3A_433 = arith.muli %scan3A_19, %mul3A_432 : i32
        %add3A_434 = arith.constant 10 : i32
        %add3A_435 = arith.addi %mul3A_433, %add3A_434 : i32
        %dma_start3A_436 = arith.constant 0 : i32
        %dma_start3A_437 = tpu.memref_slice %arg14[%add3A_435, %dma_start3A_436] : memref<128x32xf32, #tpu.memory_space<vmem>> -> memref<1x32xf32, #tpu.memory_space<vmem>>
        %dma_start3A_438 = arith.constant 0 : i32
        %dma_start3A_439 = tpu.memref_slice %arg4[%squeeze3A_429, %dma_start3A_438] : memref<1000000x32xf32, #tpu.memory_space<hbm>> -> memref<1x32xf32, #tpu.memory_space<hbm>>
        %dma_start3A_440 = arith.constant 0 : i32
        %dma_start3A_441 = tpu.memref_slice %arg14[%add3A_435, %dma_start3A_440] : memref<128x32xf32, #tpu.memory_space<vmem>> -> memref<1x32xf32, #tpu.memory_space<vmem>>
        %dma_start3A_442 = arith.constant 0 : i32
        %dma_start3A_443 = tpu.memref_slice %arg4[%squeeze3A_429, %dma_start3A_442] : memref<1000000x32xf32, #tpu.memory_space<hbm>> -> memref<1x32xf32, #tpu.memory_space<hbm>>
        tpu.enqueue_dma source(%dma_start3A_443 : memref<1x32xf32, #tpu.memory_space<hbm>>) target(%dma_start3A_441 : memref<1x32xf32, #tpu.memory_space<vmem>>) target_semaphore(%arg18 : memref<!tpu.dma_semaphore, #tpu.memory_space<semaphore_mem>>)
        %dma_start3A_444 = arith.constant 0 : i32
        %dma_start3A_445 = tpu.memref_slice %arg15[%add3A_435, %dma_start3A_444] : memref<128x32xf32, #tpu.memory_space<vmem>> -> memref<1x32xf32, #tpu.memory_space<vmem>>
        %dma_start3A_446 = arith.constant 0 : i32
        %dma_start3A_447 = tpu.memref_slice %arg5[%squeeze3A_431, %dma_start3A_446] : memref<1000000x32xf32, #tpu.memory_space<hbm>> -> memref<1x32xf32, #tpu.memory_space<hbm>>
        %dma_start3A_448 = arith.constant 0 : i32
        %dma_start3A_449 = tpu.memref_slice %arg15[%add3A_435, %dma_start3A_448] : memref<128x32xf32, #tpu.memory_space<vmem>> -> memref<1x32xf32, #tpu.memory_space<vmem>>
        %dma_start3A_450 = arith.constant 0 : i32
        %dma_start3A_451 = tpu.memref_slice %arg5[%squeeze3A_431, %dma_start3A_450] : memref<1000000x32xf32, #tpu.memory_space<hbm>> -> memref<1x32xf32, #tpu.memory_space<hbm>>
        tpu.enqueue_dma source(%dma_start3A_451 : memref<1x32xf32, #tpu.memory_space<hbm>>) target(%dma_start3A_449 : memref<1x32xf32, #tpu.memory_space<vmem>>) target_semaphore(%arg18 : memref<!tpu.dma_semaphore, #tpu.memory_space<semaphore_mem>>)
        %dma_start3A_452 = arith.constant 0 : i32
        %dma_start3A_453 = tpu.memref_slice %arg16[%add3A_435, %dma_start3A_452] : memref<128x32xf32, #tpu.memory_space<vmem>> -> memref<1x32xf32, #tpu.memory_space<vmem>>
        %dma_start3A_454 = arith.constant 0 : i32
        %dma_start3A_455 = tpu.memref_slice %arg6[%squeeze3A_429, %dma_start3A_454] : memref<1000000x32xf32, #tpu.memory_space<hbm>> -> memref<1x32xf32, #tpu.memory_space<hbm>>
        %dma_start3A_456 = arith.constant 0 : i32
        %dma_start3A_457 = tpu.memref_slice %arg16[%add3A_435, %dma_start3A_456] : memref<128x32xf32, #tpu.memory_space<vmem>> -> memref<1x32xf32, #tpu.memory_space<vmem>>
        %dma_start3A_458 = arith.constant 0 : i32
        %dma_start3A_459 = tpu.memref_slice %arg6[%squeeze3A_429, %dma_start3A_458] : memref<1000000x32xf32, #tpu.memory_space<hbm>> -> memref<1x32xf32, #tpu.memory_space<hbm>>
        tpu.enqueue_dma source(%dma_start3A_459 : memref<1x32xf32, #tpu.memory_space<hbm>>) target(%dma_start3A_457 : memref<1x32xf32, #tpu.memory_space<vmem>>) target_semaphore(%arg18 : memref<!tpu.dma_semaphore, #tpu.memory_space<semaphore_mem>>)
        %dma_start3A_460 = arith.constant 0 : i32
        %dma_start3A_461 = tpu.memref_slice %arg17[%add3A_435, %dma_start3A_460] : memref<128x32xf32, #tpu.memory_space<vmem>> -> memref<1x32xf32, #tpu.memory_space<vmem>>
        %dma_start3A_462 = arith.constant 0 : i32
        %dma_start3A_463 = tpu.memref_slice %arg7[%squeeze3A_431, %dma_start3A_462] : memref<1000000x32xf32, #tpu.memory_space<hbm>> -> memref<1x32xf32, #tpu.memory_space<hbm>>
        %dma_start3A_464 = arith.constant 0 : i32
        %dma_start3A_465 = tpu.memref_slice %arg17[%add3A_435, %dma_start3A_464] : memref<128x32xf32, #tpu.memory_space<vmem>> -> memref<1x32xf32, #tpu.memory_space<vmem>>
        %dma_start3A_466 = arith.constant 0 : i32
        %dma_start3A_467 = tpu.memref_slice %arg7[%squeeze3A_431, %dma_start3A_466] : memref<1000000x32xf32, #tpu.memory_space<hbm>> -> memref<1x32xf32, #tpu.memory_space<hbm>>
        tpu.enqueue_dma source(%dma_start3A_467 : memref<1x32xf32, #tpu.memory_space<hbm>>) target(%dma_start3A_465 : memref<1x32xf32, #tpu.memory_space<vmem>>) target_semaphore(%arg18 : memref<!tpu.dma_semaphore, #tpu.memory_space<semaphore_mem>>)
        %slice3A_468 = vector.extract_strided_slice %get3A_24 {offsets = [11], sizes = [1], strides = [1]} : vector<16xi32> to vector<1xi32>
        %squeeze3A_469 = vector.extract %slice3A_468[0] : i32 from vector<1xi32>
        %slice3A_470 = vector.extract_strided_slice %get3A_30 {offsets = [11], sizes = [1], strides = [1]} : vector<16xi32> to vector<1xi32>
        %squeeze3A_471 = vector.extract %slice3A_470[0] : i32 from vector<1xi32>
        %mul3A_472 = arith.constant 16 : i32
        %mul3A_473 = arith.muli %scan3A_19, %mul3A_472 : i32
        %add3A_474 = arith.constant 11 : i32
        %add3A_475 = arith.addi %mul3A_473, %add3A_474 : i32
        %dma_start3A_476 = arith.constant 0 : i32
        %dma_start3A_477 = tpu.memref_slice %arg14[%add3A_475, %dma_start3A_476] : memref<128x32xf32, #tpu.memory_space<vmem>> -> memref<1x32xf32, #tpu.memory_space<vmem>>
        %dma_start3A_478 = arith.constant 0 : i32
        %dma_start3A_479 = tpu.memref_slice %arg4[%squeeze3A_469, %dma_start3A_478] : memref<1000000x32xf32, #tpu.memory_space<hbm>> -> memref<1x32xf32, #tpu.memory_space<hbm>>
        %dma_start3A_480 = arith.constant 0 : i32
        %dma_start3A_481 = tpu.memref_slice %arg14[%add3A_475, %dma_start3A_480] : memref<128x32xf32, #tpu.memory_space<vmem>> -> memref<1x32xf32, #tpu.memory_space<vmem>>
        %dma_start3A_482 = arith.constant 0 : i32
        %dma_start3A_483 = tpu.memref_slice %arg4[%squeeze3A_469, %dma_start3A_482] : memref<1000000x32xf32, #tpu.memory_space<hbm>> -> memref<1x32xf32, #tpu.memory_space<hbm>>
        tpu.enqueue_dma source(%dma_start3A_483 : memref<1x32xf32, #tpu.memory_space<hbm>>) target(%dma_start3A_481 : memref<1x32xf32, #tpu.memory_space<vmem>>) target_semaphore(%arg18 : memref<!tpu.dma_semaphore, #tpu.memory_space<semaphore_mem>>)
        %dma_start3A_484 = arith.constant 0 : i32
        %dma_start3A_485 = tpu.memref_slice %arg15[%add3A_475, %dma_start3A_484] : memref<128x32xf32, #tpu.memory_space<vmem>> -> memref<1x32xf32, #tpu.memory_space<vmem>>
        %dma_start3A_486 = arith.constant 0 : i32
        %dma_start3A_487 = tpu.memref_slice %arg5[%squeeze3A_471, %dma_start3A_486] : memref<1000000x32xf32, #tpu.memory_space<hbm>> -> memref<1x32xf32, #tpu.memory_space<hbm>>
        %dma_start3A_488 = arith.constant 0 : i32
        %dma_start3A_489 = tpu.memref_slice %arg15[%add3A_475, %dma_start3A_488] : memref<128x32xf32, #tpu.memory_space<vmem>> -> memref<1x32xf32, #tpu.memory_space<vmem>>
        %dma_start3A_490 = arith.constant 0 : i32
        %dma_start3A_491 = tpu.memref_slice %arg5[%squeeze3A_471, %dma_start3A_490] : memref<1000000x32xf32, #tpu.memory_space<hbm>> -> memref<1x32xf32, #tpu.memory_space<hbm>>
        tpu.enqueue_dma source(%dma_start3A_491 : memref<1x32xf32, #tpu.memory_space<hbm>>) target(%dma_start3A_489 : memref<1x32xf32, #tpu.memory_space<vmem>>) target_semaphore(%arg18 : memref<!tpu.dma_semaphore, #tpu.memory_space<semaphore_mem>>)
        %dma_start3A_492 = arith.constant 0 : i32
        %dma_start3A_493 = tpu.memref_slice %arg16[%add3A_475, %dma_start3A_492] : memref<128x32xf32, #tpu.memory_space<vmem>> -> memref<1x32xf32, #tpu.memory_space<vmem>>
        %dma_start3A_494 = arith.constant 0 : i32
        %dma_start3A_495 = tpu.memref_slice %arg6[%squeeze3A_469, %dma_start3A_494] : memref<1000000x32xf32, #tpu.memory_space<hbm>> -> memref<1x32xf32, #tpu.memory_space<hbm>>
        %dma_start3A_496 = arith.constant 0 : i32
        %dma_start3A_497 = tpu.memref_slice %arg16[%add3A_475, %dma_start3A_496] : memref<128x32xf32, #tpu.memory_space<vmem>> -> memref<1x32xf32, #tpu.memory_space<vmem>>
        %dma_start3A_498 = arith.constant 0 : i32
        %dma_start3A_499 = tpu.memref_slice %arg6[%squeeze3A_469, %dma_start3A_498] : memref<1000000x32xf32, #tpu.memory_space<hbm>> -> memref<1x32xf32, #tpu.memory_space<hbm>>
        tpu.enqueue_dma source(%dma_start3A_499 : memref<1x32xf32, #tpu.memory_space<hbm>>) target(%dma_start3A_497 : memref<1x32xf32, #tpu.memory_space<vmem>>) target_semaphore(%arg18 : memref<!tpu.dma_semaphore, #tpu.memory_space<semaphore_mem>>)
        %dma_start3A_500 = arith.constant 0 : i32
        %dma_start3A_501 = tpu.memref_slice %arg17[%add3A_475, %dma_start3A_500] : memref<128x32xf32, #tpu.memory_space<vmem>> -> memref<1x32xf32, #tpu.memory_space<vmem>>
        %dma_start3A_502 = arith.constant 0 : i32
        %dma_start3A_503 = tpu.memref_slice %arg7[%squeeze3A_471, %dma_start3A_502] : memref<1000000x32xf32, #tpu.memory_space<hbm>> -> memref<1x32xf32, #tpu.memory_space<hbm>>
        %dma_start3A_504 = arith.constant 0 : i32
        %dma_start3A_505 = tpu.memref_slice %arg17[%add3A_475, %dma_start3A_504] : memref<128x32xf32, #tpu.memory_space<vmem>> -> memref<1x32xf32, #tpu.memory_space<vmem>>
        %dma_start3A_506 = arith.constant 0 : i32
        %dma_start3A_507 = tpu.memref_slice %arg7[%squeeze3A_471, %dma_start3A_506] : memref<1000000x32xf32, #tpu.memory_space<hbm>> -> memref<1x32xf32, #tpu.memory_space<hbm>>
        tpu.enqueue_dma source(%dma_start3A_507 : memref<1x32xf32, #tpu.memory_space<hbm>>) target(%dma_start3A_505 : memref<1x32xf32, #tpu.memory_space<vmem>>) target_semaphore(%arg18 : memref<!tpu.dma_semaphore, #tpu.memory_space<semaphore_mem>>)
        %slice3A_508 = vector.extract_strided_slice %get3A_24 {offsets = [12], sizes = [1], strides = [1]} : vector<16xi32> to vector<1xi32>
        %squeeze3A_509 = vector.extract %slice3A_508[0] : i32 from vector<1xi32>
        %slice3A_510 = vector.extract_strided_slice %get3A_30 {offsets = [12], sizes = [1], strides = [1]} : vector<16xi32> to vector<1xi32>
        %squeeze3A_511 = vector.extract %slice3A_510[0] : i32 from vector<1xi32>
        %mul3A_512 = arith.constant 16 : i32
        %mul3A_513 = arith.muli %scan3A_19, %mul3A_512 : i32
        %add3A_514 = arith.constant 12 : i32
        %add3A_515 = arith.addi %mul3A_513, %add3A_514 : i32
        %dma_start3A_516 = arith.constant 0 : i32
        %dma_start3A_517 = tpu.memref_slice %arg14[%add3A_515, %dma_start3A_516] : memref<128x32xf32, #tpu.memory_space<vmem>> -> memref<1x32xf32, #tpu.memory_space<vmem>>
        %dma_start3A_518 = arith.constant 0 : i32
        %dma_start3A_519 = tpu.memref_slice %arg4[%squeeze3A_509, %dma_start3A_518] : memref<1000000x32xf32, #tpu.memory_space<hbm>> -> memref<1x32xf32, #tpu.memory_space<hbm>>
        %dma_start3A_520 = arith.constant 0 : i32
        %dma_start3A_521 = tpu.memref_slice %arg14[%add3A_515, %dma_start3A_520] : memref<128x32xf32, #tpu.memory_space<vmem>> -> memref<1x32xf32, #tpu.memory_space<vmem>>
        %dma_start3A_522 = arith.constant 0 : i32
        %dma_start3A_523 = tpu.memref_slice %arg4[%squeeze3A_509, %dma_start3A_522] : memref<1000000x32xf32, #tpu.memory_space<hbm>> -> memref<1x32xf32, #tpu.memory_space<hbm>>
        tpu.enqueue_dma source(%dma_start3A_523 : memref<1x32xf32, #tpu.memory_space<hbm>>) target(%dma_start3A_521 : memref<1x32xf32, #tpu.memory_space<vmem>>) target_semaphore(%arg18 : memref<!tpu.dma_semaphore, #tpu.memory_space<semaphore_mem>>)
        %dma_start3A_524 = arith.constant 0 : i32
        %dma_start3A_525 = tpu.memref_slice %arg15[%add3A_515, %dma_start3A_524] : memref<128x32xf32, #tpu.memory_space<vmem>> -> memref<1x32xf32, #tpu.memory_space<vmem>>
        %dma_start3A_526 = arith.constant 0 : i32
        %dma_start3A_527 = tpu.memref_slice %arg5[%squeeze3A_511, %dma_start3A_526] : memref<1000000x32xf32, #tpu.memory_space<hbm>> -> memref<1x32xf32, #tpu.memory_space<hbm>>
        %dma_start3A_528 = arith.constant 0 : i32
        %dma_start3A_529 = tpu.memref_slice %arg15[%add3A_515, %dma_start3A_528] : memref<128x32xf32, #tpu.memory_space<vmem>> -> memref<1x32xf32, #tpu.memory_space<vmem>>
        %dma_start3A_530 = arith.constant 0 : i32
        %dma_start3A_531 = tpu.memref_slice %arg5[%squeeze3A_511, %dma_start3A_530] : memref<1000000x32xf32, #tpu.memory_space<hbm>> -> memref<1x32xf32, #tpu.memory_space<hbm>>
        tpu.enqueue_dma source(%dma_start3A_531 : memref<1x32xf32, #tpu.memory_space<hbm>>) target(%dma_start3A_529 : memref<1x32xf32, #tpu.memory_space<vmem>>) target_semaphore(%arg18 : memref<!tpu.dma_semaphore, #tpu.memory_space<semaphore_mem>>)
        %dma_start3A_532 = arith.constant 0 : i32
        %dma_start3A_533 = tpu.memref_slice %arg16[%add3A_515, %dma_start3A_532] : memref<128x32xf32, #tpu.memory_space<vmem>> -> memref<1x32xf32, #tpu.memory_space<vmem>>
        %dma_start3A_534 = arith.constant 0 : i32
        %dma_start3A_535 = tpu.memref_slice %arg6[%squeeze3A_509, %dma_start3A_534] : memref<1000000x32xf32, #tpu.memory_space<hbm>> -> memref<1x32xf32, #tpu.memory_space<hbm>>
        %dma_start3A_536 = arith.constant 0 : i32
        %dma_start3A_537 = tpu.memref_slice %arg16[%add3A_515, %dma_start3A_536] : memref<128x32xf32, #tpu.memory_space<vmem>> -> memref<1x32xf32, #tpu.memory_space<vmem>>
        %dma_start3A_538 = arith.constant 0 : i32
        %dma_start3A_539 = tpu.memref_slice %arg6[%squeeze3A_509, %dma_start3A_538] : memref<1000000x32xf32, #tpu.memory_space<hbm>> -> memref<1x32xf32, #tpu.memory_space<hbm>>
        tpu.enqueue_dma source(%dma_start3A_539 : memref<1x32xf32, #tpu.memory_space<hbm>>) target(%dma_start3A_537 : memref<1x32xf32, #tpu.memory_space<vmem>>) target_semaphore(%arg18 : memref<!tpu.dma_semaphore, #tpu.memory_space<semaphore_mem>>)
        %dma_start3A_540 = arith.constant 0 : i32
        %dma_start3A_541 = tpu.memref_slice %arg17[%add3A_515, %dma_start3A_540] : memref<128x32xf32, #tpu.memory_space<vmem>> -> memref<1x32xf32, #tpu.memory_space<vmem>>
        %dma_start3A_542 = arith.constant 0 : i32
        %dma_start3A_543 = tpu.memref_slice %arg7[%squeeze3A_511, %dma_start3A_542] : memref<1000000x32xf32, #tpu.memory_space<hbm>> -> memref<1x32xf32, #tpu.memory_space<hbm>>
        %dma_start3A_544 = arith.constant 0 : i32
        %dma_start3A_545 = tpu.memref_slice %arg17[%add3A_515, %dma_start3A_544] : memref<128x32xf32, #tpu.memory_space<vmem>> -> memref<1x32xf32, #tpu.memory_space<vmem>>
        %dma_start3A_546 = arith.constant 0 : i32
        %dma_start3A_547 = tpu.memref_slice %arg7[%squeeze3A_511, %dma_start3A_546] : memref<1000000x32xf32, #tpu.memory_space<hbm>> -> memref<1x32xf32, #tpu.memory_space<hbm>>
        tpu.enqueue_dma source(%dma_start3A_547 : memref<1x32xf32, #tpu.memory_space<hbm>>) target(%dma_start3A_545 : memref<1x32xf32, #tpu.memory_space<vmem>>) target_semaphore(%arg18 : memref<!tpu.dma_semaphore, #tpu.memory_space<semaphore_mem>>)
        %slice3A_548 = vector.extract_strided_slice %get3A_24 {offsets = [13], sizes = [1], strides = [1]} : vector<16xi32> to vector<1xi32>
        %squeeze3A_549 = vector.extract %slice3A_548[0] : i32 from vector<1xi32>
        %slice3A_550 = vector.extract_strided_slice %get3A_30 {offsets = [13], sizes = [1], strides = [1]} : vector<16xi32> to vector<1xi32>
        %squeeze3A_551 = vector.extract %slice3A_550[0] : i32 from vector<1xi32>
        %mul3A_552 = arith.constant 16 : i32
        %mul3A_553 = arith.muli %scan3A_19, %mul3A_552 : i32
        %add3A_554 = arith.constant 13 : i32
        %add3A_555 = arith.addi %mul3A_553, %add3A_554 : i32
        %dma_start3A_556 = arith.constant 0 : i32
        %dma_start3A_557 = tpu.memref_slice %arg14[%add3A_555, %dma_start3A_556] : memref<128x32xf32, #tpu.memory_space<vmem>> -> memref<1x32xf32, #tpu.memory_space<vmem>>
        %dma_start3A_558 = arith.constant 0 : i32
        %dma_start3A_559 = tpu.memref_slice %arg4[%squeeze3A_549, %dma_start3A_558] : memref<1000000x32xf32, #tpu.memory_space<hbm>> -> memref<1x32xf32, #tpu.memory_space<hbm>>
        %dma_start3A_560 = arith.constant 0 : i32
        %dma_start3A_561 = tpu.memref_slice %arg14[%add3A_555, %dma_start3A_560] : memref<128x32xf32, #tpu.memory_space<vmem>> -> memref<1x32xf32, #tpu.memory_space<vmem>>
        %dma_start3A_562 = arith.constant 0 : i32
        %dma_start3A_563 = tpu.memref_slice %arg4[%squeeze3A_549, %dma_start3A_562] : memref<1000000x32xf32, #tpu.memory_space<hbm>> -> memref<1x32xf32, #tpu.memory_space<hbm>>
        tpu.enqueue_dma source(%dma_start3A_563 : memref<1x32xf32, #tpu.memory_space<hbm>>) target(%dma_start3A_561 : memref<1x32xf32, #tpu.memory_space<vmem>>) target_semaphore(%arg18 : memref<!tpu.dma_semaphore, #tpu.memory_space<semaphore_mem>>)
        %dma_start3A_564 = arith.constant 0 : i32
        %dma_start3A_565 = tpu.memref_slice %arg15[%add3A_555, %dma_start3A_564] : memref<128x32xf32, #tpu.memory_space<vmem>> -> memref<1x32xf32, #tpu.memory_space<vmem>>
        %dma_start3A_566 = arith.constant 0 : i32
        %dma_start3A_567 = tpu.memref_slice %arg5[%squeeze3A_551, %dma_start3A_566] : memref<1000000x32xf32, #tpu.memory_space<hbm>> -> memref<1x32xf32, #tpu.memory_space<hbm>>
        %dma_start3A_568 = arith.constant 0 : i32
        %dma_start3A_569 = tpu.memref_slice %arg15[%add3A_555, %dma_start3A_568] : memref<128x32xf32, #tpu.memory_space<vmem>> -> memref<1x32xf32, #tpu.memory_space<vmem>>
        %dma_start3A_570 = arith.constant 0 : i32
        %dma_start3A_571 = tpu.memref_slice %arg5[%squeeze3A_551, %dma_start3A_570] : memref<1000000x32xf32, #tpu.memory_space<hbm>> -> memref<1x32xf32, #tpu.memory_space<hbm>>
        tpu.enqueue_dma source(%dma_start3A_571 : memref<1x32xf32, #tpu.memory_space<hbm>>) target(%dma_start3A_569 : memref<1x32xf32, #tpu.memory_space<vmem>>) target_semaphore(%arg18 : memref<!tpu.dma_semaphore, #tpu.memory_space<semaphore_mem>>)
        %dma_start3A_572 = arith.constant 0 : i32
        %dma_start3A_573 = tpu.memref_slice %arg16[%add3A_555, %dma_start3A_572] : memref<128x32xf32, #tpu.memory_space<vmem>> -> memref<1x32xf32, #tpu.memory_space<vmem>>
        %dma_start3A_574 = arith.constant 0 : i32
        %dma_start3A_575 = tpu.memref_slice %arg6[%squeeze3A_549, %dma_start3A_574] : memref<1000000x32xf32, #tpu.memory_space<hbm>> -> memref<1x32xf32, #tpu.memory_space<hbm>>
        %dma_start3A_576 = arith.constant 0 : i32
        %dma_start3A_577 = tpu.memref_slice %arg16[%add3A_555, %dma_start3A_576] : memref<128x32xf32, #tpu.memory_space<vmem>> -> memref<1x32xf32, #tpu.memory_space<vmem>>
        %dma_start3A_578 = arith.constant 0 : i32
        %dma_start3A_579 = tpu.memref_slice %arg6[%squeeze3A_549, %dma_start3A_578] : memref<1000000x32xf32, #tpu.memory_space<hbm>> -> memref<1x32xf32, #tpu.memory_space<hbm>>
        tpu.enqueue_dma source(%dma_start3A_579 : memref<1x32xf32, #tpu.memory_space<hbm>>) target(%dma_start3A_577 : memref<1x32xf32, #tpu.memory_space<vmem>>) target_semaphore(%arg18 : memref<!tpu.dma_semaphore, #tpu.memory_space<semaphore_mem>>)
        %dma_start3A_580 = arith.constant 0 : i32
        %dma_start3A_581 = tpu.memref_slice %arg17[%add3A_555, %dma_start3A_580] : memref<128x32xf32, #tpu.memory_space<vmem>> -> memref<1x32xf32, #tpu.memory_space<vmem>>
        %dma_start3A_582 = arith.constant 0 : i32
        %dma_start3A_583 = tpu.memref_slice %arg7[%squeeze3A_551, %dma_start3A_582] : memref<1000000x32xf32, #tpu.memory_space<hbm>> -> memref<1x32xf32, #tpu.memory_space<hbm>>
        %dma_start3A_584 = arith.constant 0 : i32
        %dma_start3A_585 = tpu.memref_slice %arg17[%add3A_555, %dma_start3A_584] : memref<128x32xf32, #tpu.memory_space<vmem>> -> memref<1x32xf32, #tpu.memory_space<vmem>>
        %dma_start3A_586 = arith.constant 0 : i32
        %dma_start3A_587 = tpu.memref_slice %arg7[%squeeze3A_551, %dma_start3A_586] : memref<1000000x32xf32, #tpu.memory_space<hbm>> -> memref<1x32xf32, #tpu.memory_space<hbm>>
        tpu.enqueue_dma source(%dma_start3A_587 : memref<1x32xf32, #tpu.memory_space<hbm>>) target(%dma_start3A_585 : memref<1x32xf32, #tpu.memory_space<vmem>>) target_semaphore(%arg18 : memref<!tpu.dma_semaphore, #tpu.memory_space<semaphore_mem>>)
        %slice3A_588 = vector.extract_strided_slice %get3A_24 {offsets = [14], sizes = [1], strides = [1]} : vector<16xi32> to vector<1xi32>
        %squeeze3A_589 = vector.extract %slice3A_588[0] : i32 from vector<1xi32>
        %slice3A_590 = vector.extract_strided_slice %get3A_30 {offsets = [14], sizes = [1], strides = [1]} : vector<16xi32> to vector<1xi32>
        %squeeze3A_591 = vector.extract %slice3A_590[0] : i32 from vector<1xi32>
        %mul3A_592 = arith.constant 16 : i32
        %mul3A_593 = arith.muli %scan3A_19, %mul3A_592 : i32
        %add3A_594 = arith.constant 14 : i32
        %add3A_595 = arith.addi %mul3A_593, %add3A_594 : i32
        %dma_start3A_596 = arith.constant 0 : i32
        %dma_start3A_597 = tpu.memref_slice %arg14[%add3A_595, %dma_start3A_596] : memref<128x32xf32, #tpu.memory_space<vmem>> -> memref<1x32xf32, #tpu.memory_space<vmem>>
        %dma_start3A_598 = arith.constant 0 : i32
        %dma_start3A_599 = tpu.memref_slice %arg4[%squeeze3A_589, %dma_start3A_598] : memref<1000000x32xf32, #tpu.memory_space<hbm>> -> memref<1x32xf32, #tpu.memory_space<hbm>>
        %dma_start3A_600 = arith.constant 0 : i32
        %dma_start3A_601 = tpu.memref_slice %arg14[%add3A_595, %dma_start3A_600] : memref<128x32xf32, #tpu.memory_space<vmem>> -> memref<1x32xf32, #tpu.memory_space<vmem>>
        %dma_start3A_602 = arith.constant 0 : i32
        %dma_start3A_603 = tpu.memref_slice %arg4[%squeeze3A_589, %dma_start3A_602] : memref<1000000x32xf32, #tpu.memory_space<hbm>> -> memref<1x32xf32, #tpu.memory_space<hbm>>
        tpu.enqueue_dma source(%dma_start3A_603 : memref<1x32xf32, #tpu.memory_space<hbm>>) target(%dma_start3A_601 : memref<1x32xf32, #tpu.memory_space<vmem>>) target_semaphore(%arg18 : memref<!tpu.dma_semaphore, #tpu.memory_space<semaphore_mem>>)
        %dma_start3A_604 = arith.constant 0 : i32
        %dma_start3A_605 = tpu.memref_slice %arg15[%add3A_595, %dma_start3A_604] : memref<128x32xf32, #tpu.memory_space<vmem>> -> memref<1x32xf32, #tpu.memory_space<vmem>>
        %dma_start3A_606 = arith.constant 0 : i32
        %dma_start3A_607 = tpu.memref_slice %arg5[%squeeze3A_591, %dma_start3A_606] : memref<1000000x32xf32, #tpu.memory_space<hbm>> -> memref<1x32xf32, #tpu.memory_space<hbm>>
        %dma_start3A_608 = arith.constant 0 : i32
        %dma_start3A_609 = tpu.memref_slice %arg15[%add3A_595, %dma_start3A_608] : memref<128x32xf32, #tpu.memory_space<vmem>> -> memref<1x32xf32, #tpu.memory_space<vmem>>
        %dma_start3A_610 = arith.constant 0 : i32
        %dma_start3A_611 = tpu.memref_slice %arg5[%squeeze3A_591, %dma_start3A_610] : memref<1000000x32xf32, #tpu.memory_space<hbm>> -> memref<1x32xf32, #tpu.memory_space<hbm>>
        tpu.enqueue_dma source(%dma_start3A_611 : memref<1x32xf32, #tpu.memory_space<hbm>>) target(%dma_start3A_609 : memref<1x32xf32, #tpu.memory_space<vmem>>) target_semaphore(%arg18 : memref<!tpu.dma_semaphore, #tpu.memory_space<semaphore_mem>>)
        %dma_start3A_612 = arith.constant 0 : i32
        %dma_start3A_613 = tpu.memref_slice %arg16[%add3A_595, %dma_start3A_612] : memref<128x32xf32, #tpu.memory_space<vmem>> -> memref<1x32xf32, #tpu.memory_space<vmem>>
        %dma_start3A_614 = arith.constant 0 : i32
        %dma_start3A_615 = tpu.memref_slice %arg6[%squeeze3A_589, %dma_start3A_614] : memref<1000000x32xf32, #tpu.memory_space<hbm>> -> memref<1x32xf32, #tpu.memory_space<hbm>>
        %dma_start3A_616 = arith.constant 0 : i32
        %dma_start3A_617 = tpu.memref_slice %arg16[%add3A_595, %dma_start3A_616] : memref<128x32xf32, #tpu.memory_space<vmem>> -> memref<1x32xf32, #tpu.memory_space<vmem>>
        %dma_start3A_618 = arith.constant 0 : i32
        %dma_start3A_619 = tpu.memref_slice %arg6[%squeeze3A_589, %dma_start3A_618] : memref<1000000x32xf32, #tpu.memory_space<hbm>> -> memref<1x32xf32, #tpu.memory_space<hbm>>
        tpu.enqueue_dma source(%dma_start3A_619 : memref<1x32xf32, #tpu.memory_space<hbm>>) target(%dma_start3A_617 : memref<1x32xf32, #tpu.memory_space<vmem>>) target_semaphore(%arg18 : memref<!tpu.dma_semaphore, #tpu.memory_space<semaphore_mem>>)
        %dma_start3A_620 = arith.constant 0 : i32
        %dma_start3A_621 = tpu.memref_slice %arg17[%add3A_595, %dma_start3A_620] : memref<128x32xf32, #tpu.memory_space<vmem>> -> memref<1x32xf32, #tpu.memory_space<vmem>>
        %dma_start3A_622 = arith.constant 0 : i32
        %dma_start3A_623 = tpu.memref_slice %arg7[%squeeze3A_591, %dma_start3A_622] : memref<1000000x32xf32, #tpu.memory_space<hbm>> -> memref<1x32xf32, #tpu.memory_space<hbm>>
        %dma_start3A_624 = arith.constant 0 : i32
        %dma_start3A_625 = tpu.memref_slice %arg17[%add3A_595, %dma_start3A_624] : memref<128x32xf32, #tpu.memory_space<vmem>> -> memref<1x32xf32, #tpu.memory_space<vmem>>
        %dma_start3A_626 = arith.constant 0 : i32
        %dma_start3A_627 = tpu.memref_slice %arg7[%squeeze3A_591, %dma_start3A_626] : memref<1000000x32xf32, #tpu.memory_space<hbm>> -> memref<1x32xf32, #tpu.memory_space<hbm>>
        tpu.enqueue_dma source(%dma_start3A_627 : memref<1x32xf32, #tpu.memory_space<hbm>>) target(%dma_start3A_625 : memref<1x32xf32, #tpu.memory_space<vmem>>) target_semaphore(%arg18 : memref<!tpu.dma_semaphore, #tpu.memory_space<semaphore_mem>>)
        %slice3A_628 = vector.extract_strided_slice %get3A_24 {offsets = [15], sizes = [1], strides = [1]} : vector<16xi32> to vector<1xi32>
        %squeeze3A_629 = vector.extract %slice3A_628[0] : i32 from vector<1xi32>
        %slice3A_630 = vector.extract_strided_slice %get3A_30 {offsets = [15], sizes = [1], strides = [1]} : vector<16xi32> to vector<1xi32>
        %squeeze3A_631 = vector.extract %slice3A_630[0] : i32 from vector<1xi32>
        %mul3A_632 = arith.constant 16 : i32
        %mul3A_633 = arith.muli %scan3A_19, %mul3A_632 : i32
        %add3A_634 = arith.constant 15 : i32
        %add3A_635 = arith.addi %mul3A_633, %add3A_634 : i32
        %dma_start3A_636 = arith.constant 0 : i32
        %dma_start3A_637 = tpu.memref_slice %arg14[%add3A_635, %dma_start3A_636] : memref<128x32xf32, #tpu.memory_space<vmem>> -> memref<1x32xf32, #tpu.memory_space<vmem>>
        %dma_start3A_638 = arith.constant 0 : i32
        %dma_start3A_639 = tpu.memref_slice %arg4[%squeeze3A_629, %dma_start3A_638] : memref<1000000x32xf32, #tpu.memory_space<hbm>> -> memref<1x32xf32, #tpu.memory_space<hbm>>
        %dma_start3A_640 = arith.constant 0 : i32
        %dma_start3A_641 = tpu.memref_slice %arg14[%add3A_635, %dma_start3A_640] : memref<128x32xf32, #tpu.memory_space<vmem>> -> memref<1x32xf32, #tpu.memory_space<vmem>>
        %dma_start3A_642 = arith.constant 0 : i32
        %dma_start3A_643 = tpu.memref_slice %arg4[%squeeze3A_629, %dma_start3A_642] : memref<1000000x32xf32, #tpu.memory_space<hbm>> -> memref<1x32xf32, #tpu.memory_space<hbm>>
        tpu.enqueue_dma source(%dma_start3A_643 : memref<1x32xf32, #tpu.memory_space<hbm>>) target(%dma_start3A_641 : memref<1x32xf32, #tpu.memory_space<vmem>>) target_semaphore(%arg18 : memref<!tpu.dma_semaphore, #tpu.memory_space<semaphore_mem>>)
        %dma_start3A_644 = arith.constant 0 : i32
        %dma_start3A_645 = tpu.memref_slice %arg15[%add3A_635, %dma_start3A_644] : memref<128x32xf32, #tpu.memory_space<vmem>> -> memref<1x32xf32, #tpu.memory_space<vmem>>
        %dma_start3A_646 = arith.constant 0 : i32
        %dma_start3A_647 = tpu.memref_slice %arg5[%squeeze3A_631, %dma_start3A_646] : memref<1000000x32xf32, #tpu.memory_space<hbm>> -> memref<1x32xf32, #tpu.memory_space<hbm>>
        %dma_start3A_648 = arith.constant 0 : i32
        %dma_start3A_649 = tpu.memref_slice %arg15[%add3A_635, %dma_start3A_648] : memref<128x32xf32, #tpu.memory_space<vmem>> -> memref<1x32xf32, #tpu.memory_space<vmem>>
        %dma_start3A_650 = arith.constant 0 : i32
        %dma_start3A_651 = tpu.memref_slice %arg5[%squeeze3A_631, %dma_start3A_650] : memref<1000000x32xf32, #tpu.memory_space<hbm>> -> memref<1x32xf32, #tpu.memory_space<hbm>>
        tpu.enqueue_dma source(%dma_start3A_651 : memref<1x32xf32, #tpu.memory_space<hbm>>) target(%dma_start3A_649 : memref<1x32xf32, #tpu.memory_space<vmem>>) target_semaphore(%arg18 : memref<!tpu.dma_semaphore, #tpu.memory_space<semaphore_mem>>)
        %dma_start3A_652 = arith.constant 0 : i32
        %dma_start3A_653 = tpu.memref_slice %arg16[%add3A_635, %dma_start3A_652] : memref<128x32xf32, #tpu.memory_space<vmem>> -> memref<1x32xf32, #tpu.memory_space<vmem>>
        %dma_start3A_654 = arith.constant 0 : i32
        %dma_start3A_655 = tpu.memref_slice %arg6[%squeeze3A_629, %dma_start3A_654] : memref<1000000x32xf32, #tpu.memory_space<hbm>> -> memref<1x32xf32, #tpu.memory_space<hbm>>
        %dma_start3A_656 = arith.constant 0 : i32
        %dma_start3A_657 = tpu.memref_slice %arg16[%add3A_635, %dma_start3A_656] : memref<128x32xf32, #tpu.memory_space<vmem>> -> memref<1x32xf32, #tpu.memory_space<vmem>>
        %dma_start3A_658 = arith.constant 0 : i32
        %dma_start3A_659 = tpu.memref_slice %arg6[%squeeze3A_629, %dma_start3A_658] : memref<1000000x32xf32, #tpu.memory_space<hbm>> -> memref<1x32xf32, #tpu.memory_space<hbm>>
        tpu.enqueue_dma source(%dma_start3A_659 : memref<1x32xf32, #tpu.memory_space<hbm>>) target(%dma_start3A_657 : memref<1x32xf32, #tpu.memory_space<vmem>>) target_semaphore(%arg18 : memref<!tpu.dma_semaphore, #tpu.memory_space<semaphore_mem>>)
        %dma_start3A_660 = arith.constant 0 : i32
        %dma_start3A_661 = tpu.memref_slice %arg17[%add3A_635, %dma_start3A_660] : memref<128x32xf32, #tpu.memory_space<vmem>> -> memref<1x32xf32, #tpu.memory_space<vmem>>
        %dma_start3A_662 = arith.constant 0 : i32
        %dma_start3A_663 = tpu.memref_slice %arg7[%squeeze3A_631, %dma_start3A_662] : memref<1000000x32xf32, #tpu.memory_space<hbm>> -> memref<1x32xf32, #tpu.memory_space<hbm>>
        %dma_start3A_664 = arith.constant 0 : i32
        %dma_start3A_665 = tpu.memref_slice %arg17[%add3A_635, %dma_start3A_664] : memref<128x32xf32, #tpu.memory_space<vmem>> -> memref<1x32xf32, #tpu.memory_space<vmem>>
        %dma_start3A_666 = arith.constant 0 : i32
        %dma_start3A_667 = tpu.memref_slice %arg7[%squeeze3A_631, %dma_start3A_666] : memref<1000000x32xf32, #tpu.memory_space<hbm>> -> memref<1x32xf32, #tpu.memory_space<hbm>>
        tpu.enqueue_dma source(%dma_start3A_667 : memref<1x32xf32, #tpu.memory_space<hbm>>) target(%dma_start3A_665 : memref<1x32xf32, #tpu.memory_space<vmem>>) target_semaphore(%arg18 : memref<!tpu.dma_semaphore, #tpu.memory_space<semaphore_mem>>)
        %dma_wait3A = arith.constant 0 : i32
        %dma_wait3A_668 = tpu.memref_slice %arg14[%add3A_36, %dma_wait3A] : memref<128x32xf32, #tpu.memory_space<vmem>> -> memref<1x32xf32, #tpu.memory_space<vmem>>
        %dma_wait3A_669 = arith.constant 0 : i32
        %dma_wait3A_670 = tpu.memref_slice %arg4[%squeeze3A, %dma_wait3A_669] : memref<1000000x32xf32, #tpu.memory_space<hbm>> -> memref<1x32xf32, #tpu.memory_space<hbm>>
        %dma_wait3A_671 = arith.constant 0 : i32
        %dma_wait3A_672 = tpu.memref_slice %arg14[%add3A_36, %dma_wait3A_671] : memref<128x32xf32, #tpu.memory_space<vmem>> -> memref<1x32xf32, #tpu.memory_space<vmem>>
        %dma_wait3A_673 = arith.constant 0 : i32
        %dma_wait3A_674 = tpu.memref_slice %arg4[%squeeze3A, %dma_wait3A_673] : memref<1000000x32xf32, #tpu.memory_space<hbm>> -> memref<1x32xf32, #tpu.memory_space<hbm>>
        tpu.wait_dma2 semaphore(%arg18 : memref<!tpu.dma_semaphore, #tpu.memory_space<semaphore_mem>>) src(%dma_wait3A_674 : memref<1x32xf32, #tpu.memory_space<hbm>>) dst(%dma_wait3A_672 : memref<1x32xf32, #tpu.memory_space<vmem>>)
        %dma_wait3A_675 = arith.constant 0 : i32
        %dma_wait3A_676 = tpu.memref_slice %arg15[%add3A_36, %dma_wait3A_675] : memref<128x32xf32, #tpu.memory_space<vmem>> -> memref<1x32xf32, #tpu.memory_space<vmem>>
        %dma_wait3A_677 = arith.constant 0 : i32
        %dma_wait3A_678 = tpu.memref_slice %arg5[%squeeze3A_32, %dma_wait3A_677] : memref<1000000x32xf32, #tpu.memory_space<hbm>> -> memref<1x32xf32, #tpu.memory_space<hbm>>
        %dma_wait3A_679 = arith.constant 0 : i32
        %dma_wait3A_680 = tpu.memref_slice %arg15[%add3A_36, %dma_wait3A_679] : memref<128x32xf32, #tpu.memory_space<vmem>> -> memref<1x32xf32, #tpu.memory_space<vmem>>
        %dma_wait3A_681 = arith.constant 0 : i32
        %dma_wait3A_682 = tpu.memref_slice %arg5[%squeeze3A_32, %dma_wait3A_681] : memref<1000000x32xf32, #tpu.memory_space<hbm>> -> memref<1x32xf32, #tpu.memory_space<hbm>>
        tpu.wait_dma2 semaphore(%arg18 : memref<!tpu.dma_semaphore, #tpu.memory_space<semaphore_mem>>) src(%dma_wait3A_682 : memref<1x32xf32, #tpu.memory_space<hbm>>) dst(%dma_wait3A_680 : memref<1x32xf32, #tpu.memory_space<vmem>>)
        %dma_wait3A_683 = arith.constant 0 : i32
        %dma_wait3A_684 = tpu.memref_slice %arg16[%add3A_36, %dma_wait3A_683] : memref<128x32xf32, #tpu.memory_space<vmem>> -> memref<1x32xf32, #tpu.memory_space<vmem>>
        %dma_wait3A_685 = arith.constant 0 : i32
        %dma_wait3A_686 = tpu.memref_slice %arg6[%squeeze3A, %dma_wait3A_685] : memref<1000000x32xf32, #tpu.memory_space<hbm>> -> memref<1x32xf32, #tpu.memory_space<hbm>>
        %dma_wait3A_687 = arith.constant 0 : i32
        %dma_wait3A_688 = tpu.memref_slice %arg16[%add3A_36, %dma_wait3A_687] : memref<128x32xf32, #tpu.memory_space<vmem>> -> memref<1x32xf32, #tpu.memory_space<vmem>>
        %dma_wait3A_689 = arith.constant 0 : i32
        %dma_wait3A_690 = tpu.memref_slice %arg6[%squeeze3A, %dma_wait3A_689] : memref<1000000x32xf32, #tpu.memory_space<hbm>> -> memref<1x32xf32, #tpu.memory_space<hbm>>
        tpu.wait_dma2 semaphore(%arg18 : memref<!tpu.dma_semaphore, #tpu.memory_space<semaphore_mem>>) src(%dma_wait3A_690 : memref<1x32xf32, #tpu.memory_space<hbm>>) dst(%dma_wait3A_688 : memref<1x32xf32, #tpu.memory_space<vmem>>)
        %dma_wait3A_691 = arith.constant 0 : i32
        %dma_wait3A_692 = tpu.memref_slice %arg17[%add3A_36, %dma_wait3A_691] : memref<128x32xf32, #tpu.memory_space<vmem>> -> memref<1x32xf32, #tpu.memory_space<vmem>>
        %dma_wait3A_693 = arith.constant 0 : i32
        %dma_wait3A_694 = tpu.memref_slice %arg7[%squeeze3A_32, %dma_wait3A_693] : memref<1000000x32xf32, #tpu.memory_space<hbm>> -> memref<1x32xf32, #tpu.memory_space<hbm>>
        %dma_wait3A_695 = arith.constant 0 : i32
        %dma_wait3A_696 = tpu.memref_slice %arg17[%add3A_36, %dma_wait3A_695] : memref<128x32xf32, #tpu.memory_space<vmem>> -> memref<1x32xf32, #tpu.memory_space<vmem>>
        %dma_wait3A_697 = arith.constant 0 : i32
        %dma_wait3A_698 = tpu.memref_slice %arg7[%squeeze3A_32, %dma_wait3A_697] : memref<1000000x32xf32, #tpu.memory_space<hbm>> -> memref<1x32xf32, #tpu.memory_space<hbm>>
        tpu.wait_dma2 semaphore(%arg18 : memref<!tpu.dma_semaphore, #tpu.memory_space<semaphore_mem>>) src(%dma_wait3A_698 : memref<1x32xf32, #tpu.memory_space<hbm>>) dst(%dma_wait3A_696 : memref<1x32xf32, #tpu.memory_space<vmem>>)
        %dma_wait3A_699 = arith.constant 0 : i32
        %dma_wait3A_700 = tpu.memref_slice %arg14[%add3A_75, %dma_wait3A_699] : memref<128x32xf32, #tpu.memory_space<vmem>> -> memref<1x32xf32, #tpu.memory_space<vmem>>
        %dma_wait3A_701 = arith.constant 0 : i32
        %dma_wait3A_702 = tpu.memref_slice %arg4[%squeeze3A_69, %dma_wait3A_701] : memref<1000000x32xf32, #tpu.memory_space<hbm>> -> memref<1x32xf32, #tpu.memory_space<hbm>>
        %dma_wait3A_703 = arith.constant 0 : i32
        %dma_wait3A_704 = tpu.memref_slice %arg14[%add3A_75, %dma_wait3A_703] : memref<128x32xf32, #tpu.memory_space<vmem>> -> memref<1x32xf32, #tpu.memory_space<vmem>>
        %dma_wait3A_705 = arith.constant 0 : i32
        %dma_wait3A_706 = tpu.memref_slice %arg4[%squeeze3A_69, %dma_wait3A_705] : memref<1000000x32xf32, #tpu.memory_space<hbm>> -> memref<1x32xf32, #tpu.memory_space<hbm>>
        tpu.wait_dma2 semaphore(%arg18 : memref<!tpu.dma_semaphore, #tpu.memory_space<semaphore_mem>>) src(%dma_wait3A_706 : memref<1x32xf32, #tpu.memory_space<hbm>>) dst(%dma_wait3A_704 : memref<1x32xf32, #tpu.memory_space<vmem>>)
        %dma_wait3A_707 = arith.constant 0 : i32
        %dma_wait3A_708 = tpu.memref_slice %arg15[%add3A_75, %dma_wait3A_707] : memref<128x32xf32, #tpu.memory_space<vmem>> -> memref<1x32xf32, #tpu.memory_space<vmem>>
        %dma_wait3A_709 = arith.constant 0 : i32
        %dma_wait3A_710 = tpu.memref_slice %arg5[%squeeze3A_71, %dma_wait3A_709] : memref<1000000x32xf32, #tpu.memory_space<hbm>> -> memref<1x32xf32, #tpu.memory_space<hbm>>
        %dma_wait3A_711 = arith.constant 0 : i32
        %dma_wait3A_712 = tpu.memref_slice %arg15[%add3A_75, %dma_wait3A_711] : memref<128x32xf32, #tpu.memory_space<vmem>> -> memref<1x32xf32, #tpu.memory_space<vmem>>
        %dma_wait3A_713 = arith.constant 0 : i32
        %dma_wait3A_714 = tpu.memref_slice %arg5[%squeeze3A_71, %dma_wait3A_713] : memref<1000000x32xf32, #tpu.memory_space<hbm>> -> memref<1x32xf32, #tpu.memory_space<hbm>>
        tpu.wait_dma2 semaphore(%arg18 : memref<!tpu.dma_semaphore, #tpu.memory_space<semaphore_mem>>) src(%dma_wait3A_714 : memref<1x32xf32, #tpu.memory_space<hbm>>) dst(%dma_wait3A_712 : memref<1x32xf32, #tpu.memory_space<vmem>>)
        %dma_wait3A_715 = arith.constant 0 : i32
        %dma_wait3A_716 = tpu.memref_slice %arg16[%add3A_75, %dma_wait3A_715] : memref<128x32xf32, #tpu.memory_space<vmem>> -> memref<1x32xf32, #tpu.memory_space<vmem>>
        %dma_wait3A_717 = arith.constant 0 : i32
        %dma_wait3A_718 = tpu.memref_slice %arg6[%squeeze3A_69, %dma_wait3A_717] : memref<1000000x32xf32, #tpu.memory_space<hbm>> -> memref<1x32xf32, #tpu.memory_space<hbm>>
        %dma_wait3A_719 = arith.constant 0 : i32
        %dma_wait3A_720 = tpu.memref_slice %arg16[%add3A_75, %dma_wait3A_719] : memref<128x32xf32, #tpu.memory_space<vmem>> -> memref<1x32xf32, #tpu.memory_space<vmem>>
        %dma_wait3A_721 = arith.constant 0 : i32
        %dma_wait3A_722 = tpu.memref_slice %arg6[%squeeze3A_69, %dma_wait3A_721] : memref<1000000x32xf32, #tpu.memory_space<hbm>> -> memref<1x32xf32, #tpu.memory_space<hbm>>
        tpu.wait_dma2 semaphore(%arg18 : memref<!tpu.dma_semaphore, #tpu.memory_space<semaphore_mem>>) src(%dma_wait3A_722 : memref<1x32xf32, #tpu.memory_space<hbm>>) dst(%dma_wait3A_720 : memref<1x32xf32, #tpu.memory_space<vmem>>)
        %dma_wait3A_723 = arith.constant 0 : i32
        %dma_wait3A_724 = tpu.memref_slice %arg17[%add3A_75, %dma_wait3A_723] : memref<128x32xf32, #tpu.memory_space<vmem>> -> memref<1x32xf32, #tpu.memory_space<vmem>>
        %dma_wait3A_725 = arith.constant 0 : i32
        %dma_wait3A_726 = tpu.memref_slice %arg7[%squeeze3A_71, %dma_wait3A_725] : memref<1000000x32xf32, #tpu.memory_space<hbm>> -> memref<1x32xf32, #tpu.memory_space<hbm>>
        %dma_wait3A_727 = arith.constant 0 : i32
        %dma_wait3A_728 = tpu.memref_slice %arg17[%add3A_75, %dma_wait3A_727] : memref<128x32xf32, #tpu.memory_space<vmem>> -> memref<1x32xf32, #tpu.memory_space<vmem>>
        %dma_wait3A_729 = arith.constant 0 : i32
        %dma_wait3A_730 = tpu.memref_slice %arg7[%squeeze3A_71, %dma_wait3A_729] : memref<1000000x32xf32, #tpu.memory_space<hbm>> -> memref<1x32xf32, #tpu.memory_space<hbm>>
        tpu.wait_dma2 semaphore(%arg18 : memref<!tpu.dma_semaphore, #tpu.memory_space<semaphore_mem>>) src(%dma_wait3A_730 : memref<1x32xf32, #tpu.memory_space<hbm>>) dst(%dma_wait3A_728 : memref<1x32xf32, #tpu.memory_space<vmem>>)
        %dma_wait3A_731 = arith.constant 0 : i32
        %dma_wait3A_732 = tpu.memref_slice %arg14[%add3A_115, %dma_wait3A_731] : memref<128x32xf32, #tpu.memory_space<vmem>> -> memref<1x32xf32, #tpu.memory_space<vmem>>
        %dma_wait3A_733 = arith.constant 0 : i32
        %dma_wait3A_734 = tpu.memref_slice %arg4[%squeeze3A_109, %dma_wait3A_733] : memref<1000000x32xf32, #tpu.memory_space<hbm>> -> memref<1x32xf32, #tpu.memory_space<hbm>>
        %dma_wait3A_735 = arith.constant 0 : i32
        %dma_wait3A_736 = tpu.memref_slice %arg14[%add3A_115, %dma_wait3A_735] : memref<128x32xf32, #tpu.memory_space<vmem>> -> memref<1x32xf32, #tpu.memory_space<vmem>>
        %dma_wait3A_737 = arith.constant 0 : i32
        %dma_wait3A_738 = tpu.memref_slice %arg4[%squeeze3A_109, %dma_wait3A_737] : memref<1000000x32xf32, #tpu.memory_space<hbm>> -> memref<1x32xf32, #tpu.memory_space<hbm>>
        tpu.wait_dma2 semaphore(%arg18 : memref<!tpu.dma_semaphore, #tpu.memory_space<semaphore_mem>>) src(%dma_wait3A_738 : memref<1x32xf32, #tpu.memory_space<hbm>>) dst(%dma_wait3A_736 : memref<1x32xf32, #tpu.memory_space<vmem>>)
        %dma_wait3A_739 = arith.constant 0 : i32
        %dma_wait3A_740 = tpu.memref_slice %arg15[%add3A_115, %dma_wait3A_739] : memref<128x32xf32, #tpu.memory_space<vmem>> -> memref<1x32xf32, #tpu.memory_space<vmem>>
        %dma_wait3A_741 = arith.constant 0 : i32
        %dma_wait3A_742 = tpu.memref_slice %arg5[%squeeze3A_111, %dma_wait3A_741] : memref<1000000x32xf32, #tpu.memory_space<hbm>> -> memref<1x32xf32, #tpu.memory_space<hbm>>
        %dma_wait3A_743 = arith.constant 0 : i32
        %dma_wait3A_744 = tpu.memref_slice %arg15[%add3A_115, %dma_wait3A_743] : memref<128x32xf32, #tpu.memory_space<vmem>> -> memref<1x32xf32, #tpu.memory_space<vmem>>
        %dma_wait3A_745 = arith.constant 0 : i32
        %dma_wait3A_746 = tpu.memref_slice %arg5[%squeeze3A_111, %dma_wait3A_745] : memref<1000000x32xf32, #tpu.memory_space<hbm>> -> memref<1x32xf32, #tpu.memory_space<hbm>>
        tpu.wait_dma2 semaphore(%arg18 : memref<!tpu.dma_semaphore, #tpu.memory_space<semaphore_mem>>) src(%dma_wait3A_746 : memref<1x32xf32, #tpu.memory_space<hbm>>) dst(%dma_wait3A_744 : memref<1x32xf32, #tpu.memory_space<vmem>>)
        %dma_wait3A_747 = arith.constant 0 : i32
        %dma_wait3A_748 = tpu.memref_slice %arg16[%add3A_115, %dma_wait3A_747] : memref<128x32xf32, #tpu.memory_space<vmem>> -> memref<1x32xf32, #tpu.memory_space<vmem>>
        %dma_wait3A_749 = arith.constant 0 : i32
        %dma_wait3A_750 = tpu.memref_slice %arg6[%squeeze3A_109, %dma_wait3A_749] : memref<1000000x32xf32, #tpu.memory_space<hbm>> -> memref<1x32xf32, #tpu.memory_space<hbm>>
        %dma_wait3A_751 = arith.constant 0 : i32
        %dma_wait3A_752 = tpu.memref_slice %arg16[%add3A_115, %dma_wait3A_751] : memref<128x32xf32, #tpu.memory_space<vmem>> -> memref<1x32xf32, #tpu.memory_space<vmem>>
        %dma_wait3A_753 = arith.constant 0 : i32
        %dma_wait3A_754 = tpu.memref_slice %arg6[%squeeze3A_109, %dma_wait3A_753] : memref<1000000x32xf32, #tpu.memory_space<hbm>> -> memref<1x32xf32, #tpu.memory_space<hbm>>
        tpu.wait_dma2 semaphore(%arg18 : memref<!tpu.dma_semaphore, #tpu.memory_space<semaphore_mem>>) src(%dma_wait3A_754 : memref<1x32xf32, #tpu.memory_space<hbm>>) dst(%dma_wait3A_752 : memref<1x32xf32, #tpu.memory_space<vmem>>)
        %dma_wait3A_755 = arith.constant 0 : i32
        %dma_wait3A_756 = tpu.memref_slice %arg17[%add3A_115, %dma_wait3A_755] : memref<128x32xf32, #tpu.memory_space<vmem>> -> memref<1x32xf32, #tpu.memory_space<vmem>>
        %dma_wait3A_757 = arith.constant 0 : i32
        %dma_wait3A_758 = tpu.memref_slice %arg7[%squeeze3A_111, %dma_wait3A_757] : memref<1000000x32xf32, #tpu.memory_space<hbm>> -> memref<1x32xf32, #tpu.memory_space<hbm>>
        %dma_wait3A_759 = arith.constant 0 : i32
        %dma_wait3A_760 = tpu.memref_slice %arg17[%add3A_115, %dma_wait3A_759] : memref<128x32xf32, #tpu.memory_space<vmem>> -> memref<1x32xf32, #tpu.memory_space<vmem>>
        %dma_wait3A_761 = arith.constant 0 : i32
        %dma_wait3A_762 = tpu.memref_slice %arg7[%squeeze3A_111, %dma_wait3A_761] : memref<1000000x32xf32, #tpu.memory_space<hbm>> -> memref<1x32xf32, #tpu.memory_space<hbm>>
        tpu.wait_dma2 semaphore(%arg18 : memref<!tpu.dma_semaphore, #tpu.memory_space<semaphore_mem>>) src(%dma_wait3A_762 : memref<1x32xf32, #tpu.memory_space<hbm>>) dst(%dma_wait3A_760 : memref<1x32xf32, #tpu.memory_space<vmem>>)
        %dma_wait3A_763 = arith.constant 0 : i32
        %dma_wait3A_764 = tpu.memref_slice %arg14[%add3A_155, %dma_wait3A_763] : memref<128x32xf32, #tpu.memory_space<vmem>> -> memref<1x32xf32, #tpu.memory_space<vmem>>
        %dma_wait3A_765 = arith.constant 0 : i32
        %dma_wait3A_766 = tpu.memref_slice %arg4[%squeeze3A_149, %dma_wait3A_765] : memref<1000000x32xf32, #tpu.memory_space<hbm>> -> memref<1x32xf32, #tpu.memory_space<hbm>>
        %dma_wait3A_767 = arith.constant 0 : i32
        %dma_wait3A_768 = tpu.memref_slice %arg14[%add3A_155, %dma_wait3A_767] : memref<128x32xf32, #tpu.memory_space<vmem>> -> memref<1x32xf32, #tpu.memory_space<vmem>>
        %dma_wait3A_769 = arith.constant 0 : i32
        %dma_wait3A_770 = tpu.memref_slice %arg4[%squeeze3A_149, %dma_wait3A_769] : memref<1000000x32xf32, #tpu.memory_space<hbm>> -> memref<1x32xf32, #tpu.memory_space<hbm>>
        tpu.wait_dma2 semaphore(%arg18 : memref<!tpu.dma_semaphore, #tpu.memory_space<semaphore_mem>>) src(%dma_wait3A_770 : memref<1x32xf32, #tpu.memory_space<hbm>>) dst(%dma_wait3A_768 : memref<1x32xf32, #tpu.memory_space<vmem>>)
        %dma_wait3A_771 = arith.constant 0 : i32
        %dma_wait3A_772 = tpu.memref_slice %arg15[%add3A_155, %dma_wait3A_771] : memref<128x32xf32, #tpu.memory_space<vmem>> -> memref<1x32xf32, #tpu.memory_space<vmem>>
        %dma_wait3A_773 = arith.constant 0 : i32
        %dma_wait3A_774 = tpu.memref_slice %arg5[%squeeze3A_151, %dma_wait3A_773] : memref<1000000x32xf32, #tpu.memory_space<hbm>> -> memref<1x32xf32, #tpu.memory_space<hbm>>
        %dma_wait3A_775 = arith.constant 0 : i32
        %dma_wait3A_776 = tpu.memref_slice %arg15[%add3A_155, %dma_wait3A_775] : memref<128x32xf32, #tpu.memory_space<vmem>> -> memref<1x32xf32, #tpu.memory_space<vmem>>
        %dma_wait3A_777 = arith.constant 0 : i32
        %dma_wait3A_778 = tpu.memref_slice %arg5[%squeeze3A_151, %dma_wait3A_777] : memref<1000000x32xf32, #tpu.memory_space<hbm>> -> memref<1x32xf32, #tpu.memory_space<hbm>>
        tpu.wait_dma2 semaphore(%arg18 : memref<!tpu.dma_semaphore, #tpu.memory_space<semaphore_mem>>) src(%dma_wait3A_778 : memref<1x32xf32, #tpu.memory_space<hbm>>) dst(%dma_wait3A_776 : memref<1x32xf32, #tpu.memory_space<vmem>>)
        %dma_wait3A_779 = arith.constant 0 : i32
        %dma_wait3A_780 = tpu.memref_slice %arg16[%add3A_155, %dma_wait3A_779] : memref<128x32xf32, #tpu.memory_space<vmem>> -> memref<1x32xf32, #tpu.memory_space<vmem>>
        %dma_wait3A_781 = arith.constant 0 : i32
        %dma_wait3A_782 = tpu.memref_slice %arg6[%squeeze3A_149, %dma_wait3A_781] : memref<1000000x32xf32, #tpu.memory_space<hbm>> -> memref<1x32xf32, #tpu.memory_space<hbm>>
        %dma_wait3A_783 = arith.constant 0 : i32
        %dma_wait3A_784 = tpu.memref_slice %arg16[%add3A_155, %dma_wait3A_783] : memref<128x32xf32, #tpu.memory_space<vmem>> -> memref<1x32xf32, #tpu.memory_space<vmem>>
        %dma_wait3A_785 = arith.constant 0 : i32
        %dma_wait3A_786 = tpu.memref_slice %arg6[%squeeze3A_149, %dma_wait3A_785] : memref<1000000x32xf32, #tpu.memory_space<hbm>> -> memref<1x32xf32, #tpu.memory_space<hbm>>
        tpu.wait_dma2 semaphore(%arg18 : memref<!tpu.dma_semaphore, #tpu.memory_space<semaphore_mem>>) src(%dma_wait3A_786 : memref<1x32xf32, #tpu.memory_space<hbm>>) dst(%dma_wait3A_784 : memref<1x32xf32, #tpu.memory_space<vmem>>)
        %dma_wait3A_787 = arith.constant 0 : i32
        %dma_wait3A_788 = tpu.memref_slice %arg17[%add3A_155, %dma_wait3A_787] : memref<128x32xf32, #tpu.memory_space<vmem>> -> memref<1x32xf32, #tpu.memory_space<vmem>>
        %dma_wait3A_789 = arith.constant 0 : i32
        %dma_wait3A_790 = tpu.memref_slice %arg7[%squeeze3A_151, %dma_wait3A_789] : memref<1000000x32xf32, #tpu.memory_space<hbm>> -> memref<1x32xf32, #tpu.memory_space<hbm>>
        %dma_wait3A_791 = arith.constant 0 : i32
        %dma_wait3A_792 = tpu.memref_slice %arg17[%add3A_155, %dma_wait3A_791] : memref<128x32xf32, #tpu.memory_space<vmem>> -> memref<1x32xf32, #tpu.memory_space<vmem>>
        %dma_wait3A_793 = arith.constant 0 : i32
        %dma_wait3A_794 = tpu.memref_slice %arg7[%squeeze3A_151, %dma_wait3A_793] : memref<1000000x32xf32, #tpu.memory_space<hbm>> -> memref<1x32xf32, #tpu.memory_space<hbm>>
        tpu.wait_dma2 semaphore(%arg18 : memref<!tpu.dma_semaphore, #tpu.memory_space<semaphore_mem>>) src(%dma_wait3A_794 : memref<1x32xf32, #tpu.memory_space<hbm>>) dst(%dma_wait3A_792 : memref<1x32xf32, #tpu.memory_space<vmem>>)
        %dma_wait3A_795 = arith.constant 0 : i32
        %dma_wait3A_796 = tpu.memref_slice %arg14[%add3A_195, %dma_wait3A_795] : memref<128x32xf32, #tpu.memory_space<vmem>> -> memref<1x32xf32, #tpu.memory_space<vmem>>
        %dma_wait3A_797 = arith.constant 0 : i32
        %dma_wait3A_798 = tpu.memref_slice %arg4[%squeeze3A_189, %dma_wait3A_797] : memref<1000000x32xf32, #tpu.memory_space<hbm>> -> memref<1x32xf32, #tpu.memory_space<hbm>>
        %dma_wait3A_799 = arith.constant 0 : i32
        %dma_wait3A_800 = tpu.memref_slice %arg14[%add3A_195, %dma_wait3A_799] : memref<128x32xf32, #tpu.memory_space<vmem>> -> memref<1x32xf32, #tpu.memory_space<vmem>>
        %dma_wait3A_801 = arith.constant 0 : i32
        %dma_wait3A_802 = tpu.memref_slice %arg4[%squeeze3A_189, %dma_wait3A_801] : memref<1000000x32xf32, #tpu.memory_space<hbm>> -> memref<1x32xf32, #tpu.memory_space<hbm>>
        tpu.wait_dma2 semaphore(%arg18 : memref<!tpu.dma_semaphore, #tpu.memory_space<semaphore_mem>>) src(%dma_wait3A_802 : memref<1x32xf32, #tpu.memory_space<hbm>>) dst(%dma_wait3A_800 : memref<1x32xf32, #tpu.memory_space<vmem>>)
        %dma_wait3A_803 = arith.constant 0 : i32
        %dma_wait3A_804 = tpu.memref_slice %arg15[%add3A_195, %dma_wait3A_803] : memref<128x32xf32, #tpu.memory_space<vmem>> -> memref<1x32xf32, #tpu.memory_space<vmem>>
        %dma_wait3A_805 = arith.constant 0 : i32
        %dma_wait3A_806 = tpu.memref_slice %arg5[%squeeze3A_191, %dma_wait3A_805] : memref<1000000x32xf32, #tpu.memory_space<hbm>> -> memref<1x32xf32, #tpu.memory_space<hbm>>
        %dma_wait3A_807 = arith.constant 0 : i32
        %dma_wait3A_808 = tpu.memref_slice %arg15[%add3A_195, %dma_wait3A_807] : memref<128x32xf32, #tpu.memory_space<vmem>> -> memref<1x32xf32, #tpu.memory_space<vmem>>
        %dma_wait3A_809 = arith.constant 0 : i32
        %dma_wait3A_810 = tpu.memref_slice %arg5[%squeeze3A_191, %dma_wait3A_809] : memref<1000000x32xf32, #tpu.memory_space<hbm>> -> memref<1x32xf32, #tpu.memory_space<hbm>>
        tpu.wait_dma2 semaphore(%arg18 : memref<!tpu.dma_semaphore, #tpu.memory_space<semaphore_mem>>) src(%dma_wait3A_810 : memref<1x32xf32, #tpu.memory_space<hbm>>) dst(%dma_wait3A_808 : memref<1x32xf32, #tpu.memory_space<vmem>>)
        %dma_wait3A_811 = arith.constant 0 : i32
        %dma_wait3A_812 = tpu.memref_slice %arg16[%add3A_195, %dma_wait3A_811] : memref<128x32xf32, #tpu.memory_space<vmem>> -> memref<1x32xf32, #tpu.memory_space<vmem>>
        %dma_wait3A_813 = arith.constant 0 : i32
        %dma_wait3A_814 = tpu.memref_slice %arg6[%squeeze3A_189, %dma_wait3A_813] : memref<1000000x32xf32, #tpu.memory_space<hbm>> -> memref<1x32xf32, #tpu.memory_space<hbm>>
        %dma_wait3A_815 = arith.constant 0 : i32
        %dma_wait3A_816 = tpu.memref_slice %arg16[%add3A_195, %dma_wait3A_815] : memref<128x32xf32, #tpu.memory_space<vmem>> -> memref<1x32xf32, #tpu.memory_space<vmem>>
        %dma_wait3A_817 = arith.constant 0 : i32
        %dma_wait3A_818 = tpu.memref_slice %arg6[%squeeze3A_189, %dma_wait3A_817] : memref<1000000x32xf32, #tpu.memory_space<hbm>> -> memref<1x32xf32, #tpu.memory_space<hbm>>
        tpu.wait_dma2 semaphore(%arg18 : memref<!tpu.dma_semaphore, #tpu.memory_space<semaphore_mem>>) src(%dma_wait3A_818 : memref<1x32xf32, #tpu.memory_space<hbm>>) dst(%dma_wait3A_816 : memref<1x32xf32, #tpu.memory_space<vmem>>)
        %dma_wait3A_819 = arith.constant 0 : i32
        %dma_wait3A_820 = tpu.memref_slice %arg17[%add3A_195, %dma_wait3A_819] : memref<128x32xf32, #tpu.memory_space<vmem>> -> memref<1x32xf32, #tpu.memory_space<vmem>>
        %dma_wait3A_821 = arith.constant 0 : i32
        %dma_wait3A_822 = tpu.memref_slice %arg7[%squeeze3A_191, %dma_wait3A_821] : memref<1000000x32xf32, #tpu.memory_space<hbm>> -> memref<1x32xf32, #tpu.memory_space<hbm>>
        %dma_wait3A_823 = arith.constant 0 : i32
        %dma_wait3A_824 = tpu.memref_slice %arg17[%add3A_195, %dma_wait3A_823] : memref<128x32xf32, #tpu.memory_space<vmem>> -> memref<1x32xf32, #tpu.memory_space<vmem>>
        %dma_wait3A_825 = arith.constant 0 : i32
        %dma_wait3A_826 = tpu.memref_slice %arg7[%squeeze3A_191, %dma_wait3A_825] : memref<1000000x32xf32, #tpu.memory_space<hbm>> -> memref<1x32xf32, #tpu.memory_space<hbm>>
        tpu.wait_dma2 semaphore(%arg18 : memref<!tpu.dma_semaphore, #tpu.memory_space<semaphore_mem>>) src(%dma_wait3A_826 : memref<1x32xf32, #tpu.memory_space<hbm>>) dst(%dma_wait3A_824 : memref<1x32xf32, #tpu.memory_space<vmem>>)
        %dma_wait3A_827 = arith.constant 0 : i32
        %dma_wait3A_828 = tpu.memref_slice %arg14[%add3A_235, %dma_wait3A_827] : memref<128x32xf32, #tpu.memory_space<vmem>> -> memref<1x32xf32, #tpu.memory_space<vmem>>
        %dma_wait3A_829 = arith.constant 0 : i32
        %dma_wait3A_830 = tpu.memref_slice %arg4[%squeeze3A_229, %dma_wait3A_829] : memref<1000000x32xf32, #tpu.memory_space<hbm>> -> memref<1x32xf32, #tpu.memory_space<hbm>>
        %dma_wait3A_831 = arith.constant 0 : i32
        %dma_wait3A_832 = tpu.memref_slice %arg14[%add3A_235, %dma_wait3A_831] : memref<128x32xf32, #tpu.memory_space<vmem>> -> memref<1x32xf32, #tpu.memory_space<vmem>>
        %dma_wait3A_833 = arith.constant 0 : i32
        %dma_wait3A_834 = tpu.memref_slice %arg4[%squeeze3A_229, %dma_wait3A_833] : memref<1000000x32xf32, #tpu.memory_space<hbm>> -> memref<1x32xf32, #tpu.memory_space<hbm>>
        tpu.wait_dma2 semaphore(%arg18 : memref<!tpu.dma_semaphore, #tpu.memory_space<semaphore_mem>>) src(%dma_wait3A_834 : memref<1x32xf32, #tpu.memory_space<hbm>>) dst(%dma_wait3A_832 : memref<1x32xf32, #tpu.memory_space<vmem>>)
        %dma_wait3A_835 = arith.constant 0 : i32
        %dma_wait3A_836 = tpu.memref_slice %arg15[%add3A_235, %dma_wait3A_835] : memref<128x32xf32, #tpu.memory_space<vmem>> -> memref<1x32xf32, #tpu.memory_space<vmem>>
        %dma_wait3A_837 = arith.constant 0 : i32
        %dma_wait3A_838 = tpu.memref_slice %arg5[%squeeze3A_231, %dma_wait3A_837] : memref<1000000x32xf32, #tpu.memory_space<hbm>> -> memref<1x32xf32, #tpu.memory_space<hbm>>
        %dma_wait3A_839 = arith.constant 0 : i32
        %dma_wait3A_840 = tpu.memref_slice %arg15[%add3A_235, %dma_wait3A_839] : memref<128x32xf32, #tpu.memory_space<vmem>> -> memref<1x32xf32, #tpu.memory_space<vmem>>
        %dma_wait3A_841 = arith.constant 0 : i32
        %dma_wait3A_842 = tpu.memref_slice %arg5[%squeeze3A_231, %dma_wait3A_841] : memref<1000000x32xf32, #tpu.memory_space<hbm>> -> memref<1x32xf32, #tpu.memory_space<hbm>>
        tpu.wait_dma2 semaphore(%arg18 : memref<!tpu.dma_semaphore, #tpu.memory_space<semaphore_mem>>) src(%dma_wait3A_842 : memref<1x32xf32, #tpu.memory_space<hbm>>) dst(%dma_wait3A_840 : memref<1x32xf32, #tpu.memory_space<vmem>>)
        %dma_wait3A_843 = arith.constant 0 : i32
        %dma_wait3A_844 = tpu.memref_slice %arg16[%add3A_235, %dma_wait3A_843] : memref<128x32xf32, #tpu.memory_space<vmem>> -> memref<1x32xf32, #tpu.memory_space<vmem>>
        %dma_wait3A_845 = arith.constant 0 : i32
        %dma_wait3A_846 = tpu.memref_slice %arg6[%squeeze3A_229, %dma_wait3A_845] : memref<1000000x32xf32, #tpu.memory_space<hbm>> -> memref<1x32xf32, #tpu.memory_space<hbm>>
        %dma_wait3A_847 = arith.constant 0 : i32
        %dma_wait3A_848 = tpu.memref_slice %arg16[%add3A_235, %dma_wait3A_847] : memref<128x32xf32, #tpu.memory_space<vmem>> -> memref<1x32xf32, #tpu.memory_space<vmem>>
        %dma_wait3A_849 = arith.constant 0 : i32
        %dma_wait3A_850 = tpu.memref_slice %arg6[%squeeze3A_229, %dma_wait3A_849] : memref<1000000x32xf32, #tpu.memory_space<hbm>> -> memref<1x32xf32, #tpu.memory_space<hbm>>
        tpu.wait_dma2 semaphore(%arg18 : memref<!tpu.dma_semaphore, #tpu.memory_space<semaphore_mem>>) src(%dma_wait3A_850 : memref<1x32xf32, #tpu.memory_space<hbm>>) dst(%dma_wait3A_848 : memref<1x32xf32, #tpu.memory_space<vmem>>)
        %dma_wait3A_851 = arith.constant 0 : i32
        %dma_wait3A_852 = tpu.memref_slice %arg17[%add3A_235, %dma_wait3A_851] : memref<128x32xf32, #tpu.memory_space<vmem>> -> memref<1x32xf32, #tpu.memory_space<vmem>>
        %dma_wait3A_853 = arith.constant 0 : i32
        %dma_wait3A_854 = tpu.memref_slice %arg7[%squeeze3A_231, %dma_wait3A_853] : memref<1000000x32xf32, #tpu.memory_space<hbm>> -> memref<1x32xf32, #tpu.memory_space<hbm>>
        %dma_wait3A_855 = arith.constant 0 : i32
        %dma_wait3A_856 = tpu.memref_slice %arg17[%add3A_235, %dma_wait3A_855] : memref<128x32xf32, #tpu.memory_space<vmem>> -> memref<1x32xf32, #tpu.memory_space<vmem>>
        %dma_wait3A_857 = arith.constant 0 : i32
        %dma_wait3A_858 = tpu.memref_slice %arg7[%squeeze3A_231, %dma_wait3A_857] : memref<1000000x32xf32, #tpu.memory_space<hbm>> -> memref<1x32xf32, #tpu.memory_space<hbm>>
        tpu.wait_dma2 semaphore(%arg18 : memref<!tpu.dma_semaphore, #tpu.memory_space<semaphore_mem>>) src(%dma_wait3A_858 : memref<1x32xf32, #tpu.memory_space<hbm>>) dst(%dma_wait3A_856 : memref<1x32xf32, #tpu.memory_space<vmem>>)
        %dma_wait3A_859 = arith.constant 0 : i32
        %dma_wait3A_860 = tpu.memref_slice %arg14[%add3A_275, %dma_wait3A_859] : memref<128x32xf32, #tpu.memory_space<vmem>> -> memref<1x32xf32, #tpu.memory_space<vmem>>
        %dma_wait3A_861 = arith.constant 0 : i32
        %dma_wait3A_862 = tpu.memref_slice %arg4[%squeeze3A_269, %dma_wait3A_861] : memref<1000000x32xf32, #tpu.memory_space<hbm>> -> memref<1x32xf32, #tpu.memory_space<hbm>>
        %dma_wait3A_863 = arith.constant 0 : i32
        %dma_wait3A_864 = tpu.memref_slice %arg14[%add3A_275, %dma_wait3A_863] : memref<128x32xf32, #tpu.memory_space<vmem>> -> memref<1x32xf32, #tpu.memory_space<vmem>>
        %dma_wait3A_865 = arith.constant 0 : i32
        %dma_wait3A_866 = tpu.memref_slice %arg4[%squeeze3A_269, %dma_wait3A_865] : memref<1000000x32xf32, #tpu.memory_space<hbm>> -> memref<1x32xf32, #tpu.memory_space<hbm>>
        tpu.wait_dma2 semaphore(%arg18 : memref<!tpu.dma_semaphore, #tpu.memory_space<semaphore_mem>>) src(%dma_wait3A_866 : memref<1x32xf32, #tpu.memory_space<hbm>>) dst(%dma_wait3A_864 : memref<1x32xf32, #tpu.memory_space<vmem>>)
        %dma_wait3A_867 = arith.constant 0 : i32
        %dma_wait3A_868 = tpu.memref_slice %arg15[%add3A_275, %dma_wait3A_867] : memref<128x32xf32, #tpu.memory_space<vmem>> -> memref<1x32xf32, #tpu.memory_space<vmem>>
        %dma_wait3A_869 = arith.constant 0 : i32
        %dma_wait3A_870 = tpu.memref_slice %arg5[%squeeze3A_271, %dma_wait3A_869] : memref<1000000x32xf32, #tpu.memory_space<hbm>> -> memref<1x32xf32, #tpu.memory_space<hbm>>
        %dma_wait3A_871 = arith.constant 0 : i32
        %dma_wait3A_872 = tpu.memref_slice %arg15[%add3A_275, %dma_wait3A_871] : memref<128x32xf32, #tpu.memory_space<vmem>> -> memref<1x32xf32, #tpu.memory_space<vmem>>
        %dma_wait3A_873 = arith.constant 0 : i32
        %dma_wait3A_874 = tpu.memref_slice %arg5[%squeeze3A_271, %dma_wait3A_873] : memref<1000000x32xf32, #tpu.memory_space<hbm>> -> memref<1x32xf32, #tpu.memory_space<hbm>>
        tpu.wait_dma2 semaphore(%arg18 : memref<!tpu.dma_semaphore, #tpu.memory_space<semaphore_mem>>) src(%dma_wait3A_874 : memref<1x32xf32, #tpu.memory_space<hbm>>) dst(%dma_wait3A_872 : memref<1x32xf32, #tpu.memory_space<vmem>>)
        %dma_wait3A_875 = arith.constant 0 : i32
        %dma_wait3A_876 = tpu.memref_slice %arg16[%add3A_275, %dma_wait3A_875] : memref<128x32xf32, #tpu.memory_space<vmem>> -> memref<1x32xf32, #tpu.memory_space<vmem>>
        %dma_wait3A_877 = arith.constant 0 : i32
        %dma_wait3A_878 = tpu.memref_slice %arg6[%squeeze3A_269, %dma_wait3A_877] : memref<1000000x32xf32, #tpu.memory_space<hbm>> -> memref<1x32xf32, #tpu.memory_space<hbm>>
        %dma_wait3A_879 = arith.constant 0 : i32
        %dma_wait3A_880 = tpu.memref_slice %arg16[%add3A_275, %dma_wait3A_879] : memref<128x32xf32, #tpu.memory_space<vmem>> -> memref<1x32xf32, #tpu.memory_space<vmem>>
        %dma_wait3A_881 = arith.constant 0 : i32
        %dma_wait3A_882 = tpu.memref_slice %arg6[%squeeze3A_269, %dma_wait3A_881] : memref<1000000x32xf32, #tpu.memory_space<hbm>> -> memref<1x32xf32, #tpu.memory_space<hbm>>
        tpu.wait_dma2 semaphore(%arg18 : memref<!tpu.dma_semaphore, #tpu.memory_space<semaphore_mem>>) src(%dma_wait3A_882 : memref<1x32xf32, #tpu.memory_space<hbm>>) dst(%dma_wait3A_880 : memref<1x32xf32, #tpu.memory_space<vmem>>)
        %dma_wait3A_883 = arith.constant 0 : i32
        %dma_wait3A_884 = tpu.memref_slice %arg17[%add3A_275, %dma_wait3A_883] : memref<128x32xf32, #tpu.memory_space<vmem>> -> memref<1x32xf32, #tpu.memory_space<vmem>>
        %dma_wait3A_885 = arith.constant 0 : i32
        %dma_wait3A_886 = tpu.memref_slice %arg7[%squeeze3A_271, %dma_wait3A_885] : memref<1000000x32xf32, #tpu.memory_space<hbm>> -> memref<1x32xf32, #tpu.memory_space<hbm>>
        %dma_wait3A_887 = arith.constant 0 : i32
        %dma_wait3A_888 = tpu.memref_slice %arg17[%add3A_275, %dma_wait3A_887] : memref<128x32xf32, #tpu.memory_space<vmem>> -> memref<1x32xf32, #tpu.memory_space<vmem>>
        %dma_wait3A_889 = arith.constant 0 : i32
        %dma_wait3A_890 = tpu.memref_slice %arg7[%squeeze3A_271, %dma_wait3A_889] : memref<1000000x32xf32, #tpu.memory_space<hbm>> -> memref<1x32xf32, #tpu.memory_space<hbm>>
        tpu.wait_dma2 semaphore(%arg18 : memref<!tpu.dma_semaphore, #tpu.memory_space<semaphore_mem>>) src(%dma_wait3A_890 : memref<1x32xf32, #tpu.memory_space<hbm>>) dst(%dma_wait3A_888 : memref<1x32xf32, #tpu.memory_space<vmem>>)
        %dma_wait3A_891 = arith.constant 0 : i32
        %dma_wait3A_892 = tpu.memref_slice %arg14[%add3A_315, %dma_wait3A_891] : memref<128x32xf32, #tpu.memory_space<vmem>> -> memref<1x32xf32, #tpu.memory_space<vmem>>
        %dma_wait3A_893 = arith.constant 0 : i32
        %dma_wait3A_894 = tpu.memref_slice %arg4[%squeeze3A_309, %dma_wait3A_893] : memref<1000000x32xf32, #tpu.memory_space<hbm>> -> memref<1x32xf32, #tpu.memory_space<hbm>>
        %dma_wait3A_895 = arith.constant 0 : i32
        %dma_wait3A_896 = tpu.memref_slice %arg14[%add3A_315, %dma_wait3A_895] : memref<128x32xf32, #tpu.memory_space<vmem>> -> memref<1x32xf32, #tpu.memory_space<vmem>>
        %dma_wait3A_897 = arith.constant 0 : i32
        %dma_wait3A_898 = tpu.memref_slice %arg4[%squeeze3A_309, %dma_wait3A_897] : memref<1000000x32xf32, #tpu.memory_space<hbm>> -> memref<1x32xf32, #tpu.memory_space<hbm>>
        tpu.wait_dma2 semaphore(%arg18 : memref<!tpu.dma_semaphore, #tpu.memory_space<semaphore_mem>>) src(%dma_wait3A_898 : memref<1x32xf32, #tpu.memory_space<hbm>>) dst(%dma_wait3A_896 : memref<1x32xf32, #tpu.memory_space<vmem>>)
        %dma_wait3A_899 = arith.constant 0 : i32
        %dma_wait3A_900 = tpu.memref_slice %arg15[%add3A_315, %dma_wait3A_899] : memref<128x32xf32, #tpu.memory_space<vmem>> -> memref<1x32xf32, #tpu.memory_space<vmem>>
        %dma_wait3A_901 = arith.constant 0 : i32
        %dma_wait3A_902 = tpu.memref_slice %arg5[%squeeze3A_311, %dma_wait3A_901] : memref<1000000x32xf32, #tpu.memory_space<hbm>> -> memref<1x32xf32, #tpu.memory_space<hbm>>
        %dma_wait3A_903 = arith.constant 0 : i32
        %dma_wait3A_904 = tpu.memref_slice %arg15[%add3A_315, %dma_wait3A_903] : memref<128x32xf32, #tpu.memory_space<vmem>> -> memref<1x32xf32, #tpu.memory_space<vmem>>
        %dma_wait3A_905 = arith.constant 0 : i32
        %dma_wait3A_906 = tpu.memref_slice %arg5[%squeeze3A_311, %dma_wait3A_905] : memref<1000000x32xf32, #tpu.memory_space<hbm>> -> memref<1x32xf32, #tpu.memory_space<hbm>>
        tpu.wait_dma2 semaphore(%arg18 : memref<!tpu.dma_semaphore, #tpu.memory_space<semaphore_mem>>) src(%dma_wait3A_906 : memref<1x32xf32, #tpu.memory_space<hbm>>) dst(%dma_wait3A_904 : memref<1x32xf32, #tpu.memory_space<vmem>>)
        %dma_wait3A_907 = arith.constant 0 : i32
        %dma_wait3A_908 = tpu.memref_slice %arg16[%add3A_315, %dma_wait3A_907] : memref<128x32xf32, #tpu.memory_space<vmem>> -> memref<1x32xf32, #tpu.memory_space<vmem>>
        %dma_wait3A_909 = arith.constant 0 : i32
        %dma_wait3A_910 = tpu.memref_slice %arg6[%squeeze3A_309, %dma_wait3A_909] : memref<1000000x32xf32, #tpu.memory_space<hbm>> -> memref<1x32xf32, #tpu.memory_space<hbm>>
        %dma_wait3A_911 = arith.constant 0 : i32
        %dma_wait3A_912 = tpu.memref_slice %arg16[%add3A_315, %dma_wait3A_911] : memref<128x32xf32, #tpu.memory_space<vmem>> -> memref<1x32xf32, #tpu.memory_space<vmem>>
        %dma_wait3A_913 = arith.constant 0 : i32
        %dma_wait3A_914 = tpu.memref_slice %arg6[%squeeze3A_309, %dma_wait3A_913] : memref<1000000x32xf32, #tpu.memory_space<hbm>> -> memref<1x32xf32, #tpu.memory_space<hbm>>
        tpu.wait_dma2 semaphore(%arg18 : memref<!tpu.dma_semaphore, #tpu.memory_space<semaphore_mem>>) src(%dma_wait3A_914 : memref<1x32xf32, #tpu.memory_space<hbm>>) dst(%dma_wait3A_912 : memref<1x32xf32, #tpu.memory_space<vmem>>)
        %dma_wait3A_915 = arith.constant 0 : i32
        %dma_wait3A_916 = tpu.memref_slice %arg17[%add3A_315, %dma_wait3A_915] : memref<128x32xf32, #tpu.memory_space<vmem>> -> memref<1x32xf32, #tpu.memory_space<vmem>>
        %dma_wait3A_917 = arith.constant 0 : i32
        %dma_wait3A_918 = tpu.memref_slice %arg7[%squeeze3A_311, %dma_wait3A_917] : memref<1000000x32xf32, #tpu.memory_space<hbm>> -> memref<1x32xf32, #tpu.memory_space<hbm>>
        %dma_wait3A_919 = arith.constant 0 : i32
        %dma_wait3A_920 = tpu.memref_slice %arg17[%add3A_315, %dma_wait3A_919] : memref<128x32xf32, #tpu.memory_space<vmem>> -> memref<1x32xf32, #tpu.memory_space<vmem>>
        %dma_wait3A_921 = arith.constant 0 : i32
        %dma_wait3A_922 = tpu.memref_slice %arg7[%squeeze3A_311, %dma_wait3A_921] : memref<1000000x32xf32, #tpu.memory_space<hbm>> -> memref<1x32xf32, #tpu.memory_space<hbm>>
        tpu.wait_dma2 semaphore(%arg18 : memref<!tpu.dma_semaphore, #tpu.memory_space<semaphore_mem>>) src(%dma_wait3A_922 : memref<1x32xf32, #tpu.memory_space<hbm>>) dst(%dma_wait3A_920 : memref<1x32xf32, #tpu.memory_space<vmem>>)
        %dma_wait3A_923 = arith.constant 0 : i32
        %dma_wait3A_924 = tpu.memref_slice %arg14[%add3A_355, %dma_wait3A_923] : memref<128x32xf32, #tpu.memory_space<vmem>> -> memref<1x32xf32, #tpu.memory_space<vmem>>
        %dma_wait3A_925 = arith.constant 0 : i32
        %dma_wait3A_926 = tpu.memref_slice %arg4[%squeeze3A_349, %dma_wait3A_925] : memref<1000000x32xf32, #tpu.memory_space<hbm>> -> memref<1x32xf32, #tpu.memory_space<hbm>>
        %dma_wait3A_927 = arith.constant 0 : i32
        %dma_wait3A_928 = tpu.memref_slice %arg14[%add3A_355, %dma_wait3A_927] : memref<128x32xf32, #tpu.memory_space<vmem>> -> memref<1x32xf32, #tpu.memory_space<vmem>>
        %dma_wait3A_929 = arith.constant 0 : i32
        %dma_wait3A_930 = tpu.memref_slice %arg4[%squeeze3A_349, %dma_wait3A_929] : memref<1000000x32xf32, #tpu.memory_space<hbm>> -> memref<1x32xf32, #tpu.memory_space<hbm>>
        tpu.wait_dma2 semaphore(%arg18 : memref<!tpu.dma_semaphore, #tpu.memory_space<semaphore_mem>>) src(%dma_wait3A_930 : memref<1x32xf32, #tpu.memory_space<hbm>>) dst(%dma_wait3A_928 : memref<1x32xf32, #tpu.memory_space<vmem>>)
        %dma_wait3A_931 = arith.constant 0 : i32
        %dma_wait3A_932 = tpu.memref_slice %arg15[%add3A_355, %dma_wait3A_931] : memref<128x32xf32, #tpu.memory_space<vmem>> -> memref<1x32xf32, #tpu.memory_space<vmem>>
        %dma_wait3A_933 = arith.constant 0 : i32
        %dma_wait3A_934 = tpu.memref_slice %arg5[%squeeze3A_351, %dma_wait3A_933] : memref<1000000x32xf32, #tpu.memory_space<hbm>> -> memref<1x32xf32, #tpu.memory_space<hbm>>
        %dma_wait3A_935 = arith.constant 0 : i32
        %dma_wait3A_936 = tpu.memref_slice %arg15[%add3A_355, %dma_wait3A_935] : memref<128x32xf32, #tpu.memory_space<vmem>> -> memref<1x32xf32, #tpu.memory_space<vmem>>
        %dma_wait3A_937 = arith.constant 0 : i32
        %dma_wait3A_938 = tpu.memref_slice %arg5[%squeeze3A_351, %dma_wait3A_937] : memref<1000000x32xf32, #tpu.memory_space<hbm>> -> memref<1x32xf32, #tpu.memory_space<hbm>>
        tpu.wait_dma2 semaphore(%arg18 : memref<!tpu.dma_semaphore, #tpu.memory_space<semaphore_mem>>) src(%dma_wait3A_938 : memref<1x32xf32, #tpu.memory_space<hbm>>) dst(%dma_wait3A_936 : memref<1x32xf32, #tpu.memory_space<vmem>>)
        %dma_wait3A_939 = arith.constant 0 : i32
        %dma_wait3A_940 = tpu.memref_slice %arg16[%add3A_355, %dma_wait3A_939] : memref<128x32xf32, #tpu.memory_space<vmem>> -> memref<1x32xf32, #tpu.memory_space<vmem>>
        %dma_wait3A_941 = arith.constant 0 : i32
        %dma_wait3A_942 = tpu.memref_slice %arg6[%squeeze3A_349, %dma_wait3A_941] : memref<1000000x32xf32, #tpu.memory_space<hbm>> -> memref<1x32xf32, #tpu.memory_space<hbm>>
        %dma_wait3A_943 = arith.constant 0 : i32
        %dma_wait3A_944 = tpu.memref_slice %arg16[%add3A_355, %dma_wait3A_943] : memref<128x32xf32, #tpu.memory_space<vmem>> -> memref<1x32xf32, #tpu.memory_space<vmem>>
        %dma_wait3A_945 = arith.constant 0 : i32
        %dma_wait3A_946 = tpu.memref_slice %arg6[%squeeze3A_349, %dma_wait3A_945] : memref<1000000x32xf32, #tpu.memory_space<hbm>> -> memref<1x32xf32, #tpu.memory_space<hbm>>
        tpu.wait_dma2 semaphore(%arg18 : memref<!tpu.dma_semaphore, #tpu.memory_space<semaphore_mem>>) src(%dma_wait3A_946 : memref<1x32xf32, #tpu.memory_space<hbm>>) dst(%dma_wait3A_944 : memref<1x32xf32, #tpu.memory_space<vmem>>)
        %dma_wait3A_947 = arith.constant 0 : i32
        %dma_wait3A_948 = tpu.memref_slice %arg17[%add3A_355, %dma_wait3A_947] : memref<128x32xf32, #tpu.memory_space<vmem>> -> memref<1x32xf32, #tpu.memory_space<vmem>>
        %dma_wait3A_949 = arith.constant 0 : i32
        %dma_wait3A_950 = tpu.memref_slice %arg7[%squeeze3A_351, %dma_wait3A_949] : memref<1000000x32xf32, #tpu.memory_space<hbm>> -> memref<1x32xf32, #tpu.memory_space<hbm>>
        %dma_wait3A_951 = arith.constant 0 : i32
        %dma_wait3A_952 = tpu.memref_slice %arg17[%add3A_355, %dma_wait3A_951] : memref<128x32xf32, #tpu.memory_space<vmem>> -> memref<1x32xf32, #tpu.memory_space<vmem>>
        %dma_wait3A_953 = arith.constant 0 : i32
        %dma_wait3A_954 = tpu.memref_slice %arg7[%squeeze3A_351, %dma_wait3A_953] : memref<1000000x32xf32, #tpu.memory_space<hbm>> -> memref<1x32xf32, #tpu.memory_space<hbm>>
        tpu.wait_dma2 semaphore(%arg18 : memref<!tpu.dma_semaphore, #tpu.memory_space<semaphore_mem>>) src(%dma_wait3A_954 : memref<1x32xf32, #tpu.memory_space<hbm>>) dst(%dma_wait3A_952 : memref<1x32xf32, #tpu.memory_space<vmem>>)
        %dma_wait3A_955 = arith.constant 0 : i32
        %dma_wait3A_956 = tpu.memref_slice %arg14[%add3A_395, %dma_wait3A_955] : memref<128x32xf32, #tpu.memory_space<vmem>> -> memref<1x32xf32, #tpu.memory_space<vmem>>
        %dma_wait3A_957 = arith.constant 0 : i32
        %dma_wait3A_958 = tpu.memref_slice %arg4[%squeeze3A_389, %dma_wait3A_957] : memref<1000000x32xf32, #tpu.memory_space<hbm>> -> memref<1x32xf32, #tpu.memory_space<hbm>>
        %dma_wait3A_959 = arith.constant 0 : i32
        %dma_wait3A_960 = tpu.memref_slice %arg14[%add3A_395, %dma_wait3A_959] : memref<128x32xf32, #tpu.memory_space<vmem>> -> memref<1x32xf32, #tpu.memory_space<vmem>>
        %dma_wait3A_961 = arith.constant 0 : i32
        %dma_wait3A_962 = tpu.memref_slice %arg4[%squeeze3A_389, %dma_wait3A_961] : memref<1000000x32xf32, #tpu.memory_space<hbm>> -> memref<1x32xf32, #tpu.memory_space<hbm>>
        tpu.wait_dma2 semaphore(%arg18 : memref<!tpu.dma_semaphore, #tpu.memory_space<semaphore_mem>>) src(%dma_wait3A_962 : memref<1x32xf32, #tpu.memory_space<hbm>>) dst(%dma_wait3A_960 : memref<1x32xf32, #tpu.memory_space<vmem>>)
        %dma_wait3A_963 = arith.constant 0 : i32
        %dma_wait3A_964 = tpu.memref_slice %arg15[%add3A_395, %dma_wait3A_963] : memref<128x32xf32, #tpu.memory_space<vmem>> -> memref<1x32xf32, #tpu.memory_space<vmem>>
        %dma_wait3A_965 = arith.constant 0 : i32
        %dma_wait3A_966 = tpu.memref_slice %arg5[%squeeze3A_391, %dma_wait3A_965] : memref<1000000x32xf32, #tpu.memory_space<hbm>> -> memref<1x32xf32, #tpu.memory_space<hbm>>
        %dma_wait3A_967 = arith.constant 0 : i32
        %dma_wait3A_968 = tpu.memref_slice %arg15[%add3A_395, %dma_wait3A_967] : memref<128x32xf32, #tpu.memory_space<vmem>> -> memref<1x32xf32, #tpu.memory_space<vmem>>
        %dma_wait3A_969 = arith.constant 0 : i32
        %dma_wait3A_970 = tpu.memref_slice %arg5[%squeeze3A_391, %dma_wait3A_969] : memref<1000000x32xf32, #tpu.memory_space<hbm>> -> memref<1x32xf32, #tpu.memory_space<hbm>>
        tpu.wait_dma2 semaphore(%arg18 : memref<!tpu.dma_semaphore, #tpu.memory_space<semaphore_mem>>) src(%dma_wait3A_970 : memref<1x32xf32, #tpu.memory_space<hbm>>) dst(%dma_wait3A_968 : memref<1x32xf32, #tpu.memory_space<vmem>>)
        %dma_wait3A_971 = arith.constant 0 : i32
        %dma_wait3A_972 = tpu.memref_slice %arg16[%add3A_395, %dma_wait3A_971] : memref<128x32xf32, #tpu.memory_space<vmem>> -> memref<1x32xf32, #tpu.memory_space<vmem>>
        %dma_wait3A_973 = arith.constant 0 : i32
        %dma_wait3A_974 = tpu.memref_slice %arg6[%squeeze3A_389, %dma_wait3A_973] : memref<1000000x32xf32, #tpu.memory_space<hbm>> -> memref<1x32xf32, #tpu.memory_space<hbm>>
        %dma_wait3A_975 = arith.constant 0 : i32
        %dma_wait3A_976 = tpu.memref_slice %arg16[%add3A_395, %dma_wait3A_975] : memref<128x32xf32, #tpu.memory_space<vmem>> -> memref<1x32xf32, #tpu.memory_space<vmem>>
        %dma_wait3A_977 = arith.constant 0 : i32
        %dma_wait3A_978 = tpu.memref_slice %arg6[%squeeze3A_389, %dma_wait3A_977] : memref<1000000x32xf32, #tpu.memory_space<hbm>> -> memref<1x32xf32, #tpu.memory_space<hbm>>
        tpu.wait_dma2 semaphore(%arg18 : memref<!tpu.dma_semaphore, #tpu.memory_space<semaphore_mem>>) src(%dma_wait3A_978 : memref<1x32xf32, #tpu.memory_space<hbm>>) dst(%dma_wait3A_976 : memref<1x32xf32, #tpu.memory_space<vmem>>)
        %dma_wait3A_979 = arith.constant 0 : i32
        %dma_wait3A_980 = tpu.memref_slice %arg17[%add3A_395, %dma_wait3A_979] : memref<128x32xf32, #tpu.memory_space<vmem>> -> memref<1x32xf32, #tpu.memory_space<vmem>>
        %dma_wait3A_981 = arith.constant 0 : i32
        %dma_wait3A_982 = tpu.memref_slice %arg7[%squeeze3A_391, %dma_wait3A_981] : memref<1000000x32xf32, #tpu.memory_space<hbm>> -> memref<1x32xf32, #tpu.memory_space<hbm>>
        %dma_wait3A_983 = arith.constant 0 : i32
        %dma_wait3A_984 = tpu.memref_slice %arg17[%add3A_395, %dma_wait3A_983] : memref<128x32xf32, #tpu.memory_space<vmem>> -> memref<1x32xf32, #tpu.memory_space<vmem>>
        %dma_wait3A_985 = arith.constant 0 : i32
        %dma_wait3A_986 = tpu.memref_slice %arg7[%squeeze3A_391, %dma_wait3A_985] : memref<1000000x32xf32, #tpu.memory_space<hbm>> -> memref<1x32xf32, #tpu.memory_space<hbm>>
        tpu.wait_dma2 semaphore(%arg18 : memref<!tpu.dma_semaphore, #tpu.memory_space<semaphore_mem>>) src(%dma_wait3A_986 : memref<1x32xf32, #tpu.memory_space<hbm>>) dst(%dma_wait3A_984 : memref<1x32xf32, #tpu.memory_space<vmem>>)
        %dma_wait3A_987 = arith.constant 0 : i32
        %dma_wait3A_988 = tpu.memref_slice %arg14[%add3A_435, %dma_wait3A_987] : memref<128x32xf32, #tpu.memory_space<vmem>> -> memref<1x32xf32, #tpu.memory_space<vmem>>
        %dma_wait3A_989 = arith.constant 0 : i32
        %dma_wait3A_990 = tpu.memref_slice %arg4[%squeeze3A_429, %dma_wait3A_989] : memref<1000000x32xf32, #tpu.memory_space<hbm>> -> memref<1x32xf32, #tpu.memory_space<hbm>>
        %dma_wait3A_991 = arith.constant 0 : i32
        %dma_wait3A_992 = tpu.memref_slice %arg14[%add3A_435, %dma_wait3A_991] : memref<128x32xf32, #tpu.memory_space<vmem>> -> memref<1x32xf32, #tpu.memory_space<vmem>>
        %dma_wait3A_993 = arith.constant 0 : i32
        %dma_wait3A_994 = tpu.memref_slice %arg4[%squeeze3A_429, %dma_wait3A_993] : memref<1000000x32xf32, #tpu.memory_space<hbm>> -> memref<1x32xf32, #tpu.memory_space<hbm>>
        tpu.wait_dma2 semaphore(%arg18 : memref<!tpu.dma_semaphore, #tpu.memory_space<semaphore_mem>>) src(%dma_wait3A_994 : memref<1x32xf32, #tpu.memory_space<hbm>>) dst(%dma_wait3A_992 : memref<1x32xf32, #tpu.memory_space<vmem>>)
        %dma_wait3A_995 = arith.constant 0 : i32
        %dma_wait3A_996 = tpu.memref_slice %arg15[%add3A_435, %dma_wait3A_995] : memref<128x32xf32, #tpu.memory_space<vmem>> -> memref<1x32xf32, #tpu.memory_space<vmem>>
        %dma_wait3A_997 = arith.constant 0 : i32
        %dma_wait3A_998 = tpu.memref_slice %arg5[%squeeze3A_431, %dma_wait3A_997] : memref<1000000x32xf32, #tpu.memory_space<hbm>> -> memref<1x32xf32, #tpu.memory_space<hbm>>
        %dma_wait3A_999 = arith.constant 0 : i32
        %dma_wait3A_1000 = tpu.memref_slice %arg15[%add3A_435, %dma_wait3A_999] : memref<128x32xf32, #tpu.memory_space<vmem>> -> memref<1x32xf32, #tpu.memory_space<vmem>>
        %dma_wait3A_1001 = arith.constant 0 : i32
        %dma_wait3A_1002 = tpu.memref_slice %arg5[%squeeze3A_431, %dma_wait3A_1001] : memref<1000000x32xf32, #tpu.memory_space<hbm>> -> memref<1x32xf32, #tpu.memory_space<hbm>>
        tpu.wait_dma2 semaphore(%arg18 : memref<!tpu.dma_semaphore, #tpu.memory_space<semaphore_mem>>) src(%dma_wait3A_1002 : memref<1x32xf32, #tpu.memory_space<hbm>>) dst(%dma_wait3A_1000 : memref<1x32xf32, #tpu.memory_space<vmem>>)
        %dma_wait3A_1003 = arith.constant 0 : i32
        %dma_wait3A_1004 = tpu.memref_slice %arg16[%add3A_435, %dma_wait3A_1003] : memref<128x32xf32, #tpu.memory_space<vmem>> -> memref<1x32xf32, #tpu.memory_space<vmem>>
        %dma_wait3A_1005 = arith.constant 0 : i32
        %dma_wait3A_1006 = tpu.memref_slice %arg6[%squeeze3A_429, %dma_wait3A_1005] : memref<1000000x32xf32, #tpu.memory_space<hbm>> -> memref<1x32xf32, #tpu.memory_space<hbm>>
        %dma_wait3A_1007 = arith.constant 0 : i32
        %dma_wait3A_1008 = tpu.memref_slice %arg16[%add3A_435, %dma_wait3A_1007] : memref<128x32xf32, #tpu.memory_space<vmem>> -> memref<1x32xf32, #tpu.memory_space<vmem>>
        %dma_wait3A_1009 = arith.constant 0 : i32
        %dma_wait3A_1010 = tpu.memref_slice %arg6[%squeeze3A_429, %dma_wait3A_1009] : memref<1000000x32xf32, #tpu.memory_space<hbm>> -> memref<1x32xf32, #tpu.memory_space<hbm>>
        tpu.wait_dma2 semaphore(%arg18 : memref<!tpu.dma_semaphore, #tpu.memory_space<semaphore_mem>>) src(%dma_wait3A_1010 : memref<1x32xf32, #tpu.memory_space<hbm>>) dst(%dma_wait3A_1008 : memref<1x32xf32, #tpu.memory_space<vmem>>)
        %dma_wait3A_1011 = arith.constant 0 : i32
        %dma_wait3A_1012 = tpu.memref_slice %arg17[%add3A_435, %dma_wait3A_1011] : memref<128x32xf32, #tpu.memory_space<vmem>> -> memref<1x32xf32, #tpu.memory_space<vmem>>
        %dma_wait3A_1013 = arith.constant 0 : i32
        %dma_wait3A_1014 = tpu.memref_slice %arg7[%squeeze3A_431, %dma_wait3A_1013] : memref<1000000x32xf32, #tpu.memory_space<hbm>> -> memref<1x32xf32, #tpu.memory_space<hbm>>
        %dma_wait3A_1015 = arith.constant 0 : i32
        %dma_wait3A_1016 = tpu.memref_slice %arg17[%add3A_435, %dma_wait3A_1015] : memref<128x32xf32, #tpu.memory_space<vmem>> -> memref<1x32xf32, #tpu.memory_space<vmem>>
        %dma_wait3A_1017 = arith.constant 0 : i32
        %dma_wait3A_1018 = tpu.memref_slice %arg7[%squeeze3A_431, %dma_wait3A_1017] : memref<1000000x32xf32, #tpu.memory_space<hbm>> -> memref<1x32xf32, #tpu.memory_space<hbm>>
        tpu.wait_dma2 semaphore(%arg18 : memref<!tpu.dma_semaphore, #tpu.memory_space<semaphore_mem>>) src(%dma_wait3A_1018 : memref<1x32xf32, #tpu.memory_space<hbm>>) dst(%dma_wait3A_1016 : memref<1x32xf32, #tpu.memory_space<vmem>>)
        %dma_wait3A_1019 = arith.constant 0 : i32
        %dma_wait3A_1020 = tpu.memref_slice %arg14[%add3A_475, %dma_wait3A_1019] : memref<128x32xf32, #tpu.memory_space<vmem>> -> memref<1x32xf32, #tpu.memory_space<vmem>>
        %dma_wait3A_1021 = arith.constant 0 : i32
        %dma_wait3A_1022 = tpu.memref_slice %arg4[%squeeze3A_469, %dma_wait3A_1021] : memref<1000000x32xf32, #tpu.memory_space<hbm>> -> memref<1x32xf32, #tpu.memory_space<hbm>>
        %dma_wait3A_1023 = arith.constant 0 : i32
        %dma_wait3A_1024 = tpu.memref_slice %arg14[%add3A_475, %dma_wait3A_1023] : memref<128x32xf32, #tpu.memory_space<vmem>> -> memref<1x32xf32, #tpu.memory_space<vmem>>
        %dma_wait3A_1025 = arith.constant 0 : i32
        %dma_wait3A_1026 = tpu.memref_slice %arg4[%squeeze3A_469, %dma_wait3A_1025] : memref<1000000x32xf32, #tpu.memory_space<hbm>> -> memref<1x32xf32, #tpu.memory_space<hbm>>
        tpu.wait_dma2 semaphore(%arg18 : memref<!tpu.dma_semaphore, #tpu.memory_space<semaphore_mem>>) src(%dma_wait3A_1026 : memref<1x32xf32, #tpu.memory_space<hbm>>) dst(%dma_wait3A_1024 : memref<1x32xf32, #tpu.memory_space<vmem>>)
        %dma_wait3A_1027 = arith.constant 0 : i32
        %dma_wait3A_1028 = tpu.memref_slice %arg15[%add3A_475, %dma_wait3A_1027] : memref<128x32xf32, #tpu.memory_space<vmem>> -> memref<1x32xf32, #tpu.memory_space<vmem>>
        %dma_wait3A_1029 = arith.constant 0 : i32
        %dma_wait3A_1030 = tpu.memref_slice %arg5[%squeeze3A_471, %dma_wait3A_1029] : memref<1000000x32xf32, #tpu.memory_space<hbm>> -> memref<1x32xf32, #tpu.memory_space<hbm>>
        %dma_wait3A_1031 = arith.constant 0 : i32
        %dma_wait3A_1032 = tpu.memref_slice %arg15[%add3A_475, %dma_wait3A_1031] : memref<128x32xf32, #tpu.memory_space<vmem>> -> memref<1x32xf32, #tpu.memory_space<vmem>>
        %dma_wait3A_1033 = arith.constant 0 : i32
        %dma_wait3A_1034 = tpu.memref_slice %arg5[%squeeze3A_471, %dma_wait3A_1033] : memref<1000000x32xf32, #tpu.memory_space<hbm>> -> memref<1x32xf32, #tpu.memory_space<hbm>>
        tpu.wait_dma2 semaphore(%arg18 : memref<!tpu.dma_semaphore, #tpu.memory_space<semaphore_mem>>) src(%dma_wait3A_1034 : memref<1x32xf32, #tpu.memory_space<hbm>>) dst(%dma_wait3A_1032 : memref<1x32xf32, #tpu.memory_space<vmem>>)
        %dma_wait3A_1035 = arith.constant 0 : i32
        %dma_wait3A_1036 = tpu.memref_slice %arg16[%add3A_475, %dma_wait3A_1035] : memref<128x32xf32, #tpu.memory_space<vmem>> -> memref<1x32xf32, #tpu.memory_space<vmem>>
        %dma_wait3A_1037 = arith.constant 0 : i32
        %dma_wait3A_1038 = tpu.memref_slice %arg6[%squeeze3A_469, %dma_wait3A_1037] : memref<1000000x32xf32, #tpu.memory_space<hbm>> -> memref<1x32xf32, #tpu.memory_space<hbm>>
        %dma_wait3A_1039 = arith.constant 0 : i32
        %dma_wait3A_1040 = tpu.memref_slice %arg16[%add3A_475, %dma_wait3A_1039] : memref<128x32xf32, #tpu.memory_space<vmem>> -> memref<1x32xf32, #tpu.memory_space<vmem>>
        %dma_wait3A_1041 = arith.constant 0 : i32
        %dma_wait3A_1042 = tpu.memref_slice %arg6[%squeeze3A_469, %dma_wait3A_1041] : memref<1000000x32xf32, #tpu.memory_space<hbm>> -> memref<1x32xf32, #tpu.memory_space<hbm>>
        tpu.wait_dma2 semaphore(%arg18 : memref<!tpu.dma_semaphore, #tpu.memory_space<semaphore_mem>>) src(%dma_wait3A_1042 : memref<1x32xf32, #tpu.memory_space<hbm>>) dst(%dma_wait3A_1040 : memref<1x32xf32, #tpu.memory_space<vmem>>)
        %dma_wait3A_1043 = arith.constant 0 : i32
        %dma_wait3A_1044 = tpu.memref_slice %arg17[%add3A_475, %dma_wait3A_1043] : memref<128x32xf32, #tpu.memory_space<vmem>> -> memref<1x32xf32, #tpu.memory_space<vmem>>
        %dma_wait3A_1045 = arith.constant 0 : i32
        %dma_wait3A_1046 = tpu.memref_slice %arg7[%squeeze3A_471, %dma_wait3A_1045] : memref<1000000x32xf32, #tpu.memory_space<hbm>> -> memref<1x32xf32, #tpu.memory_space<hbm>>
        %dma_wait3A_1047 = arith.constant 0 : i32
        %dma_wait3A_1048 = tpu.memref_slice %arg17[%add3A_475, %dma_wait3A_1047] : memref<128x32xf32, #tpu.memory_space<vmem>> -> memref<1x32xf32, #tpu.memory_space<vmem>>
        %dma_wait3A_1049 = arith.constant 0 : i32
        %dma_wait3A_1050 = tpu.memref_slice %arg7[%squeeze3A_471, %dma_wait3A_1049] : memref<1000000x32xf32, #tpu.memory_space<hbm>> -> memref<1x32xf32, #tpu.memory_space<hbm>>
        tpu.wait_dma2 semaphore(%arg18 : memref<!tpu.dma_semaphore, #tpu.memory_space<semaphore_mem>>) src(%dma_wait3A_1050 : memref<1x32xf32, #tpu.memory_space<hbm>>) dst(%dma_wait3A_1048 : memref<1x32xf32, #tpu.memory_space<vmem>>)
        %dma_wait3A_1051 = arith.constant 0 : i32
        %dma_wait3A_1052 = tpu.memref_slice %arg14[%add3A_515, %dma_wait3A_1051] : memref<128x32xf32, #tpu.memory_space<vmem>> -> memref<1x32xf32, #tpu.memory_space<vmem>>
        %dma_wait3A_1053 = arith.constant 0 : i32
        %dma_wait3A_1054 = tpu.memref_slice %arg4[%squeeze3A_509, %dma_wait3A_1053] : memref<1000000x32xf32, #tpu.memory_space<hbm>> -> memref<1x32xf32, #tpu.memory_space<hbm>>
        %dma_wait3A_1055 = arith.constant 0 : i32
        %dma_wait3A_1056 = tpu.memref_slice %arg14[%add3A_515, %dma_wait3A_1055] : memref<128x32xf32, #tpu.memory_space<vmem>> -> memref<1x32xf32, #tpu.memory_space<vmem>>
        %dma_wait3A_1057 = arith.constant 0 : i32
        %dma_wait3A_1058 = tpu.memref_slice %arg4[%squeeze3A_509, %dma_wait3A_1057] : memref<1000000x32xf32, #tpu.memory_space<hbm>> -> memref<1x32xf32, #tpu.memory_space<hbm>>
        tpu.wait_dma2 semaphore(%arg18 : memref<!tpu.dma_semaphore, #tpu.memory_space<semaphore_mem>>) src(%dma_wait3A_1058 : memref<1x32xf32, #tpu.memory_space<hbm>>) dst(%dma_wait3A_1056 : memref<1x32xf32, #tpu.memory_space<vmem>>)
        %dma_wait3A_1059 = arith.constant 0 : i32
        %dma_wait3A_1060 = tpu.memref_slice %arg15[%add3A_515, %dma_wait3A_1059] : memref<128x32xf32, #tpu.memory_space<vmem>> -> memref<1x32xf32, #tpu.memory_space<vmem>>
        %dma_wait3A_1061 = arith.constant 0 : i32
        %dma_wait3A_1062 = tpu.memref_slice %arg5[%squeeze3A_511, %dma_wait3A_1061] : memref<1000000x32xf32, #tpu.memory_space<hbm>> -> memref<1x32xf32, #tpu.memory_space<hbm>>
        %dma_wait3A_1063 = arith.constant 0 : i32
        %dma_wait3A_1064 = tpu.memref_slice %arg15[%add3A_515, %dma_wait3A_1063] : memref<128x32xf32, #tpu.memory_space<vmem>> -> memref<1x32xf32, #tpu.memory_space<vmem>>
        %dma_wait3A_1065 = arith.constant 0 : i32
        %dma_wait3A_1066 = tpu.memref_slice %arg5[%squeeze3A_511, %dma_wait3A_1065] : memref<1000000x32xf32, #tpu.memory_space<hbm>> -> memref<1x32xf32, #tpu.memory_space<hbm>>
        tpu.wait_dma2 semaphore(%arg18 : memref<!tpu.dma_semaphore, #tpu.memory_space<semaphore_mem>>) src(%dma_wait3A_1066 : memref<1x32xf32, #tpu.memory_space<hbm>>) dst(%dma_wait3A_1064 : memref<1x32xf32, #tpu.memory_space<vmem>>)
        %dma_wait3A_1067 = arith.constant 0 : i32
        %dma_wait3A_1068 = tpu.memref_slice %arg16[%add3A_515, %dma_wait3A_1067] : memref<128x32xf32, #tpu.memory_space<vmem>> -> memref<1x32xf32, #tpu.memory_space<vmem>>
        %dma_wait3A_1069 = arith.constant 0 : i32
        %dma_wait3A_1070 = tpu.memref_slice %arg6[%squeeze3A_509, %dma_wait3A_1069] : memref<1000000x32xf32, #tpu.memory_space<hbm>> -> memref<1x32xf32, #tpu.memory_space<hbm>>
        %dma_wait3A_1071 = arith.constant 0 : i32
        %dma_wait3A_1072 = tpu.memref_slice %arg16[%add3A_515, %dma_wait3A_1071] : memref<128x32xf32, #tpu.memory_space<vmem>> -> memref<1x32xf32, #tpu.memory_space<vmem>>
        %dma_wait3A_1073 = arith.constant 0 : i32
        %dma_wait3A_1074 = tpu.memref_slice %arg6[%squeeze3A_509, %dma_wait3A_1073] : memref<1000000x32xf32, #tpu.memory_space<hbm>> -> memref<1x32xf32, #tpu.memory_space<hbm>>
        tpu.wait_dma2 semaphore(%arg18 : memref<!tpu.dma_semaphore, #tpu.memory_space<semaphore_mem>>) src(%dma_wait3A_1074 : memref<1x32xf32, #tpu.memory_space<hbm>>) dst(%dma_wait3A_1072 : memref<1x32xf32, #tpu.memory_space<vmem>>)
        %dma_wait3A_1075 = arith.constant 0 : i32
        %dma_wait3A_1076 = tpu.memref_slice %arg17[%add3A_515, %dma_wait3A_1075] : memref<128x32xf32, #tpu.memory_space<vmem>> -> memref<1x32xf32, #tpu.memory_space<vmem>>
        %dma_wait3A_1077 = arith.constant 0 : i32
        %dma_wait3A_1078 = tpu.memref_slice %arg7[%squeeze3A_511, %dma_wait3A_1077] : memref<1000000x32xf32, #tpu.memory_space<hbm>> -> memref<1x32xf32, #tpu.memory_space<hbm>>
        %dma_wait3A_1079 = arith.constant 0 : i32
        %dma_wait3A_1080 = tpu.memref_slice %arg17[%add3A_515, %dma_wait3A_1079] : memref<128x32xf32, #tpu.memory_space<vmem>> -> memref<1x32xf32, #tpu.memory_space<vmem>>
        %dma_wait3A_1081 = arith.constant 0 : i32
        %dma_wait3A_1082 = tpu.memref_slice %arg7[%squeeze3A_511, %dma_wait3A_1081] : memref<1000000x32xf32, #tpu.memory_space<hbm>> -> memref<1x32xf32, #tpu.memory_space<hbm>>
        tpu.wait_dma2 semaphore(%arg18 : memref<!tpu.dma_semaphore, #tpu.memory_space<semaphore_mem>>) src(%dma_wait3A_1082 : memref<1x32xf32, #tpu.memory_space<hbm>>) dst(%dma_wait3A_1080 : memref<1x32xf32, #tpu.memory_space<vmem>>)
        %dma_wait3A_1083 = arith.constant 0 : i32
        %dma_wait3A_1084 = tpu.memref_slice %arg14[%add3A_555, %dma_wait3A_1083] : memref<128x32xf32, #tpu.memory_space<vmem>> -> memref<1x32xf32, #tpu.memory_space<vmem>>
        %dma_wait3A_1085 = arith.constant 0 : i32
        %dma_wait3A_1086 = tpu.memref_slice %arg4[%squeeze3A_549, %dma_wait3A_1085] : memref<1000000x32xf32, #tpu.memory_space<hbm>> -> memref<1x32xf32, #tpu.memory_space<hbm>>
        %dma_wait3A_1087 = arith.constant 0 : i32
        %dma_wait3A_1088 = tpu.memref_slice %arg14[%add3A_555, %dma_wait3A_1087] : memref<128x32xf32, #tpu.memory_space<vmem>> -> memref<1x32xf32, #tpu.memory_space<vmem>>
        %dma_wait3A_1089 = arith.constant 0 : i32
        %dma_wait3A_1090 = tpu.memref_slice %arg4[%squeeze3A_549, %dma_wait3A_1089] : memref<1000000x32xf32, #tpu.memory_space<hbm>> -> memref<1x32xf32, #tpu.memory_space<hbm>>
        tpu.wait_dma2 semaphore(%arg18 : memref<!tpu.dma_semaphore, #tpu.memory_space<semaphore_mem>>) src(%dma_wait3A_1090 : memref<1x32xf32, #tpu.memory_space<hbm>>) dst(%dma_wait3A_1088 : memref<1x32xf32, #tpu.memory_space<vmem>>)
        %dma_wait3A_1091 = arith.constant 0 : i32
        %dma_wait3A_1092 = tpu.memref_slice %arg15[%add3A_555, %dma_wait3A_1091] : memref<128x32xf32, #tpu.memory_space<vmem>> -> memref<1x32xf32, #tpu.memory_space<vmem>>
        %dma_wait3A_1093 = arith.constant 0 : i32
        %dma_wait3A_1094 = tpu.memref_slice %arg5[%squeeze3A_551, %dma_wait3A_1093] : memref<1000000x32xf32, #tpu.memory_space<hbm>> -> memref<1x32xf32, #tpu.memory_space<hbm>>
        %dma_wait3A_1095 = arith.constant 0 : i32
        %dma_wait3A_1096 = tpu.memref_slice %arg15[%add3A_555, %dma_wait3A_1095] : memref<128x32xf32, #tpu.memory_space<vmem>> -> memref<1x32xf32, #tpu.memory_space<vmem>>
        %dma_wait3A_1097 = arith.constant 0 : i32
        %dma_wait3A_1098 = tpu.memref_slice %arg5[%squeeze3A_551, %dma_wait3A_1097] : memref<1000000x32xf32, #tpu.memory_space<hbm>> -> memref<1x32xf32, #tpu.memory_space<hbm>>
        tpu.wait_dma2 semaphore(%arg18 : memref<!tpu.dma_semaphore, #tpu.memory_space<semaphore_mem>>) src(%dma_wait3A_1098 : memref<1x32xf32, #tpu.memory_space<hbm>>) dst(%dma_wait3A_1096 : memref<1x32xf32, #tpu.memory_space<vmem>>)
        %dma_wait3A_1099 = arith.constant 0 : i32
        %dma_wait3A_1100 = tpu.memref_slice %arg16[%add3A_555, %dma_wait3A_1099] : memref<128x32xf32, #tpu.memory_space<vmem>> -> memref<1x32xf32, #tpu.memory_space<vmem>>
        %dma_wait3A_1101 = arith.constant 0 : i32
        %dma_wait3A_1102 = tpu.memref_slice %arg6[%squeeze3A_549, %dma_wait3A_1101] : memref<1000000x32xf32, #tpu.memory_space<hbm>> -> memref<1x32xf32, #tpu.memory_space<hbm>>
        %dma_wait3A_1103 = arith.constant 0 : i32
        %dma_wait3A_1104 = tpu.memref_slice %arg16[%add3A_555, %dma_wait3A_1103] : memref<128x32xf32, #tpu.memory_space<vmem>> -> memref<1x32xf32, #tpu.memory_space<vmem>>
        %dma_wait3A_1105 = arith.constant 0 : i32
        %dma_wait3A_1106 = tpu.memref_slice %arg6[%squeeze3A_549, %dma_wait3A_1105] : memref<1000000x32xf32, #tpu.memory_space<hbm>> -> memref<1x32xf32, #tpu.memory_space<hbm>>
        tpu.wait_dma2 semaphore(%arg18 : memref<!tpu.dma_semaphore, #tpu.memory_space<semaphore_mem>>) src(%dma_wait3A_1106 : memref<1x32xf32, #tpu.memory_space<hbm>>) dst(%dma_wait3A_1104 : memref<1x32xf32, #tpu.memory_space<vmem>>)
        %dma_wait3A_1107 = arith.constant 0 : i32
        %dma_wait3A_1108 = tpu.memref_slice %arg17[%add3A_555, %dma_wait3A_1107] : memref<128x32xf32, #tpu.memory_space<vmem>> -> memref<1x32xf32, #tpu.memory_space<vmem>>
        %dma_wait3A_1109 = arith.constant 0 : i32
        %dma_wait3A_1110 = tpu.memref_slice %arg7[%squeeze3A_551, %dma_wait3A_1109] : memref<1000000x32xf32, #tpu.memory_space<hbm>> -> memref<1x32xf32, #tpu.memory_space<hbm>>
        %dma_wait3A_1111 = arith.constant 0 : i32
        %dma_wait3A_1112 = tpu.memref_slice %arg17[%add3A_555, %dma_wait3A_1111] : memref<128x32xf32, #tpu.memory_space<vmem>> -> memref<1x32xf32, #tpu.memory_space<vmem>>
        %dma_wait3A_1113 = arith.constant 0 : i32
        %dma_wait3A_1114 = tpu.memref_slice %arg7[%squeeze3A_551, %dma_wait3A_1113] : memref<1000000x32xf32, #tpu.memory_space<hbm>> -> memref<1x32xf32, #tpu.memory_space<hbm>>
        tpu.wait_dma2 semaphore(%arg18 : memref<!tpu.dma_semaphore, #tpu.memory_space<semaphore_mem>>) src(%dma_wait3A_1114 : memref<1x32xf32, #tpu.memory_space<hbm>>) dst(%dma_wait3A_1112 : memref<1x32xf32, #tpu.memory_space<vmem>>)
        %dma_wait3A_1115 = arith.constant 0 : i32
        %dma_wait3A_1116 = tpu.memref_slice %arg14[%add3A_595, %dma_wait3A_1115] : memref<128x32xf32, #tpu.memory_space<vmem>> -> memref<1x32xf32, #tpu.memory_space<vmem>>
        %dma_wait3A_1117 = arith.constant 0 : i32
        %dma_wait3A_1118 = tpu.memref_slice %arg4[%squeeze3A_589, %dma_wait3A_1117] : memref<1000000x32xf32, #tpu.memory_space<hbm>> -> memref<1x32xf32, #tpu.memory_space<hbm>>
        %dma_wait3A_1119 = arith.constant 0 : i32
        %dma_wait3A_1120 = tpu.memref_slice %arg14[%add3A_595, %dma_wait3A_1119] : memref<128x32xf32, #tpu.memory_space<vmem>> -> memref<1x32xf32, #tpu.memory_space<vmem>>
        %dma_wait3A_1121 = arith.constant 0 : i32
        %dma_wait3A_1122 = tpu.memref_slice %arg4[%squeeze3A_589, %dma_wait3A_1121] : memref<1000000x32xf32, #tpu.memory_space<hbm>> -> memref<1x32xf32, #tpu.memory_space<hbm>>
        tpu.wait_dma2 semaphore(%arg18 : memref<!tpu.dma_semaphore, #tpu.memory_space<semaphore_mem>>) src(%dma_wait3A_1122 : memref<1x32xf32, #tpu.memory_space<hbm>>) dst(%dma_wait3A_1120 : memref<1x32xf32, #tpu.memory_space<vmem>>)
        %dma_wait3A_1123 = arith.constant 0 : i32
        %dma_wait3A_1124 = tpu.memref_slice %arg15[%add3A_595, %dma_wait3A_1123] : memref<128x32xf32, #tpu.memory_space<vmem>> -> memref<1x32xf32, #tpu.memory_space<vmem>>
        %dma_wait3A_1125 = arith.constant 0 : i32
        %dma_wait3A_1126 = tpu.memref_slice %arg5[%squeeze3A_591, %dma_wait3A_1125] : memref<1000000x32xf32, #tpu.memory_space<hbm>> -> memref<1x32xf32, #tpu.memory_space<hbm>>
        %dma_wait3A_1127 = arith.constant 0 : i32
        %dma_wait3A_1128 = tpu.memref_slice %arg15[%add3A_595, %dma_wait3A_1127] : memref<128x32xf32, #tpu.memory_space<vmem>> -> memref<1x32xf32, #tpu.memory_space<vmem>>
        %dma_wait3A_1129 = arith.constant 0 : i32
        %dma_wait3A_1130 = tpu.memref_slice %arg5[%squeeze3A_591, %dma_wait3A_1129] : memref<1000000x32xf32, #tpu.memory_space<hbm>> -> memref<1x32xf32, #tpu.memory_space<hbm>>
        tpu.wait_dma2 semaphore(%arg18 : memref<!tpu.dma_semaphore, #tpu.memory_space<semaphore_mem>>) src(%dma_wait3A_1130 : memref<1x32xf32, #tpu.memory_space<hbm>>) dst(%dma_wait3A_1128 : memref<1x32xf32, #tpu.memory_space<vmem>>)
        %dma_wait3A_1131 = arith.constant 0 : i32
        %dma_wait3A_1132 = tpu.memref_slice %arg16[%add3A_595, %dma_wait3A_1131] : memref<128x32xf32, #tpu.memory_space<vmem>> -> memref<1x32xf32, #tpu.memory_space<vmem>>
        %dma_wait3A_1133 = arith.constant 0 : i32
        %dma_wait3A_1134 = tpu.memref_slice %arg6[%squeeze3A_589, %dma_wait3A_1133] : memref<1000000x32xf32, #tpu.memory_space<hbm>> -> memref<1x32xf32, #tpu.memory_space<hbm>>
        %dma_wait3A_1135 = arith.constant 0 : i32
        %dma_wait3A_1136 = tpu.memref_slice %arg16[%add3A_595, %dma_wait3A_1135] : memref<128x32xf32, #tpu.memory_space<vmem>> -> memref<1x32xf32, #tpu.memory_space<vmem>>
        %dma_wait3A_1137 = arith.constant 0 : i32
        %dma_wait3A_1138 = tpu.memref_slice %arg6[%squeeze3A_589, %dma_wait3A_1137] : memref<1000000x32xf32, #tpu.memory_space<hbm>> -> memref<1x32xf32, #tpu.memory_space<hbm>>
        tpu.wait_dma2 semaphore(%arg18 : memref<!tpu.dma_semaphore, #tpu.memory_space<semaphore_mem>>) src(%dma_wait3A_1138 : memref<1x32xf32, #tpu.memory_space<hbm>>) dst(%dma_wait3A_1136 : memref<1x32xf32, #tpu.memory_space<vmem>>)
        %dma_wait3A_1139 = arith.constant 0 : i32
        %dma_wait3A_1140 = tpu.memref_slice %arg17[%add3A_595, %dma_wait3A_1139] : memref<128x32xf32, #tpu.memory_space<vmem>> -> memref<1x32xf32, #tpu.memory_space<vmem>>
        %dma_wait3A_1141 = arith.constant 0 : i32
        %dma_wait3A_1142 = tpu.memref_slice %arg7[%squeeze3A_591, %dma_wait3A_1141] : memref<1000000x32xf32, #tpu.memory_space<hbm>> -> memref<1x32xf32, #tpu.memory_space<hbm>>
        %dma_wait3A_1143 = arith.constant 0 : i32
        %dma_wait3A_1144 = tpu.memref_slice %arg17[%add3A_595, %dma_wait3A_1143] : memref<128x32xf32, #tpu.memory_space<vmem>> -> memref<1x32xf32, #tpu.memory_space<vmem>>
        %dma_wait3A_1145 = arith.constant 0 : i32
        %dma_wait3A_1146 = tpu.memref_slice %arg7[%squeeze3A_591, %dma_wait3A_1145] : memref<1000000x32xf32, #tpu.memory_space<hbm>> -> memref<1x32xf32, #tpu.memory_space<hbm>>
        tpu.wait_dma2 semaphore(%arg18 : memref<!tpu.dma_semaphore, #tpu.memory_space<semaphore_mem>>) src(%dma_wait3A_1146 : memref<1x32xf32, #tpu.memory_space<hbm>>) dst(%dma_wait3A_1144 : memref<1x32xf32, #tpu.memory_space<vmem>>)
        %dma_wait3A_1147 = arith.constant 0 : i32
        %dma_wait3A_1148 = tpu.memref_slice %arg14[%add3A_635, %dma_wait3A_1147] : memref<128x32xf32, #tpu.memory_space<vmem>> -> memref<1x32xf32, #tpu.memory_space<vmem>>
        %dma_wait3A_1149 = arith.constant 0 : i32
        %dma_wait3A_1150 = tpu.memref_slice %arg4[%squeeze3A_629, %dma_wait3A_1149] : memref<1000000x32xf32, #tpu.memory_space<hbm>> -> memref<1x32xf32, #tpu.memory_space<hbm>>
        %dma_wait3A_1151 = arith.constant 0 : i32
        %dma_wait3A_1152 = tpu.memref_slice %arg14[%add3A_635, %dma_wait3A_1151] : memref<128x32xf32, #tpu.memory_space<vmem>> -> memref<1x32xf32, #tpu.memory_space<vmem>>
        %dma_wait3A_1153 = arith.constant 0 : i32
        %dma_wait3A_1154 = tpu.memref_slice %arg4[%squeeze3A_629, %dma_wait3A_1153] : memref<1000000x32xf32, #tpu.memory_space<hbm>> -> memref<1x32xf32, #tpu.memory_space<hbm>>
        tpu.wait_dma2 semaphore(%arg18 : memref<!tpu.dma_semaphore, #tpu.memory_space<semaphore_mem>>) src(%dma_wait3A_1154 : memref<1x32xf32, #tpu.memory_space<hbm>>) dst(%dma_wait3A_1152 : memref<1x32xf32, #tpu.memory_space<vmem>>)
        %dma_wait3A_1155 = arith.constant 0 : i32
        %dma_wait3A_1156 = tpu.memref_slice %arg15[%add3A_635, %dma_wait3A_1155] : memref<128x32xf32, #tpu.memory_space<vmem>> -> memref<1x32xf32, #tpu.memory_space<vmem>>
        %dma_wait3A_1157 = arith.constant 0 : i32
        %dma_wait3A_1158 = tpu.memref_slice %arg5[%squeeze3A_631, %dma_wait3A_1157] : memref<1000000x32xf32, #tpu.memory_space<hbm>> -> memref<1x32xf32, #tpu.memory_space<hbm>>
        %dma_wait3A_1159 = arith.constant 0 : i32
        %dma_wait3A_1160 = tpu.memref_slice %arg15[%add3A_635, %dma_wait3A_1159] : memref<128x32xf32, #tpu.memory_space<vmem>> -> memref<1x32xf32, #tpu.memory_space<vmem>>
        %dma_wait3A_1161 = arith.constant 0 : i32
        %dma_wait3A_1162 = tpu.memref_slice %arg5[%squeeze3A_631, %dma_wait3A_1161] : memref<1000000x32xf32, #tpu.memory_space<hbm>> -> memref<1x32xf32, #tpu.memory_space<hbm>>
        tpu.wait_dma2 semaphore(%arg18 : memref<!tpu.dma_semaphore, #tpu.memory_space<semaphore_mem>>) src(%dma_wait3A_1162 : memref<1x32xf32, #tpu.memory_space<hbm>>) dst(%dma_wait3A_1160 : memref<1x32xf32, #tpu.memory_space<vmem>>)
        %dma_wait3A_1163 = arith.constant 0 : i32
        %dma_wait3A_1164 = tpu.memref_slice %arg16[%add3A_635, %dma_wait3A_1163] : memref<128x32xf32, #tpu.memory_space<vmem>> -> memref<1x32xf32, #tpu.memory_space<vmem>>
        %dma_wait3A_1165 = arith.constant 0 : i32
        %dma_wait3A_1166 = tpu.memref_slice %arg6[%squeeze3A_629, %dma_wait3A_1165] : memref<1000000x32xf32, #tpu.memory_space<hbm>> -> memref<1x32xf32, #tpu.memory_space<hbm>>
        %dma_wait3A_1167 = arith.constant 0 : i32
        %dma_wait3A_1168 = tpu.memref_slice %arg16[%add3A_635, %dma_wait3A_1167] : memref<128x32xf32, #tpu.memory_space<vmem>> -> memref<1x32xf32, #tpu.memory_space<vmem>>
        %dma_wait3A_1169 = arith.constant 0 : i32
        %dma_wait3A_1170 = tpu.memref_slice %arg6[%squeeze3A_629, %dma_wait3A_1169] : memref<1000000x32xf32, #tpu.memory_space<hbm>> -> memref<1x32xf32, #tpu.memory_space<hbm>>
        tpu.wait_dma2 semaphore(%arg18 : memref<!tpu.dma_semaphore, #tpu.memory_space<semaphore_mem>>) src(%dma_wait3A_1170 : memref<1x32xf32, #tpu.memory_space<hbm>>) dst(%dma_wait3A_1168 : memref<1x32xf32, #tpu.memory_space<vmem>>)
        %dma_wait3A_1171 = arith.constant 0 : i32
        %dma_wait3A_1172 = tpu.memref_slice %arg17[%add3A_635, %dma_wait3A_1171] : memref<128x32xf32, #tpu.memory_space<vmem>> -> memref<1x32xf32, #tpu.memory_space<vmem>>
        %dma_wait3A_1173 = arith.constant 0 : i32
        %dma_wait3A_1174 = tpu.memref_slice %arg7[%squeeze3A_631, %dma_wait3A_1173] : memref<1000000x32xf32, #tpu.memory_space<hbm>> -> memref<1x32xf32, #tpu.memory_space<hbm>>
        %dma_wait3A_1175 = arith.constant 0 : i32
        %dma_wait3A_1176 = tpu.memref_slice %arg17[%add3A_635, %dma_wait3A_1175] : memref<128x32xf32, #tpu.memory_space<vmem>> -> memref<1x32xf32, #tpu.memory_space<vmem>>
        %dma_wait3A_1177 = arith.constant 0 : i32
        %dma_wait3A_1178 = tpu.memref_slice %arg7[%squeeze3A_631, %dma_wait3A_1177] : memref<1000000x32xf32, #tpu.memory_space<hbm>> -> memref<1x32xf32, #tpu.memory_space<hbm>>
        tpu.wait_dma2 semaphore(%arg18 : memref<!tpu.dma_semaphore, #tpu.memory_space<semaphore_mem>>) src(%dma_wait3A_1178 : memref<1x32xf32, #tpu.memory_space<hbm>>) dst(%dma_wait3A_1176 : memref<1x32xf32, #tpu.memory_space<vmem>>)
      }
      %scan3A_14 = arith.constant 8 : i32
      %add3A_15 = arith.addi %mul3A_2, %mul3A_9 : i32
      "tpu.region"() ({
        %run_scoped3A = tpu.sem_alloc : memref<!tpu.dma_semaphore, #tpu.memory_space<semaphore_mem>>
        %dma_start3A = arith.constant 0 : i32
        %dma_start3A_19 = tpu.memref_slice %arg8[%add3A_15, %dma_start3A] : memref<16384x32xf32, #tpu.memory_space<hbm>> -> memref<128x32xf32, #tpu.memory_space<hbm>>
        %dma_start3A_20 = arith.constant 0 : i32
        %dma_start3A_21 = tpu.memref_slice %arg8[%add3A_15, %dma_start3A_20] : memref<16384x32xf32, #tpu.memory_space<hbm>> -> memref<128x32xf32, #tpu.memory_space<hbm>>
        tpu.enqueue_dma source(%arg14 : memref<128x32xf32, #tpu.memory_space<vmem>>) target(%dma_start3A_21 : memref<128x32xf32, #tpu.memory_space<hbm>>) target_semaphore(%run_scoped3A : memref<!tpu.dma_semaphore, #tpu.memory_space<semaphore_mem>>)
        %dma_wait3A = arith.constant 0 : i32
        %dma_wait3A_22 = tpu.memref_slice %arg8[%add3A_15, %dma_wait3A] : memref<16384x32xf32, #tpu.memory_space<hbm>> -> memref<128x32xf32, #tpu.memory_space<hbm>>
        %dma_wait3A_23 = arith.constant 0 : i32
        %dma_wait3A_24 = tpu.memref_slice %arg8[%add3A_15, %dma_wait3A_23] : memref<16384x32xf32, #tpu.memory_space<hbm>> -> memref<128x32xf32, #tpu.memory_space<hbm>>
        tpu.wait_dma2 semaphore(%run_scoped3A : memref<!tpu.dma_semaphore, #tpu.memory_space<semaphore_mem>>) src(%arg14 : memref<128x32xf32, #tpu.memory_space<vmem>>) dst(%dma_wait3A_24 : memref<128x32xf32, #tpu.memory_space<hbm>>)
        tpu.yield
      }) : () -> ()
      %add3A_16 = arith.addi %mul3A_2, %mul3A_9 : i32
      "tpu.region"() ({
        %run_scoped3A = tpu.sem_alloc : memref<!tpu.dma_semaphore, #tpu.memory_space<semaphore_mem>>
        %dma_start3A = arith.constant 0 : i32
        %dma_start3A_19 = tpu.memref_slice %arg9[%add3A_16, %dma_start3A] : memref<16384x32xf32, #tpu.memory_space<hbm>> -> memref<128x32xf32, #tpu.memory_space<hbm>>
        %dma_start3A_20 = arith.constant 0 : i32
        %dma_start3A_21 = tpu.memref_slice %arg9[%add3A_16, %dma_start3A_20] : memref<16384x32xf32, #tpu.memory_space<hbm>> -> memref<128x32xf32, #tpu.memory_space<hbm>>
        tpu.enqueue_dma source(%arg15 : memref<128x32xf32, #tpu.memory_space<vmem>>) target(%dma_start3A_21 : memref<128x32xf32, #tpu.memory_space<hbm>>) target_semaphore(%run_scoped3A : memref<!tpu.dma_semaphore, #tpu.memory_space<semaphore_mem>>)
        %dma_wait3A = arith.constant 0 : i32
        %dma_wait3A_22 = tpu.memref_slice %arg9[%add3A_16, %dma_wait3A] : memref<16384x32xf32, #tpu.memory_space<hbm>> -> memref<128x32xf32, #tpu.memory_space<hbm>>
        %dma_wait3A_23 = arith.constant 0 : i32
        %dma_wait3A_24 = tpu.memref_slice %arg9[%add3A_16, %dma_wait3A_23] : memref<16384x32xf32, #tpu.memory_space<hbm>> -> memref<128x32xf32, #tpu.memory_space<hbm>>
        tpu.wait_dma2 semaphore(%run_scoped3A : memref<!tpu.dma_semaphore, #tpu.memory_space<semaphore_mem>>) src(%arg15 : memref<128x32xf32, #tpu.memory_space<vmem>>) dst(%dma_wait3A_24 : memref<128x32xf32, #tpu.memory_space<hbm>>)
        tpu.yield
      }) : () -> ()
      %add3A_17 = arith.addi %mul3A_2, %mul3A_9 : i32
      "tpu.region"() ({
        %run_scoped3A = tpu.sem_alloc : memref<!tpu.dma_semaphore, #tpu.memory_space<semaphore_mem>>
        %dma_start3A = arith.constant 0 : i32
        %dma_start3A_19 = tpu.memref_slice %arg10[%add3A_17, %dma_start3A] : memref<16384x32xf32, #tpu.memory_space<hbm>> -> memref<128x32xf32, #tpu.memory_space<hbm>>
        %dma_start3A_20 = arith.constant 0 : i32
        %dma_start3A_21 = tpu.memref_slice %arg10[%add3A_17, %dma_start3A_20] : memref<16384x32xf32, #tpu.memory_space<hbm>> -> memref<128x32xf32, #tpu.memory_space<hbm>>
        tpu.enqueue_dma source(%arg16 : memref<128x32xf32, #tpu.memory_space<vmem>>) target(%dma_start3A_21 : memref<128x32xf32, #tpu.memory_space<hbm>>) target_semaphore(%run_scoped3A : memref<!tpu.dma_semaphore, #tpu.memory_space<semaphore_mem>>)
        %dma_wait3A = arith.constant 0 : i32
        %dma_wait3A_22 = tpu.memref_slice %arg10[%add3A_17, %dma_wait3A] : memref<16384x32xf32, #tpu.memory_space<hbm>> -> memref<128x32xf32, #tpu.memory_space<hbm>>
        %dma_wait3A_23 = arith.constant 0 : i32
        %dma_wait3A_24 = tpu.memref_slice %arg10[%add3A_17, %dma_wait3A_23] : memref<16384x32xf32, #tpu.memory_space<hbm>> -> memref<128x32xf32, #tpu.memory_space<hbm>>
        tpu.wait_dma2 semaphore(%run_scoped3A : memref<!tpu.dma_semaphore, #tpu.memory_space<semaphore_mem>>) src(%arg16 : memref<128x32xf32, #tpu.memory_space<vmem>>) dst(%dma_wait3A_24 : memref<128x32xf32, #tpu.memory_space<hbm>>)
        tpu.yield
      }) : () -> ()
      %add3A_18 = arith.addi %mul3A_2, %mul3A_9 : i32
      "tpu.region"() ({
        %run_scoped3A = tpu.sem_alloc : memref<!tpu.dma_semaphore, #tpu.memory_space<semaphore_mem>>
        %dma_start3A = arith.constant 0 : i32
        %dma_start3A_19 = tpu.memref_slice %arg11[%add3A_18, %dma_start3A] : memref<16384x32xf32, #tpu.memory_space<hbm>> -> memref<128x32xf32, #tpu.memory_space<hbm>>
        %dma_start3A_20 = arith.constant 0 : i32
        %dma_start3A_21 = tpu.memref_slice %arg11[%add3A_18, %dma_start3A_20] : memref<16384x32xf32, #tpu.memory_space<hbm>> -> memref<128x32xf32, #tpu.memory_space<hbm>>
        tpu.enqueue_dma source(%arg17 : memref<128x32xf32, #tpu.memory_space<vmem>>) target(%dma_start3A_21 : memref<128x32xf32, #tpu.memory_space<hbm>>) target_semaphore(%run_scoped3A : memref<!tpu.dma_semaphore, #tpu.memory_space<semaphore_mem>>)
        %dma_wait3A = arith.constant 0 : i32
        %dma_wait3A_22 = tpu.memref_slice %arg11[%add3A_18, %dma_wait3A] : memref<16384x32xf32, #tpu.memory_space<hbm>> -> memref<128x32xf32, #tpu.memory_space<hbm>>
        %dma_wait3A_23 = arith.constant 0 : i32
        %dma_wait3A_24 = tpu.memref_slice %arg11[%add3A_18, %dma_wait3A_23] : memref<16384x32xf32, #tpu.memory_space<hbm>> -> memref<128x32xf32, #tpu.memory_space<hbm>>
        tpu.wait_dma2 semaphore(%run_scoped3A : memref<!tpu.dma_semaphore, #tpu.memory_space<semaphore_mem>>) src(%arg17 : memref<128x32xf32, #tpu.memory_space<vmem>>) dst(%dma_wait3A_24 : memref<128x32xf32, #tpu.memory_space<hbm>>)
        tpu.yield
      }) : () -> ()
    }
    %scan3A_6 = arith.constant 4 : i32
    return
  }
}

module attributes {stable_mosaic.version = 14 : i64} {
  func.func @_mlp_body(%arg0: memref<16384x32xf32, #tpu.memory_space<vmem>>, %arg1: memref<16384x32xf32, #tpu.memory_space<vmem>>, %arg2: memref<16384x32xf32, #tpu.memory_space<vmem>>, %arg3: memref<16384x32xf32, #tpu.memory_space<vmem>>, %arg4: memref<64x64xf32, #tpu.memory_space<vmem>>, %arg5: memref<64xf32, #tpu.memory_space<vmem>>, %arg6: memref<64x32xf32, #tpu.memory_space<vmem>>, %arg7: memref<32xf32, #tpu.memory_space<vmem>>, %arg8: memref<32x16xf32, #tpu.memory_space<vmem>>, %arg9: memref<16xf32, #tpu.memory_space<vmem>>, %arg10: memref<48x1xf32, #tpu.memory_space<vmem>>, %arg11: memref<1xf32, #tpu.memory_space<vmem>>, %arg12: memref<16384x1xf32, #tpu.memory_space<vmem>>) attributes {dimension_semantics = [], scalar_prefetch = 0 : i64, scratch_operands = 0 : i64, tpu.core_type = #tpu.core_type<tc>} {
    %get3A = arith.constant 0 : index
    %get3A_0 = arith.constant 0 : index
    %get3A_1 = vector.load %arg0[%get3A, %get3A_0] : memref<16384x32xf32, #tpu.memory_space<vmem>>, vector<16384x32xf32>
    %get3A_2 = arith.constant 0 : index
    %get3A_3 = arith.constant 0 : index
    %get3A_4 = vector.load %arg1[%get3A_2, %get3A_3] : memref<16384x32xf32, #tpu.memory_space<vmem>>, vector<16384x32xf32>
    %mul3A = arith.mulf %get3A_1, %get3A_4 : vector<16384x32xf32>
    %get3A_5 = arith.constant 0 : index
    %get3A_6 = arith.constant 0 : index
    %get3A_7 = vector.load %arg2[%get3A_5, %get3A_6] : memref<16384x32xf32, #tpu.memory_space<vmem>>, vector<16384x32xf32>
    %get3A_8 = arith.constant 0 : index
    %get3A_9 = arith.constant 0 : index
    %get3A_10 = vector.load %arg3[%get3A_8, %get3A_9] : memref<16384x32xf32, #tpu.memory_space<vmem>>, vector<16384x32xf32>
    %concatenate3A = tpu.concatenate %get3A_7, %get3A_10 in 1 : vector<16384x32xf32>, vector<16384x32xf32> -> vector<16384x64xf32>
    %get3A_11 = arith.constant 0 : index
    %get3A_12 = arith.constant 0 : index
    %get3A_13 = vector.load %arg4[%get3A_11, %get3A_12] : memref<64x64xf32, #tpu.memory_space<vmem>>, vector<64x64xf32>
    %dot_general3A = arith.constant dense<0.000000e+00> : vector<16384x64xf32>
    %dot_general3A_14 = tpu.matmul %concatenate3A, %get3A_13, %dot_general3A {dimension_numbers = #tpu.dot_dimension_numbers<[1], [0], [0], [1], [0, 0, 1, 1], [], []>, transpose_lhs_hint = false} : vector<16384x64xf32>, vector<64x64xf32>, vector<16384x64xf32> -> vector<16384x64xf32>
    %get3A_15 = arith.constant 0 : index
    %get3A_16 = vector.load %arg5[%get3A_15] : memref<64xf32, #tpu.memory_space<vmem>>, vector<64xf32>
    %broadcast_in_dim3A = vector.shape_cast %get3A_16 : vector<64xf32> to vector<1x64xf32>
    %add3A = vector.broadcast %broadcast_in_dim3A : vector<1x64xf32> to vector<16384x64xf32>
    %add3A_17 = arith.addf %dot_general3A_14, %add3A : vector<16384x64xf32>
    %max3A = arith.constant 0.000000e+00 : f32
    %max3A_18 = vector.broadcast %max3A : f32 to vector<16384x64xf32>
    %max3A_19 = arith.maximumf %add3A_17, %max3A_18 : vector<16384x64xf32>
    %get3A_20 = arith.constant 0 : index
    %get3A_21 = arith.constant 0 : index
    %get3A_22 = vector.load %arg6[%get3A_20, %get3A_21] : memref<64x32xf32, #tpu.memory_space<vmem>>, vector<64x32xf32>
    %dot_general3A_23 = arith.constant dense<0.000000e+00> : vector<16384x32xf32>
    %dot_general3A_24 = tpu.matmul %max3A_19, %get3A_22, %dot_general3A_23 {dimension_numbers = #tpu.dot_dimension_numbers<[1], [0], [0], [1], [0, 0, 1, 1], [], []>, transpose_lhs_hint = false} : vector<16384x64xf32>, vector<64x32xf32>, vector<16384x32xf32> -> vector<16384x32xf32>
    %get3A_25 = arith.constant 0 : index
    %get3A_26 = vector.load %arg7[%get3A_25] : memref<32xf32, #tpu.memory_space<vmem>>, vector<32xf32>
    %broadcast_in_dim3A_27 = vector.shape_cast %get3A_26 : vector<32xf32> to vector<1x32xf32>
    %add3A_28 = vector.broadcast %broadcast_in_dim3A_27 : vector<1x32xf32> to vector<16384x32xf32>
    %add3A_29 = arith.addf %dot_general3A_24, %add3A_28 : vector<16384x32xf32>
    %max3A_30 = arith.constant 0.000000e+00 : f32
    %max3A_31 = vector.broadcast %max3A_30 : f32 to vector<16384x32xf32>
    %max3A_32 = arith.maximumf %add3A_29, %max3A_31 : vector<16384x32xf32>
    %get3A_33 = arith.constant 0 : index
    %get3A_34 = arith.constant 0 : index
    %get3A_35 = vector.load %arg8[%get3A_33, %get3A_34] : memref<32x16xf32, #tpu.memory_space<vmem>>, vector<32x16xf32>
    %dot_general3A_36 = arith.constant dense<0.000000e+00> : vector<16384x16xf32>
    %dot_general3A_37 = tpu.matmul %max3A_32, %get3A_35, %dot_general3A_36 {dimension_numbers = #tpu.dot_dimension_numbers<[1], [0], [0], [1], [0, 0, 1, 1], [], []>, transpose_lhs_hint = false} : vector<16384x32xf32>, vector<32x16xf32>, vector<16384x16xf32> -> vector<16384x16xf32>
    %get3A_38 = arith.constant 0 : index
    %get3A_39 = vector.load %arg9[%get3A_38] : memref<16xf32, #tpu.memory_space<vmem>>, vector<16xf32>
    %broadcast_in_dim3A_40 = vector.shape_cast %get3A_39 : vector<16xf32> to vector<1x16xf32>
    %add3A_41 = vector.broadcast %broadcast_in_dim3A_40 : vector<1x16xf32> to vector<16384x16xf32>
    %add3A_42 = arith.addf %dot_general3A_37, %add3A_41 : vector<16384x16xf32>
    %max3A_43 = arith.constant 0.000000e+00 : f32
    %max3A_44 = vector.broadcast %max3A_43 : f32 to vector<16384x16xf32>
    %max3A_45 = arith.maximumf %add3A_42, %max3A_44 : vector<16384x16xf32>
    %concatenate3A_46 = tpu.concatenate %mul3A, %max3A_45 in 1 : vector<16384x32xf32>, vector<16384x16xf32> -> vector<16384x48xf32>
    %get3A_47 = arith.constant 0 : index
    %get3A_48 = arith.constant 0 : index
    %get3A_49 = vector.load %arg10[%get3A_47, %get3A_48] : memref<48x1xf32, #tpu.memory_space<vmem>>, vector<48x1xf32>
    %dot_general3A_50 = arith.constant dense<0.000000e+00> : vector<16384x1xf32>
    %dot_general3A_51 = tpu.matmul %concatenate3A_46, %get3A_49, %dot_general3A_50 {dimension_numbers = #tpu.dot_dimension_numbers<[1], [0], [0], [1], [0, 0, 1, 1], [], []>, transpose_lhs_hint = false} : vector<16384x48xf32>, vector<48x1xf32>, vector<16384x1xf32> -> vector<16384x1xf32>
    %get3A_52 = arith.constant 0 : index
    %get3A_53 = vector.load %arg11[%get3A_52] : memref<1xf32, #tpu.memory_space<vmem>>, vector<1xf32>
    %broadcast_in_dim3A_54 = vector.shape_cast %get3A_53 : vector<1xf32> to vector<1x1xf32>
    %add3A_55 = vector.broadcast %broadcast_in_dim3A_54 : vector<1x1xf32> to vector<16384x1xf32>
    %add3A_56 = arith.addf %dot_general3A_51, %add3A_55 : vector<16384x1xf32>
    %logistic3A = arith.negf %add3A_56 : vector<16384x1xf32>
    %logistic3A_57 = math.exp %logistic3A : vector<16384x1xf32>
    %logistic3A_58 = arith.constant 1.000000e+00 : f32
    %logistic3A_59 = vector.broadcast %logistic3A_58 : f32 to vector<16384x1xf32>
    %logistic3A_60 = arith.addf %logistic3A_59, %logistic3A_57 : vector<16384x1xf32>
    %logistic3A_61 = arith.divf %logistic3A_59, %logistic3A_60 : vector<16384x1xf32>
    %swap3A = arith.constant 0 : index
    %swap3A_62 = arith.constant 0 : index
    %swap3A_63 = vector.load %arg12[%swap3A, %swap3A_62] : memref<16384x1xf32, #tpu.memory_space<vmem>>, vector<16384x1xf32>
    tpu.vector_store %arg12[%swap3A, %swap3A_62], %logistic3A_61 {strides = array<i32>} : memref<16384x1xf32, #tpu.memory_space<vmem>>, vector<16384x1xf32>,
    return
  }
}

</mosaic_0001>

<sc_bundles>
// kernel: kernel.4.cloned.1.call-start
scs
__scs_entry_jumppad:
0x0: {  	(pc) =	sbr.rel $0x88, $3  }
0x1: {  	(tag) =	ssettag $0x0;
	lr =	simm.s32 $0x1  }
0x2: {  	[smem:$0x3F94] =	sst lr;
	_ =	strace $0xD0000000  }
0x3: {  	_ = 	snop  }
0x4: {  	_ = 	snop  }
0x5: {  	_ = 	snop  }
0x6: {  	_ = 	snop  }
0x7: {  	_ = 	snop  }
__scs_overlays_trampoline_lowered:
0x8: {  	[smem:$0x3FA3] =	sst s0  }
0x9: {  	[smem:$0x3FA4] =	sst s1  }
0xa: {  	[smem:$0x3FA5] =	sst s2  }
0xb: {  	[smem:$0x3FA6] =	sst s3  }
0xc: {  	[smem:$0x3FA7] =	sst s4  }
0xd: {  	[smem:$0x3FA8] =	sst s5  }
0xe: {  	[smem:$0x3FA9] =	sst s6  }
0xf: {  	[smem:$0x3FAA] =	sst s7  }
0x10: {  	[smem:$0x3FAB] =	sst s8  }
0x11: {  	[smem:$0x3FAC] =	sst s9;
	s0 =	simm.s32 @!p0 $0x0  }
0x12: {  	s1 =	sld [smem:$0x3F92];
	s0 =	simm.s32 @p0 $0x1  }
0x13: {  	[smem:$0x3FAD] =	sst s0;
	s0 =	simm.s32 @!p1 $0x0  }
0x14: {  	s2 =	sld [smem:$0x3F91];
	s0 =	simm.s32 @p1 $0x1  }
0x15: {  	[smem:$0x3FAE] =	sst s0;
	s0 =	simm.s32 @!p2 $0x0  }
0x16: {  	s3 =	sld [smem:$0x3FDB];
	s0 =	simm.s32 @p2 $0x1  }
0x17: {  	s4 =	simm.s32 $0x1BF5;
	[smem:$0x3FB0] =	sst s0  }
0x18: {  	s0 =	sld [smem:$0x3F93];
	_ =	swait.ge [sflag:s4], $0x0  }
0x19: {  	s7 =	sld [smem:$0x3F94]  }
0x1a: {  	s8 =	sadd.s32 $0xFFFFE003, lr  }
0x1b: {  	s9 =	sadd.s32 $0xFFFFFEF7, lr;
	s5 =	simm.s32 $0xFFFFFFFF;
	p2 =	slt.u32 s8, $0xFFFFF086  }
0x1c: {  	p1 =	slt.u32 s9, $0xF7A;
	s5 =	simm.s32 @!p2 $0x0  }
0x1d: {  	s5 =	simm.s32 @p1 $0x1;
	p0 =	seq.s32 s7, s2  }
0x1e: {  	s7 =	smul.u32 @!p0 $0xF7A, s2;
	p2 =	seq.s32 @!p0 s5, $0x0  }
0x1f: {  	s9 =	smul.u32 $0xF7A, s1;
	s8 =	simm.s32 @!p0 $0x1BF5;
	p2 =	por !p2, p0  }
0x20: {  	[sflag:s8] =	ssyncset.s32 @!p0 $0xFFFFF086;
	s6 =	sadd.s32 @!p0 s3, s7;
	s7 =	simm.s32 @!p0 $0x108  }
0x21: {  	s3 =	sadd.s32 s3, s9;
	s6 =	sadd.s32 @!p0 $0x88, s6;
	s7 =	simm.s32 @p2 $0x1082  }
0x22: {  	[simem:s7], [sflag:s8] =	dma.local @!p0 [hbm:s6], $0xF7A  }
0x23: {  	s9 =	sor.u32 $0xD0000000, s2;
	s6 =	simm.s32 $0x108;
	_ =	swait.ge @!p0 [sflag:s8], $0x0  }
0x24: {  	s3 =	sadd.s32 $0x88, s3;
	s6 =	simm.s32 @!p1 $0x1082;
	[sflag:s4] =	ssyncset.s32 $0xFFFFF086  }
0x25: {  	[simem:s6], [sflag:s4] =	dma.local [hbm:s3], $0xF7A  }
0x26: {  	[smem:$0x3F94] =	sst s1;
	(tag) =	ssettag s2;
	_ =	strace s9  }
0x27: {  	s1 =	sld [smem:$0x3FA4]  }
0x28: {  	s2 =	sld [smem:$0x3FA5]  }
0x29: {  	s4 =	sld [smem:$0x3FA7]  }
0x2a: {  	p0 =	seq.s32 s5, $0x0;
	s5 =	sld [smem:$0x3FA8]  }
0x2b: {  	s6 =	sld [smem:$0x3FA9]  }
0x2c: {  	s7 =	sld [smem:$0x3FAA]  }
0x2d: {  	s3 =	simm.s32 $0x108;
	s8 =	sld [smem:$0x3FAB]  }
0x2e: {  	s3 =	simm.s32 @!p0 $0x1082;
	s9 =	sld [smem:$0x3FAC]  }
0x2f: {  	lr =	sadd.s32 s0, s3;
	s0 =	sld [smem:$0x3FA3]  }
0x30: {  	s3 =	sld [smem:$0x3FA6]  }
0x31: {  	[smem:$0x3FAF] =	sst s10  }
0x32: {  	s10 =	sld [smem:$0x3FAD];
	_ =	sdelay $0x3  }
0x33: {  	p0 =	seq.s32 s10, $0x1;
	s10 =	sld [smem:$0x3FAF];
	_ =	sdelay $0x3  }
0x34: {  	[smem:$0x3FAF] =	sst s10  }
0x35: {  	s10 =	sld [smem:$0x3FAE];
	_ =	sdelay $0x3  }
0x36: {  	p1 =	seq.s32 s10, $0x1;
	s10 =	sld [smem:$0x3FAF];
	_ =	sdelay $0x3  }
0x37: {  	[smem:$0x3FAF] =	sst s10  }
0x38: {  	s10 =	sld [smem:$0x3FB0]  }
0x39: {  	_ = 	snop;
	(pc) =	sbr.ind lr, $3  }
0x3a: {  	_ = 	snop  }
0x3b: {  	_ = 	snop  }
0x3c: {  	p2 =	seq.s32 s10, $0x1;
	s10 =	sld [smem:$0x3FAF]  }
0x3d: {  	_ =	shalt  }
0x3e: {  	_ =	shalt  }
0x3f: {  	_ =	shalt  }
0x40: {  	_ =	shalt  }
0x41: {  	_ =	shalt  }
0x42: {  	_ =	shalt  }
0x43: {  	_ =	shalt  }
0x44: {  	_ =	shalt  }
0x45: {  	_ =	shalt  }
0x46: {  	_ =	shalt  }
0x47: {  	_ =	shalt  }
0x48: {  	_ =	shalt  }
0x49: {  	_ =	shalt  }
0x4a: {  	_ =	shalt  }
0x4b: {  	_ =	shalt  }
0x4c: {  	_ =	shalt  }
0x4d: {  	_ =	shalt  }
0x4e: {  	_ =	shalt  }
0x4f: {  	_ =	shalt  }
0x50: {  	_ =	shalt  }
0x51: {  	_ =	shalt  }
0x52: {  	_ =	shalt  }
0x53: {  	_ =	shalt  }
0x54: {  	_ =	shalt  }
0x55: {  	_ =	shalt  }
0x56: {  	_ =	shalt  }
0x57: {  	_ =	shalt  }
0x58: {  	_ =	shalt  }
0x59: {  	_ =	shalt  }
0x5a: {  	_ =	shalt  }
0x5b: {  	_ =	shalt  }
0x5c: {  	_ =	shalt  }
0x5d: {  	_ =	shalt  }
0x5e: {  	_ =	shalt  }
0x5f: {  	_ =	shalt  }
0x60: {  	_ =	shalt  }
0x61: {  	_ =	shalt  }
0x62: {  	_ =	shalt  }
0x63: {  	_ =	shalt  }
0x64: {  	_ =	shalt  }
0x65: {  	_ =	shalt  }
0x66: {  	_ =	shalt  }
0x67: {  	_ =	shalt  }
0x68: {  	_ =	shalt  }
0x69: {  	_ =	shalt  }
0x6a: {  	_ =	shalt  }
0x6b: {  	_ =	shalt  }
0x6c: {  	_ =	shalt  }
0x6d: {  	_ =	shalt  }
0x6e: {  	_ =	shalt  }
0x6f: {  	_ =	shalt  }
0x70: {  	_ =	shalt  }
0x71: {  	_ =	shalt  }
0x72: {  	_ =	shalt  }
0x73: {  	_ =	shalt  }
0x74: {  	_ =	shalt  }
0x75: {  	_ =	shalt  }
0x76: {  	_ =	shalt  }
0x77: {  	_ =	shalt  }
0x78: {  	_ =	shalt  }
0x79: {  	_ =	shalt  }
0x7a: {  	_ =	shalt  }
0x7b: {  	_ =	shalt  }
0x7c: {  	_ =	shalt  }
0x7d: {  	_ =	shalt  }
0x7e: {  	_ =	shalt  }
0x7f: {  	_ =	shalt  }
0x80: {  	_ =	shalt  }
0x81: {  	_ =	shalt  }
0x82: {  	_ =	shalt  }
0x83: {  	_ =	shalt  }
0x84: {  	_ =	shalt  }
0x85: {  	_ =	shalt  }
0x86: {  	_ =	shalt  }
0x87: {  	_ =	shalt  }
.Lfunc_end0:
.L_simem_size_0:
called_computation_lowered:
.L_overlay_start_0:
0x88: {  	s2 =	sld [smem:$0x3FD9]  }
0x89: {  	s3 =	sld [smem:$0x3FFE];
	_ =	sdelay $0x1  }
0x8a: {  	s1 =	srdreg.scid  }
0x8b: {  	s0 =	sand.u32 $0x1, s1  }
0x8c: {  	s17 =	sshll.u32 s0, $0xA;
	s2 =	sadd.s32 s3, s2  }
0x8d: {  	s2 =	sadd.s32 s2, s17  }
0x8e: {  	[smem:$0x3FBB] =	sst s2  }
0x8f: {  	_ = 	snop  }
0x90: {  	s2 =	sld [smem:$0x3FD0];
	(tm) =	ssettm $0x1  }
0x91: {  	s18 =	sld [smem:$0x3FFB];
	_ =	sdelay $0x3  }
0x92: {  	_ =	strace s18  }
0x93: {  	s3 =	sld [smem:$0x3FFC];
	_ =	sdelay $0x3  }
0x94: {  	_ =	strace s3  }
0x95: {  	s3 =	sld [smem:$0x3FFD];
	_ =	sdelay $0x3  }
0x96: {  	_ =	strace s3  }
0x97: {  	_ =	strace $0x8FFFFFFF  }
0x98: {  	s19 =	sld [smem:$0x3FDB];
	_ =	sdelay $0x1  }
0x99: {  	s4 =	simm.s32 $_scs_section_size  }
0x9a: {  	s5 =	simm.s32 $_size__tile_overlayer_lowered;
	s6 =	simm.s32 $_tile_overlayer_lowered  }
0x9b: {  	s22 =	simm.s32 $0x1BFF;
	s21 =	sshll.u32 s6, $0x1;
	s3 =	sadd.s32 s4, s19  }
0x9c: {  	s7 =	simm.s32 $0x0;
	s20 =	sshll.u32 s5, $0x1;
	s5 =	sadd.s32 s21, s3  }
0x9d: {  	[timem:s7], [sflag:s22] =	dma.local [hbm:s5], s20  }
0x9e: {  	_ =	swait.ge [sflag:s22], s20  }
0x9f: {  	s4 =	ssub.s32 $0x0, s20;
	[sflag:s22] =	ssyncset.done $0x0  }
0xa0: {  	[sflag:s22] =	ssyncadd.s32 s4;
	_ =	sdelay $0x1  }
0xa1: {  	s23 =	simm.s32 $0x1B8B  }
0xa2: {  	_ =	swait.ge [sflag:s23], $0x1  }
0xa3: {  	[sflag:s23] =	ssyncset.done $0x0  }
0xa4: {  	s25 =	simm.s32 $0x1B8E;
	s24 =	sld [smem:$0x3FFE];
	[sflag:s23] =	ssyncadd.s32 $0xFFFFFFFF  }
0xa5: {  	s26 =	simm.s32 $execute0_lowered;
	[smem:$0x3FD2] =	sst s25  }
0xa6: {  	s5 =	sshll.u32 s26, $0x1;
	_ =	strace $0x80000046;
	[dreg:$0x1] =	wrdreg $0xFFFFFFFF  }
0xa7: {  	s28 =	simm.s32 $_size_execute0_lowered;
	s3 =	sadd.s32 s3, s5;
	[dreg:$0x0] =	wrdreg $0x0  }
0xa8: {  	s5 =	sshll.u32 s28, $0x1;
	[dreg:$0x2] =	wrdreg s3  }
0xa9: {  	[dreg:$0x3] =	wrdreg s5  }
0xaa: {  	[dreg:$0x4] =	wrdreg $0xC0  }
0xab: {  	_ =	task [dreg:s7], $0x5FFFF  }
0xac: {  	[dreg:$0x1] =	wrdreg $0xFFFFFFFF  }
0xad: {  	[dreg:$0x0] =	wrdreg $0x60  }
0xae: {  	[dreg:$0x2] =	wrdreg s24  }
0xaf: {  	[dreg:$0x3] =	wrdreg s2  }
0xb0: {  	[dreg:$0x4] =	wrdreg $0x9  }
0xb1: {  	_ =	task.clear_ibuf [dreg:s7], $0x5FFFF;
	_ =	strace $0x90000046  }
0xb2: {  	s29 =	simm.s32 $0x9;
	_ =	strace $0x80000048  }
0xb3: {  	_ =	swait.ge [sflag:s29], $0x1  }
0xb4: {  	[sflag:s29] =	ssyncadd.s32 $0xFFFFFFFF  }
0xb5: {  	_ =	strace $0x90000048  }
0xb6: {  	_ =	sfence  }
0xb7: {  	s30 =	sld [smem:$0x0];
	_ =	sdelay $0x2  }
0xb8: {  	s31 =	sshll.u32 s1, $0xD;
	s1 =	sshrl.u32 s1, $0x2  }
0xb9: {  	s3 =	sand.u32 $0x4000, s31;
	s1 =	sadd.s32 s1, s30  }
0xba: {  	s0 =	sor.u32 s3, s0;
	s1 =	sshll.u32 s1, $0x11  }
0xbb: {  	s0 =	sor.u32 s1, s0  }
0xbc: {  	s0 =	sadd.s32 $0x8F2B, s0  }
0xbd: {  	[sflag:s0] =	ssyncadd.remote.s32 $0x1  }
0xbe: {  	_ =	sfence.sel $0xFFFF  }
0xbf: {  	[dreg:$0x0] =	wrdreg $0xFFFFFFFF;
	(pc) =	sbr.abs _section_cstart, $3  }
0xc0: {  	[dreg:$0x1] =	wrdreg $0xFFFFFFFF  }
0xc1: {  	_ =	task.clear_ibuf [dreg:s7], $0x2FFFF;
	_ =	strace $0x9FFFFFFF  }
0xc2: {  	(tm) =	ssettm $0x7FFFFFFF  }
0xc3: {  	_ =	shalt  }
tec
execute0_lowered:
.L_overlay_start_1:
0x0: {  	(tag) =	ssettag $0x1  }
0x1: {  	s11 =	rddreg [dreg:$0x0]  }
0x2: {  	s13 =	rddreg [dreg:$0x1]  }
0x3: {  	s2 =	srdreg.scid;
	s0 =	stileid.u32  }
0x4: {  	s17 =	simm.s32 $0x400;
	s18 =	simm.s32 $0x4400;
	s19 =	simm.s32 $0x8400  }
0x5: {  	s20 =	simm.s32 $0xC400;
	s21 =	simm.s32 $0x0;
	s9 =	sand.u32 $0x1, s2  }
0x6: {  	s2 =	simm.s32 $0x0;
	s5 =	sadd.s32 $0x1E86600, s11;
	s6 =	sadd.s32 $0x2DC8A00, s11  }
0x7: {  	s3 =	sshll.u32 s0, $0xA;
	s7 =	sadd.s32 $0x1E00, s11;
	s8 =	sadd.s32 $0x3D0AE00, s11  }
0x8: {  	s10 =	sadd.s32 $0x3D8AE00, s11;
	s4 =	sshll.u32 s9, $0x9;
	[smem:$0x7FF] =	sst s2  }
0x9: {  	s15 =	ssub.s32 $0x2, s9;
	s9 =	sadd.s32 $0x3D4AE00, s11;
	s3 =	sor.u32 s4, s3  }
0xa: {  	_ =	strace $0x80000047;
	s16 =	sshrl.u32 s15, $0x1;
	s14 =	sshrl.u32 s3, $0x3  }
0xb: {  	s4 =	sadd.s32 $0xF44200, s11;
	s15 =	ssub.s32 s15, s16;
	s30 =	sadd.s32 s13, s14  }
0xc: {  	s12 =	sadd.s32 s14, s11;
	s31 =	smax.u32 s15, $0x1;
	[dreg:$0x4] =	wrdreg s30  }
0xd: {  	s16 =	simm.s32 $0x1;
	s29 =	sadd.s32 $0x1600, s12;
	[dreg:$0x5] =	wrdreg s31  }
0xe: {  	s11 =	sadd.s32 $0x3DCAE00, s11;
	s15 =	simm.s32 $0x2;
	[dreg:$0x3] =	wrdreg s29  }
.LBB2_1:
0xf: {  	s0 =	rddreg [dreg:$0x3]  }
0x10: {  	[tilespmem:s2], [sflag:$0x2] =	stream.linear.gather [hbm4b:s0+s2], $0x200, $0x38;
	[tilespmem:$0x10400] =	vst v63  }
0x11: {  	_ =	swait.ge [sflag:s15], $0x200  }
0x12: {  	[sflag:s15] =	ssyncset.done $0x0  }
0x13: {  	s22 =	simm.s32 $0x200;
	s31 =	rddreg [dreg:$0x4];
	[sflag:s15] =	ssyncadd.s32 $0xFFFFFE00  }
0x14: {  	[tilespmem:s22], [sflag:$0x2] =	stream.linear.gather [hbm4b:s31+s2], $0x200, $0x38;
	[tilespmem:$0x10400] =	vst v63  }
0x15: {  	_ =	swait.ge [sflag:s15], $0x200  }
0x16: {  	[sflag:s15] =	ssyncset.done $0x0  }
0x17: {  	s23 =	simm.s32 $0x0;
	s24 =	simm.s32 $0x0;
	[sflag:s15] =	ssyncadd.s32 $0xFFFFFE00  }
.LBB2_2:
0x18: {  	v0 =	vld [tilespmem:s23+$0x0]  }
0x19: {  	v2 =	vld [tilespmem:s22+$0x0];
	_ =	sdelay $0x3  }
0x1a: {  	v1 =	vshll.u32 v0, $0x4  }
0x1b: {  	v63 =	vshll.u32 v2, $0x4;
	(v2sf) =	vpush v1, $0x0  }
0x1c: {  	(v2sf) =	vpush v63, $0x0;
	_ =	sdelay $0x4  }
0x1d: {  	(v2sf) =	vpush v1, $0x1;
	_ =	sdelay $0x1  }
0x1e: {  	(v2sf) =	vpush v63, $0x1;
	_ =	sdelay $0x5  }
0x1f: {  	(v2sf) =	vpush v1, $0x2  }
0x20: {  	s25 =	spop (v2sf)  }
0x21: {  	(v2sf) =	vpush v63, $0x2;
	s25 =	sand.u32 $0x1FFFFFF0, s25;
	s26 =	spop (v2sf)  }
0x22: {  	s28 =	simm.s32 $0x400;
	s29 =	sadd.s32 s4, s25;
	s26 =	sand.u32 $0x1FFFFFF0, s26  }
0x23: {  	[tilespmem:s28], [sflag:$0x1] =	stream.linear.gather [hbm4b:s29+s2], $0x80, $0x38;
	[tilespmem:$0x10400] =	vst v63  }
0x24: {  	s25 =	sadd.s32 s6, s25;
	s28 =	simm.s32 $0x4400;
	s30 =	sadd.s32 s5, s26  }
0x25: {  	[tilespmem:s28], [sflag:$0x1] =	stream.linear.gather [hbm4b:s30+s2], $0x80, $0x38;
	[tilespmem:$0x10400] =	vst v63  }
0x26: {  	s12 =	spop (v2sf);
	s29 =	simm.s32 $0x8400;
	s13 =	sadd.s32 s7, s26  }
0x27: {  	(v2sf) =	vpush v1, $0x3;
	[tilespmem:s29], [sflag:$0x1] =	stream.linear.gather [hbm4b:s25+s2], $0x80, $0x38;
	[tilespmem:$0x10400] =	vst v63  }
0x28: {  	s14 =	sand.u32 $0x1FFFFFF0, s12;
	s28 =	simm.s32 $0xC400;
	s29 =	spop (v2sf)  }
0x29: {  	(v2sf) =	vpush v63, $0x3;
	[tilespmem:s28], [sflag:$0x1] =	stream.linear.gather [hbm4b:s13+s2], $0x80, $0x38;
	[tilespmem:$0x10400] =	vst v63  }
0x2a: {  	s31 =	simm.s32 $0x480;
	s29 =	sand.u32 $0x1FFFFFF0, s29;
	s28 =	sadd.s32 s4, s14  }
0x2b: {  	[tilespmem:s31], [sflag:$0x1] =	stream.linear.gather [hbm4b:s28+s2], $0x80, $0x38;
	[tilespmem:$0x10400] =	vst v63  }
0x2c: {  	s0 =	simm.s32 $0x4480;
	s1 =	simm.s32 $0x8480;
	s28 =	sadd.s32 s5, s29  }
0x2d: {  	(v2sf) =	vpush v1, $0x4;
	[tilespmem:s0], [sflag:$0x1] =	stream.linear.gather [hbm4b:s28+s2], $0x80, $0x38;
	[tilespmem:$0x10400] =	vst v63  }
0x2e: {  	s12 =	sadd.s32 s6, s14;
	s13 =	simm.s32 $0xC480;
	s28 =	spop (v2sf)  }
0x2f: {  	[tilespmem:s1], [sflag:$0x1] =	stream.linear.gather [hbm4b:s12+s2], $0x80, $0x38;
	[tilespmem:$0x10400] =	vst v63  }
0x30: {  	s14 =	sadd.s32 s7, s29;
	s28 =	sand.u32 $0x1FFFFFF0, s28;
	s29 =	spop (v2sf)  }
0x31: {  	(v2sf) =	vpush v63, $0x4;
	[tilespmem:s13], [sflag:$0x1] =	stream.linear.gather [hbm4b:s14+s2], $0x80, $0x38;
	[tilespmem:$0x10400] =	vst v63  }
0x32: {  	s30 =	simm.s32 $0x500;
	s31 =	sadd.s32 s4, s28;
	s29 =	sand.u32 $0x1FFFFFF0, s29  }
0x33: {  	[tilespmem:s30], [sflag:$0x1] =	stream.linear.gather [hbm4b:s31+s2], $0x80, $0x38;
	[tilespmem:$0x10400] =	vst v63  }
0x34: {  	s0 =	simm.s32 $0x4500;
	s12 =	simm.s32 $0x8500;
	s1 =	sadd.s32 s5, s29  }
0x35: {  	(v2sf) =	vpush v1, $0x5;
	[tilespmem:s0], [sflag:$0x1] =	stream.linear.gather [hbm4b:s1+s2], $0x80, $0x38;
	[tilespmem:$0x10400] =	vst v63  }
0x36: {  	s13 =	sadd.s32 s6, s28;
	s14 =	sadd.s32 s7, s29;
	s28 =	spop (v2sf)  }
0x37: {  	[tilespmem:s12], [sflag:$0x1] =	stream.linear.gather [hbm4b:s13+s2], $0x80, $0x38;
	[tilespmem:$0x10400] =	vst v63  }
0x38: {  	s28 =	sand.u32 $0x1FFFFFF0, s28;
	s29 =	spop (v2sf);
	s31 =	simm.s32 $0xC500  }
0x39: {  	(v2sf) =	vpush v63, $0x5;
	[tilespmem:s31], [sflag:$0x1] =	stream.linear.gather [hbm4b:s14+s2], $0x80, $0x38;
	[tilespmem:$0x10400] =	vst v63  }
0x3a: {  	s29 =	sand.u32 $0x1FFFFFF0, s29;
	s0 =	simm.s32 $0x580;
	s1 =	sadd.s32 s4, s28  }
0x3b: {  	[tilespmem:s0], [sflag:$0x1] =	stream.linear.gather [hbm4b:s1+s2], $0x80, $0x38;
	[tilespmem:$0x10400] =	vst v63  }
0x3c: {  	s12 =	simm.s32 $0x4580;
	s13 =	sadd.s32 s5, s29;
	s14 =	spop (v2sf)  }
0x3d: {  	(v2sf) =	vpush v1, $0x6;
	[tilespmem:s12], [sflag:$0x1] =	stream.linear.gather [hbm4b:s13+s2], $0x80, $0x38;
	[tilespmem:$0x10400] =	vst v63  }
0x3e: {  	s31 =	simm.s32 $0x8580;
	s0 =	sadd.s32 s6, s28;
	s28 =	sand.u32 $0x1FFFFFF0, s14  }
0x3f: {  	[tilespmem:s31], [sflag:$0x1] =	stream.linear.gather [hbm4b:s0+s2], $0x80, $0x38;
	[tilespmem:$0x10400] =	vst v63  }
0x40: {  	s1 =	simm.s32 $0xC580;
	s12 =	sadd.s32 s7, s29;
	s29 =	spop (v2sf)  }
0x41: {  	(v2sf) =	vpush v63, $0x6;
	[tilespmem:s1], [sflag:$0x1] =	stream.linear.gather [hbm4b:s12+s2], $0x80, $0x38;
	[tilespmem:$0x10400] =	vst v63  }
0x42: {  	s14 =	sadd.s32 s4, s28;
	s13 =	simm.s32 $0x600;
	s29 =	sand.u32 $0x1FFFFFF0, s29  }
0x43: {  	[tilespmem:s13], [sflag:$0x1] =	stream.linear.gather [hbm4b:s14+s2], $0x80, $0x38;
	[tilespmem:$0x10400] =	vst v63  }
0x44: {  	s26 =	simm.s32 $0x4600;
	s0 =	spop (v2sf);
	s31 =	sadd.s32 s5, s29  }
0x45: {  	(v2sf) =	vpush v1, $0x7;
	[tilespmem:s26], [sflag:$0x1] =	stream.linear.gather [hbm4b:s31+s2], $0x80, $0x38;
	[tilespmem:$0x10400] =	vst v63  }
0x46: {  	s1 =	simm.s32 $0x8600;
	s12 =	sadd.s32 s6, s28;
	s28 =	sand.u32 $0x1FFFFFF0, s0  }
0x47: {  	[tilespmem:s1], [sflag:$0x1] =	stream.linear.gather [hbm4b:s12+s2], $0x80, $0x38;
	[tilespmem:$0x10400] =	vst v63  }
0x48: {  	s13 =	simm.s32 $0xC600;
	s14 =	sadd.s32 s7, s29;
	s29 =	spop (v2sf)  }
0x49: {  	(v2sf) =	vpush v63, $0x7;
	[tilespmem:s13], [sflag:$0x1] =	stream.linear.gather [hbm4b:s14+s2], $0x80, $0x38;
	[tilespmem:$0x10400] =	vst v63  }
0x4a: {  	s30 =	simm.s32 $0x680;
	s29 =	sand.u32 $0x1FFFFFF0, s29;
	s31 =	sadd.s32 s4, s28  }
0x4b: {  	[tilespmem:s30], [sflag:$0x1] =	stream.linear.gather [hbm4b:s31+s2], $0x80, $0x38;
	[tilespmem:$0x10400] =	vst v63  }
0x4c: {  	s0 =	simm.s32 $0x4680;
	s1 =	sadd.s32 s5, s29;
	s12 =	spop (v2sf)  }
0x4d: {  	(v2sf) =	vpush v1, $0x8;
	[tilespmem:s0], [sflag:$0x1] =	stream.linear.gather [hbm4b:s1+s2], $0x80, $0x38;
	[tilespmem:$0x10400] =	vst v63  }
0x4e: {  	s13 =	simm.s32 $0x8680;
	s14 =	sadd.s32 s6, s28;
	s28 =	sand.u32 $0x1FFFFFF0, s12  }
0x4f: {  	[tilespmem:s13], [sflag:$0x1] =	stream.linear.gather [hbm4b:s14+s2], $0x80, $0x38;
	[tilespmem:$0x10400] =	vst v63  }
0x50: {  	s30 =	simm.s32 $0xC680;
	s31 =	sadd.s32 s7, s29;
	s29 =	spop (v2sf)  }
0x51: {  	(v2sf) =	vpush v63, $0x8;
	[tilespmem:s30], [sflag:$0x1] =	stream.linear.gather [hbm4b:s31+s2], $0x80, $0x38;
	[tilespmem:$0x10400] =	vst v63  }
0x52: {  	s0 =	simm.s32 $0x700;
	s1 =	sadd.s32 s4, s28;
	s29 =	sand.u32 $0x1FFFFFF0, s29  }
0x53: {  	[tilespmem:s0], [sflag:$0x1] =	stream.linear.gather [hbm4b:s1+s2], $0x80, $0x38;
	[tilespmem:$0x10400] =	vst v63  }
0x54: {  	s12 =	simm.s32 $0x4700;
	s13 =	sadd.s32 s5, s29;
	s14 =	spop (v2sf)  }
0x55: {  	(v2sf) =	vpush v1, $0x9;
	[tilespmem:s12], [sflag:$0x1] =	stream.linear.gather [hbm4b:s13+s2], $0x80, $0x38;
	[tilespmem:$0x10400] =	vst v63  }
0x56: {  	s31 =	simm.s32 $0x8700;
	s0 =	sadd.s32 s6, s28;
	s28 =	sand.u32 $0x1FFFFFF0, s14  }
0x57: {  	[tilespmem:s31], [sflag:$0x1] =	stream.linear.gather [hbm4b:s0+s2], $0x80, $0x38;
	[tilespmem:$0x10400] =	vst v63  }
0x58: {  	s1 =	simm.s32 $0xC700;
	s12 =	sadd.s32 s7, s29;
	s29 =	spop (v2sf)  }
0x59: {  	(v2sf) =	vpush v63, $0x9;
	[tilespmem:s1], [sflag:$0x1] =	stream.linear.gather [hbm4b:s12+s2], $0x80, $0x38;
	[tilespmem:$0x10400] =	vst v63  }
0x5a: {  	s14 =	sadd.s32 s4, s28;
	s13 =	simm.s32 $0x780;
	s29 =	sand.u32 $0x1FFFFFF0, s29  }
0x5b: {  	[tilespmem:s13], [sflag:$0x1] =	stream.linear.gather [hbm4b:s14+s2], $0x80, $0x38;
	[tilespmem:$0x10400] =	vst v63  }
0x5c: {  	s26 =	simm.s32 $0x4780;
	s31 =	sadd.s32 s5, s29;
	s0 =	spop (v2sf)  }
0x5d: {  	(v2sf) =	vpush v1, $0xA;
	[tilespmem:s26], [sflag:$0x1] =	stream.linear.gather [hbm4b:s31+s2], $0x80, $0x38;
	[tilespmem:$0x10400] =	vst v63  }
0x5e: {  	s1 =	simm.s32 $0x8780;
	s12 =	sadd.s32 s6, s28;
	s28 =	sand.u32 $0x1FFFFFF0, s0  }
0x5f: {  	[tilespmem:s1], [sflag:$0x1] =	stream.linear.gather [hbm4b:s12+s2], $0x80, $0x38;
	[tilespmem:$0x10400] =	vst v63  }
0x60: {  	s13 =	simm.s32 $0xC780;
	s14 =	sadd.s32 s7, s29;
	s29 =	spop (v2sf)  }
0x61: {  	(v2sf) =	vpush v63, $0xA;
	[tilespmem:s13], [sflag:$0x1] =	stream.linear.gather [hbm4b:s14+s2], $0x80, $0x38;
	[tilespmem:$0x10400] =	vst v63  }
0x62: {  	s30 =	simm.s32 $0x800;
	s31 =	sadd.s32 s4, s28;
	s29 =	sand.u32 $0x1FFFFFF0, s29  }
0x63: {  	[tilespmem:s30], [sflag:$0x1] =	stream.linear.gather [hbm4b:s31+s2], $0x80, $0x38;
	[tilespmem:$0x10400] =	vst v63  }
0x64: {  	s0 =	simm.s32 $0x4800;
	s1 =	sadd.s32 s5, s29;
	s12 =	spop (v2sf)  }
0x65: {  	(v2sf) =	vpush v1, $0xB;
	[tilespmem:s0], [sflag:$0x1] =	stream.linear.gather [hbm4b:s1+s2], $0x80, $0x38;
	[tilespmem:$0x10400] =	vst v63  }
0x66: {  	s13 =	simm.s32 $0x8800;
	s14 =	sadd.s32 s6, s28;
	s28 =	sand.u32 $0x1FFFFFF0, s12  }
0x67: {  	[tilespmem:s13], [sflag:$0x1] =	stream.linear.gather [hbm4b:s14+s2], $0x80, $0x38;
	[tilespmem:$0x10400] =	vst v63  }
0x68: {  	s30 =	simm.s32 $0xC800;
	s31 =	sadd.s32 s7, s29;
	s29 =	spop (v2sf)  }
0x69: {  	(v2sf) =	vpush v63, $0xB;
	[tilespmem:s30], [sflag:$0x1] =	stream.linear.gather [hbm4b:s31+s2], $0x80, $0x38;
	[tilespmem:$0x10400] =	vst v63  }
0x6a: {  	s0 =	simm.s32 $0x880;
	s1 =	sadd.s32 s4, s28;
	s29 =	sand.u32 $0x1FFFFFF0, s29  }
0x6b: {  	[tilespmem:s0], [sflag:$0x1] =	stream.linear.gather [hbm4b:s1+s2], $0x80, $0x38;
	[tilespmem:$0x10400] =	vst v63  }
0x6c: {  	s12 =	simm.s32 $0x4880;
	s13 =	sadd.s32 s5, s29;
	s14 =	spop (v2sf)  }
0x6d: {  	(v2sf) =	vpush v1, $0xC;
	[tilespmem:s12], [sflag:$0x1] =	stream.linear.gather [hbm4b:s13+s2], $0x80, $0x38;
	[tilespmem:$0x10400] =	vst v63  }
0x6e: {  	s31 =	simm.s32 $0x8880;
	s0 =	sadd.s32 s6, s28;
	s28 =	sand.u32 $0x1FFFFFF0, s14  }
0x6f: {  	[tilespmem:s31], [sflag:$0x1] =	stream.linear.gather [hbm4b:s0+s2], $0x80, $0x38;
	[tilespmem:$0x10400] =	vst v63  }
0x70: {  	s1 =	simm.s32 $0xC880;
	s12 =	sadd.s32 s7, s29;
	s29 =	spop (v2sf)  }
0x71: {  	(v2sf) =	vpush v63, $0xC;
	[tilespmem:s1], [sflag:$0x1] =	stream.linear.gather [hbm4b:s12+s2], $0x80, $0x38;
	[tilespmem:$0x10400] =	vst v63  }
0x72: {  	s14 =	sadd.s32 s4, s28;
	s13 =	simm.s32 $0x900;
	s29 =	sand.u32 $0x1FFFFFF0, s29  }
0x73: {  	[tilespmem:s13], [sflag:$0x1] =	stream.linear.gather [hbm4b:s14+s2], $0x80, $0x38;
	[tilespmem:$0x10400] =	vst v63  }
0x74: {  	s26 =	simm.s32 $0x4900;
	s31 =	sadd.s32 s5, s29;
	s0 =	spop (v2sf)  }
0x75: {  	(v2sf) =	vpush v1, $0xD;
	[tilespmem:s26], [sflag:$0x1] =	stream.linear.gather [hbm4b:s31+s2], $0x80, $0x38;
	[tilespmem:$0x10400] =	vst v63  }
0x76: {  	s1 =	simm.s32 $0x8900;
	s12 =	sadd.s32 s6, s28;
	s28 =	sand.u32 $0x1FFFFFF0, s0  }
0x77: {  	[tilespmem:s1], [sflag:$0x1] =	stream.linear.gather [hbm4b:s12+s2], $0x80, $0x38;
	[tilespmem:$0x10400] =	vst v63  }
0x78: {  	s13 =	simm.s32 $0xC900;
	s14 =	sadd.s32 s7, s29;
	s29 =	spop (v2sf)  }
0x79: {  	(v2sf) =	vpush v63, $0xD;
	[tilespmem:s13], [sflag:$0x1] =	stream.linear.gather [hbm4b:s14+s2], $0x80, $0x38;
	[tilespmem:$0x10400] =	vst v63  }
0x7a: {  	s30 =	simm.s32 $0x980;
	s29 =	sand.u32 $0x1FFFFFF0, s29;
	s31 =	sadd.s32 s4, s28  }
0x7b: {  	[tilespmem:s30], [sflag:$0x1] =	stream.linear.gather [hbm4b:s31+s2], $0x80, $0x38;
	[tilespmem:$0x10400] =	vst v63  }
0x7c: {  	s0 =	simm.s32 $0x4980;
	s1 =	sadd.s32 s5, s29;
	s12 =	spop (v2sf)  }
0x7d: {  	(v2sf) =	vpush v1, $0xE;
	[tilespmem:s0], [sflag:$0x1] =	stream.linear.gather [hbm4b:s1+s2], $0x80, $0x38;
	[tilespmem:$0x10400] =	vst v63  }
0x7e: {  	s13 =	simm.s32 $0x8980;
	s14 =	sadd.s32 s6, s28;
	s28 =	sand.u32 $0x1FFFFFF0, s12  }
0x7f: {  	[tilespmem:s13], [sflag:$0x1] =	stream.linear.gather [hbm4b:s14+s2], $0x80, $0x38;
	[tilespmem:$0x10400] =	vst v63  }
0x80: {  	s30 =	simm.s32 $0xC980;
	s31 =	sadd.s32 s7, s29;
	s29 =	spop (v2sf)  }
0x81: {  	(v2sf) =	vpush v63, $0xE;
	[tilespmem:s30], [sflag:$0x1] =	stream.linear.gather [hbm4b:s31+s2], $0x80, $0x38;
	[tilespmem:$0x10400] =	vst v63  }
0x82: {  	s0 =	simm.s32 $0xA00;
	s1 =	sadd.s32 s4, s28;
	s29 =	sand.u32 $0x1FFFFFF0, s29  }
0x83: {  	[tilespmem:s0], [sflag:$0x1] =	stream.linear.gather [hbm4b:s1+s2], $0x80, $0x38;
	[tilespmem:$0x10400] =	vst v63  }
0x84: {  	s12 =	simm.s32 $0x4A00;
	s13 =	sadd.s32 s5, s29;
	s14 =	spop (v2sf)  }
0x85: {  	[tilespmem:s12], [sflag:$0x1] =	stream.linear.gather [hbm4b:s13+s2], $0x80, $0x38;
	[tilespmem:$0x10400] =	vst v63  }
0x86: {  	s31 =	simm.s32 $0x8A00;
	s0 =	sadd.s32 s6, s28;
	s28 =	sand.u32 $0x1FFFFFF0, s14  }
0x87: {  	(v2sf) =	vpush v1, $0xF;
	[tilespmem:s31], [sflag:$0x1] =	stream.linear.gather [hbm4b:s0+s2], $0x80, $0x38;
	[tilespmem:$0x10400] =	vst v63  }
0x88: {  	s1 =	simm.s32 $0xCA00;
	s12 =	sadd.s32 s7, s29;
	s29 =	spop (v2sf)  }
0x89: {  	(v2sf) =	vpush v63, $0xF;
	[tilespmem:s1], [sflag:$0x1] =	stream.linear.gather [hbm4b:s12+s2], $0x80, $0x38;
	[tilespmem:$0x10400] =	vst v63  }
0x8a: {  	s14 =	sadd.s32 s4, s28;
	s13 =	simm.s32 $0xA80;
	s29 =	sand.u32 $0x1FFFFFF0, s29  }
0x8b: {  	[tilespmem:s13], [sflag:$0x1] =	stream.linear.gather [hbm4b:s14+s2], $0x80, $0x38;
	[tilespmem:$0x10400] =	vst v63  }
0x8c: {  	s26 =	simm.s32 $0x4A80;
	s31 =	sadd.s32 s5, s29;
	s0 =	spop (v2sf)  }
0x8d: {  	[tilespmem:s26], [sflag:$0x1] =	stream.linear.gather [hbm4b:s31+s2], $0x80, $0x38;
	[tilespmem:$0x10400] =	vst v63  }
0x8e: {  	s1 =	simm.s32 $0x8A80;
	s12 =	sadd.s32 s6, s28;
	s28 =	sand.u32 $0x1FFFFFF0, s0  }
0x8f: {  	[tilespmem:s1], [sflag:$0x1] =	stream.linear.gather [hbm4b:s12+s2], $0x80, $0x38;
	[tilespmem:$0x10400] =	vst v63  }
0x90: {  	s13 =	simm.s32 $0xCA80;
	s14 =	sadd.s32 s7, s29;
	s29 =	spop (v2sf)  }
0x91: {  	[tilespmem:s13], [sflag:$0x1] =	stream.linear.gather [hbm4b:s14+s2], $0x80, $0x38;
	[tilespmem:$0x10400] =	vst v63  }
0x92: {  	s30 =	simm.s32 $0xB00;
	s29 =	sand.u32 $0x1FFFFFF0, s29;
	s31 =	sadd.s32 s4, s28  }
0x93: {  	[tilespmem:s30], [sflag:$0x1] =	stream.linear.gather [hbm4b:s31+s2], $0x80, $0x38;
	[tilespmem:$0x10400] =	vst v63  }
0x94: {  	s0 =	simm.s32 $0x4B00;
	s26 =	simm.s32 $0xCB00;
	s1 =	sadd.s32 s5, s29  }
0x95: {  	[tilespmem:s0], [sflag:$0x1] =	stream.linear.gather [hbm4b:s1+s2], $0x80, $0x38;
	[tilespmem:$0x10400] =	vst v63  }
0x96: {  	s12 =	spop (v2sf);
	s13 =	simm.s32 $0x8B00;
	s14 =	sadd.s32 s6, s28  }
0x97: {  	[tilespmem:s13], [sflag:$0x1] =	stream.linear.gather [hbm4b:s14+s2], $0x80, $0x38;
	[tilespmem:$0x10400] =	vst v63  }
0x98: {  	s28 =	sand.u32 $0x1FFFFFF0, s12;
	s30 =	sadd.s32 s7, s29;
	s29 =	spop (v2sf)  }
0x99: {  	[tilespmem:s26], [sflag:$0x1] =	stream.linear.gather [hbm4b:s30+s2], $0x80, $0x38;
	[tilespmem:$0x10400] =	vst v63  }
0x9a: {  	s31 =	simm.s32 $0xB80;
	s0 =	sadd.s32 s4, s28;
	s29 =	sand.u32 $0x1FFFFFF0, s29  }
0x9b: {  	[tilespmem:s31], [sflag:$0x1] =	stream.linear.gather [hbm4b:s0+s2], $0x80, $0x38;
	[tilespmem:$0x10400] =	vst v63  }
0x9c: {  	s1 =	simm.s32 $0x4B80;
	s12 =	sadd.s32 s5, s29  }
0x9d: {  	[tilespmem:s1], [sflag:$0x1] =	stream.linear.gather [hbm4b:s12+s2], $0x80, $0x38;
	[tilespmem:$0x10400] =	vst v63  }
0x9e: {  	s13 =	simm.s32 $0x8B80;
	s14 =	sadd.s32 s6, s28  }
0x9f: {  	[tilespmem:s13], [sflag:$0x1] =	stream.linear.gather [hbm4b:s14+s2], $0x80, $0x38;
	[tilespmem:$0x10400] =	vst v63  }
0xa0: {  	s30 =	simm.s32 $0xCB80;
	s31 =	sadd.s32 s7, s29  }
0xa1: {  	[tilespmem:s30], [sflag:$0x1] =	stream.linear.gather [hbm4b:s31+s2], $0x80, $0x38;
	[tilespmem:$0x10400] =	vst v63  }
0xa2: {  	_ =	swait.ge [sflag:s16], $0x80  }
0xa3: {  	[sflag:s16] =	ssyncset.done $0x0  }
0xa4: {  	[sflag:s16] =	ssyncadd.s32 $0xFFFFFF80  }
0xa5: {  	_ =	swait.ge [sflag:s16], $0x80  }
0xa6: {  	[sflag:s16] =	ssyncset.done $0x0  }
0xa7: {  	[sflag:s16] =	ssyncadd.s32 $0xFFFFFF80  }
0xa8: {  	_ =	swait.ge [sflag:s16], $0x80  }
0xa9: {  	[sflag:s16] =	ssyncset.done $0x0  }
0xaa: {  	[sflag:s16] =	ssyncadd.s32 $0xFFFFFF80  }
0xab: {  	_ =	swait.ge [sflag:s16], $0x80  }
0xac: {  	[sflag:s16] =	ssyncset.done $0x0  }
0xad: {  	[sflag:s16] =	ssyncadd.s32 $0xFFFFFF80  }
0xae: {  	_ =	swait.ge [sflag:s16], $0x80  }
0xaf: {  	[sflag:s16] =	ssyncset.done $0x0  }
0xb0: {  	[sflag:s16] =	ssyncadd.s32 $0xFFFFFF80  }
0xb1: {  	_ =	swait.ge [sflag:s16], $0x80  }
0xb2: {  	[sflag:s16] =	ssyncset.done $0x0  }
0xb3: {  	[sflag:s16] =	ssyncadd.s32 $0xFFFFFF80  }
0xb4: {  	_ =	swait.ge [sflag:s16], $0x80  }
0xb5: {  	[sflag:s16] =	ssyncset.done $0x0  }
0xb6: {  	[sflag:s16] =	ssyncadd.s32 $0xFFFFFF80  }
0xb7: {  	_ =	swait.ge [sflag:s16], $0x80  }
0xb8: {  	[sflag:s16] =	ssyncset.done $0x0  }
0xb9: {  	[sflag:s16] =	ssyncadd.s32 $0xFFFFFF80  }
0xba: {  	_ =	swait.ge [sflag:s16], $0x80  }
0xbb: {  	[sflag:s16] =	ssyncset.done $0x0  }
0xbc: {  	[sflag:s16] =	ssyncadd.s32 $0xFFFFFF80  }
0xbd: {  	_ =	swait.ge [sflag:s16], $0x80  }
0xbe: {  	[sflag:s16] =	ssyncset.done $0x0  }
0xbf: {  	[sflag:s16] =	ssyncadd.s32 $0xFFFFFF80  }
0xc0: {  	_ =	swait.ge [sflag:s16], $0x80  }
0xc1: {  	[sflag:s16] =	ssyncset.done $0x0  }
0xc2: {  	[sflag:s16] =	ssyncadd.s32 $0xFFFFFF80  }
0xc3: {  	_ =	swait.ge [sflag:s16], $0x80  }
0xc4: {  	[sflag:s16] =	ssyncset.done $0x0  }
0xc5: {  	[sflag:s16] =	ssyncadd.s32 $0xFFFFFF80  }
0xc6: {  	_ =	swait.ge [sflag:s16], $0x80  }
0xc7: {  	[sflag:s16] =	ssyncset.done $0x0  }
0xc8: {  	[sflag:s16] =	ssyncadd.s32 $0xFFFFFF80  }
0xc9: {  	_ =	swait.ge [sflag:s16], $0x80  }
0xca: {  	[sflag:s16] =	ssyncset.done $0x0  }
0xcb: {  	[sflag:s16] =	ssyncadd.s32 $0xFFFFFF80  }
0xcc: {  	_ =	swait.ge [sflag:s16], $0x80  }
0xcd: {  	[sflag:s16] =	ssyncset.done $0x0  }
0xce: {  	[sflag:s16] =	ssyncadd.s32 $0xFFFFFF80  }
0xcf: {  	_ =	swait.ge [sflag:s16], $0x80  }
0xd0: {  	[sflag:s16] =	ssyncset.done $0x0  }
0xd1: {  	[sflag:s16] =	ssyncadd.s32 $0xFFFFFF80  }
0xd2: {  	_ =	swait.ge [sflag:s16], $0x80  }
0xd3: {  	[sflag:s16] =	ssyncset.done $0x0  }
0xd4: {  	[sflag:s16] =	ssyncadd.s32 $0xFFFFFF80  }
0xd5: {  	_ =	swait.ge [sflag:s16], $0x80  }
0xd6: {  	[sflag:s16] =	ssyncset.done $0x0  }
0xd7: {  	[sflag:s16] =	ssyncadd.s32 $0xFFFFFF80  }
0xd8: {  	_ =	swait.ge [sflag:s16], $0x80  }
0xd9: {  	[sflag:s16] =	ssyncset.done $0x0  }
0xda: {  	[sflag:s16] =	ssyncadd.s32 $0xFFFFFF80  }
0xdb: {  	_ =	swait.ge [sflag:s16], $0x80  }
0xdc: {  	[sflag:s16] =	ssyncset.done $0x0  }
0xdd: {  	[sflag:s16] =	ssyncadd.s32 $0xFFFFFF80  }
0xde: {  	_ =	swait.ge [sflag:s16], $0x80  }
0xdf: {  	[sflag:s16] =	ssyncset.done $0x0  }
0xe0: {  	[sflag:s16] =	ssyncadd.s32 $0xFFFFFF80  }
0xe1: {  	_ =	swait.ge [sflag:s16], $0x80  }
0xe2: {  	[sflag:s16] =	ssyncset.done $0x0  }
0xe3: {  	[sflag:s16] =	ssyncadd.s32 $0xFFFFFF80  }
0xe4: {  	_ =	swait.ge [sflag:s16], $0x80  }
0xe5: {  	[sflag:s16] =	ssyncset.done $0x0  }
0xe6: {  	[sflag:s16] =	ssyncadd.s32 $0xFFFFFF80  }
0xe7: {  	_ =	swait.ge [sflag:s16], $0x80  }
0xe8: {  	[sflag:s16] =	ssyncset.done $0x0  }
0xe9: {  	[sflag:s16] =	ssyncadd.s32 $0xFFFFFF80  }
0xea: {  	_ =	swait.ge [sflag:s16], $0x80  }
0xeb: {  	[sflag:s16] =	ssyncset.done $0x0  }
0xec: {  	[sflag:s16] =	ssyncadd.s32 $0xFFFFFF80  }
0xed: {  	_ =	swait.ge [sflag:s16], $0x80  }
0xee: {  	[sflag:s16] =	ssyncset.done $0x0  }
0xef: {  	[sflag:s16] =	ssyncadd.s32 $0xFFFFFF80  }
0xf0: {  	_ =	swait.ge [sflag:s16], $0x80  }
0xf1: {  	[sflag:s16] =	ssyncset.done $0x0  }
0xf2: {  	[sflag:s16] =	ssyncadd.s32 $0xFFFFFF80  }
0xf3: {  	_ =	swait.ge [sflag:s16], $0x80  }
0xf4: {  	[sflag:s16] =	ssyncset.done $0x0  }
0xf5: {  	[sflag:s16] =	ssyncadd.s32 $0xFFFFFF80  }
0xf6: {  	_ =	swait.ge [sflag:s16], $0x80  }
0xf7: {  	[sflag:s16] =	ssyncset.done $0x0  }
0xf8: {  	[sflag:s16] =	ssyncadd.s32 $0xFFFFFF80  }
0xf9: {  	_ =	swait.ge [sflag:s16], $0x80  }
0xfa: {  	[sflag:s16] =	ssyncset.done $0x0  }
0xfb: {  	[sflag:s16] =	ssyncadd.s32 $0xFFFFFF80  }
0xfc: {  	_ =	swait.ge [sflag:s16], $0x80  }
0xfd: {  	[sflag:s16] =	ssyncset.done $0x0  }
0xfe: {  	[sflag:s16] =	ssyncadd.s32 $0xFFFFFF80  }
0xff: {  	_ =	swait.ge [sflag:s16], $0x80  }
0x100: {  	[sflag:s16] =	ssyncset.done $0x0  }
0x101: {  	[sflag:s16] =	ssyncadd.s32 $0xFFFFFF80  }
0x102: {  	_ =	swait.ge [sflag:s16], $0x80  }
0x103: {  	[sflag:s16] =	ssyncset.done $0x0  }
0x104: {  	[sflag:s16] =	ssyncadd.s32 $0xFFFFFF80  }
0x105: {  	_ =	swait.ge [sflag:s16], $0x80  }
0x106: {  	[sflag:s16] =	ssyncset.done $0x0  }
0x107: {  	[sflag:s16] =	ssyncadd.s32 $0xFFFFFF80  }
0x108: {  	_ =	swait.ge [sflag:s16], $0x80  }
0x109: {  	[sflag:s16] =	ssyncset.done $0x0  }
0x10a: {  	[sflag:s16] =	ssyncadd.s32 $0xFFFFFF80  }
0x10b: {  	_ =	swait.ge [sflag:s16], $0x80  }
0x10c: {  	[sflag:s16] =	ssyncset.done $0x0  }
0x10d: {  	[sflag:s16] =	ssyncadd.s32 $0xFFFFFF80  }
0x10e: {  	_ =	swait.ge [sflag:s16], $0x80  }
0x10f: {  	[sflag:s16] =	ssyncset.done $0x0  }
0x110: {  	[sflag:s16] =	ssyncadd.s32 $0xFFFFFF80  }
0x111: {  	_ =	swait.ge [sflag:s16], $0x80  }
0x112: {  	[sflag:s16] =	ssyncset.done $0x0  }
0x113: {  	[sflag:s16] =	ssyncadd.s32 $0xFFFFFF80  }
0x114: {  	_ =	swait.ge [sflag:s16], $0x80  }
0x115: {  	[sflag:s16] =	ssyncset.done $0x0  }
0x116: {  	[sflag:s16] =	ssyncadd.s32 $0xFFFFFF80  }
0x117: {  	_ =	swait.ge [sflag:s16], $0x80  }
0x118: {  	[sflag:s16] =	ssyncset.done $0x0  }
0x119: {  	[sflag:s16] =	ssyncadd.s32 $0xFFFFFF80  }
0x11a: {  	_ =	swait.ge [sflag:s16], $0x80  }
0x11b: {  	[sflag:s16] =	ssyncset.done $0x0  }
0x11c: {  	[sflag:s16] =	ssyncadd.s32 $0xFFFFFF80  }
0x11d: {  	_ =	swait.ge [sflag:s16], $0x80  }
0x11e: {  	[sflag:s16] =	ssyncset.done $0x0  }
0x11f: {  	[sflag:s16] =	ssyncadd.s32 $0xFFFFFF80  }
0x120: {  	_ =	swait.ge [sflag:s16], $0x80  }
0x121: {  	[sflag:s16] =	ssyncset.done $0x0  }
0x122: {  	[sflag:s16] =	ssyncadd.s32 $0xFFFFFF80  }
0x123: {  	_ =	swait.ge [sflag:s16], $0x80  }
0x124: {  	[sflag:s16] =	ssyncset.done $0x0  }
0x125: {  	[sflag:s16] =	ssyncadd.s32 $0xFFFFFF80  }
0x126: {  	_ =	swait.ge [sflag:s16], $0x80  }
0x127: {  	[sflag:s16] =	ssyncset.done $0x0  }
0x128: {  	[sflag:s16] =	ssyncadd.s32 $0xFFFFFF80  }
0x129: {  	_ =	swait.ge [sflag:s16], $0x80  }
0x12a: {  	[sflag:s16] =	ssyncset.done $0x0  }
0x12b: {  	[sflag:s16] =	ssyncadd.s32 $0xFFFFFF80  }
0x12c: {  	_ =	swait.ge [sflag:s16], $0x80  }
0x12d: {  	[sflag:s16] =	ssyncset.done $0x0  }
0x12e: {  	[sflag:s16] =	ssyncadd.s32 $0xFFFFFF80  }
0x12f: {  	_ =	swait.ge [sflag:s16], $0x80  }
0x130: {  	[sflag:s16] =	ssyncset.done $0x0  }
0x131: {  	[sflag:s16] =	ssyncadd.s32 $0xFFFFFF80  }
0x132: {  	_ =	swait.ge [sflag:s16], $0x80  }
0x133: {  	[sflag:s16] =	ssyncset.done $0x0  }
0x134: {  	[sflag:s16] =	ssyncadd.s32 $0xFFFFFF80  }
0x135: {  	_ =	swait.ge [sflag:s16], $0x80  }
0x136: {  	[sflag:s16] =	ssyncset.done $0x0  }
0x137: {  	[sflag:s16] =	ssyncadd.s32 $0xFFFFFF80  }
0x138: {  	_ =	swait.ge [sflag:s16], $0x80  }
0x139: {  	[sflag:s16] =	ssyncset.done $0x0  }
0x13a: {  	[sflag:s16] =	ssyncadd.s32 $0xFFFFFF80  }
0x13b: {  	_ =	swait.ge [sflag:s16], $0x80  }
0x13c: {  	[sflag:s16] =	ssyncset.done $0x0  }
0x13d: {  	[sflag:s16] =	ssyncadd.s32 $0xFFFFFF80  }
0x13e: {  	_ =	swait.ge [sflag:s16], $0x80  }
0x13f: {  	[sflag:s16] =	ssyncset.done $0x0  }
0x140: {  	[sflag:s16] =	ssyncadd.s32 $0xFFFFFF80  }
0x141: {  	_ =	swait.ge [sflag:s16], $0x80  }
0x142: {  	[sflag:s16] =	ssyncset.done $0x0  }
0x143: {  	[sflag:s16] =	ssyncadd.s32 $0xFFFFFF80  }
0x144: {  	_ =	swait.ge [sflag:s16], $0x80  }
0x145: {  	[sflag:s16] =	ssyncset.done $0x0  }
0x146: {  	[sflag:s16] =	ssyncadd.s32 $0xFFFFFF80  }
0x147: {  	_ =	swait.ge [sflag:s16], $0x80  }
0x148: {  	[sflag:s16] =	ssyncset.done $0x0  }
0x149: {  	[sflag:s16] =	ssyncadd.s32 $0xFFFFFF80  }
0x14a: {  	_ =	swait.ge [sflag:s16], $0x80  }
0x14b: {  	[sflag:s16] =	ssyncset.done $0x0  }
0x14c: {  	[sflag:s16] =	ssyncadd.s32 $0xFFFFFF80  }
0x14d: {  	_ =	swait.ge [sflag:s16], $0x80  }
0x14e: {  	[sflag:s16] =	ssyncset.done $0x0  }
0x14f: {  	[sflag:s16] =	ssyncadd.s32 $0xFFFFFF80  }
0x150: {  	_ =	swait.ge [sflag:s16], $0x80  }
0x151: {  	[sflag:s16] =	ssyncset.done $0x0  }
0x152: {  	[sflag:s16] =	ssyncadd.s32 $0xFFFFFF80  }
0x153: {  	_ =	swait.ge [sflag:s16], $0x80  }
0x154: {  	[sflag:s16] =	ssyncset.done $0x0  }
0x155: {  	[sflag:s16] =	ssyncadd.s32 $0xFFFFFF80  }
0x156: {  	_ =	swait.ge [sflag:s16], $0x80  }
0x157: {  	[sflag:s16] =	ssyncset.done $0x0  }
0x158: {  	[sflag:s16] =	ssyncadd.s32 $0xFFFFFF80  }
0x159: {  	_ =	swait.ge [sflag:s16], $0x80  }
0x15a: {  	[sflag:s16] =	ssyncset.done $0x0  }
0x15b: {  	[sflag:s16] =	ssyncadd.s32 $0xFFFFFF80  }
0x15c: {  	s25 =	sshll.u32 s24, $0x7;
	s28 =	smov.u32 s22;
	_ =	swait.ge [sflag:s16], $0x80  }
0x15d: {  	s26 =	simm.s32 $0x2000;
	s29 =	smov.u32 s23;
	[sflag:s16] =	ssyncset.done $0x0  }
.LBB2_3:
0x15e: {  	[sflag:s16] =	ssyncadd.s32 $0xFFFFFF80  }
0x15f: {  	s28 =	sadd.s32 $0x10, s28;
	s29 =	sadd.s32 $0x10, s29;
	s30 =	smov.u32 s26  }
0x160: {  	p0 =	sne.s32 s26, $0xE000;
	s26 =	sadd.s32 $0x2000, s26;
	_ =	swait.ge [sflag:s16], $0x80  }
0x161: {  	[sflag:s16] =	ssyncset.done $0x0  }
0x162: {  	[sflag:s16] =	ssyncadd.s32 $0xFFFFFF80  }
0x163: {  	v0 =	vld [tilespmem:s29+$0x0]  }
0x164: {  	v2 =	vld [tilespmem:s28+$0x0];
	_ =	sdelay $0x3  }
0x165: {  	v1 =	vshll.u32 v0, $0x4  }
0x166: {  	v0 =	vshll.u32 v2, $0x4;
	(v2sf) =	vpush v1, $0x0  }
0x167: {  	(v2sf) =	vpush v0, $0x0;
	_ =	sdelay $0x4  }
0x168: {  	(v2sf) =	vpush v1, $0x1;
	_ =	sdelay $0x1  }
0x169: {  	(v2sf) =	vpush v0, $0x1;
	_ =	sdelay $0x4  }
0x16a: {  	s30 =	sshra.s32 s30, $0x2  }
0x16b: {  	s31 =	sadd.s32 $0x4400, s30;
	(v2sf) =	vpush v1, $0x2  }
0x16c: {  	s0 =	sadd.s32 $0x400, s30;
	s1 =	spop (v2sf)  }
0x16d: {  	s1 =	sand.u32 $0x1FFFFFF0, s1;
	s12 =	spop (v2sf);
	(v2sf) =	vpush v0, $0x2  }
0x16e: {  	s14 =	sadd.s32 $0x8400, s30;
	s13 =	sadd.s32 s4, s1;
	s12 =	sand.u32 $0x1FFFFFF0, s12  }
0x16f: {  	[tilespmem:s0], [sflag:$0x1] =	stream.linear.gather [hbm4b:s13+s2], $0x80, $0x38;
	[tilespmem:$0x10400] =	vst v63  }
0x170: {  	s1 =	sadd.s32 s6, s1;
	s0 =	sadd.s32 s5, s12;
	s13 =	sadd.s32 $0xC400, s30  }
0x171: {  	[tilespmem:s31], [sflag:$0x1] =	stream.linear.gather [hbm4b:s0+s2], $0x80, $0x38;
	[tilespmem:$0x10400] =	vst v63  }
0x172: {  	s0 =	sadd.s32 s7, s12;
	s12 =	spop (v2sf)  }
0x173: {  	[tilespmem:s14], [sflag:$0x1] =	stream.linear.gather [hbm4b:s1+s2], $0x80, $0x38;
	(v2sf) =	vpush v1, $0x3;
	[tilespmem:$0x10400] =	vst v63  }
0x174: {  	s1 =	sand.u32 $0x1FFFFFF0, s12;
	s12 =	sadd.s32 $0x4480, s30;
	s14 =	spop (v2sf)  }
0x175: {  	[tilespmem:s13], [sflag:$0x1] =	stream.linear.gather [hbm4b:s0+s2], $0x80, $0x38;
	(v2sf) =	vpush v0, $0x3;
	[tilespmem:$0x10400] =	vst v63  }
0x176: {  	s0 =	sadd.s32 $0x480, s30;
	s13 =	sadd.s32 s4, s1;
	s14 =	sand.u32 $0x1FFFFFF0, s14  }
0x177: {  	[tilespmem:s0], [sflag:$0x1] =	stream.linear.gather [hbm4b:s13+s2], $0x80, $0x38;
	[tilespmem:$0x10400] =	vst v63  }
0x178: {  	s1 =	sadd.s32 s6, s1;
	s0 =	sadd.s32 s5, s14;
	s13 =	sadd.s32 $0x8480, s30  }
0x179: {  	[tilespmem:s12], [sflag:$0x1] =	stream.linear.gather [hbm4b:s0+s2], $0x80, $0x38;
	(v2sf) =	vpush v1, $0x4;
	[tilespmem:$0x10400] =	vst v63  }
0x17a: {  	s0 =	sadd.s32 $0xC480, s30;
	s12 =	sadd.s32 s7, s14;
	s14 =	spop (v2sf)  }
0x17b: {  	[tilespmem:s13], [sflag:$0x1] =	stream.linear.gather [hbm4b:s1+s2], $0x80, $0x38;
	[tilespmem:$0x10400] =	vst v63  }
0x17c: {  	s1 =	sand.u32 $0x1FFFFFF0, s14;
	s13 =	sadd.s32 $0x4500, s30;
	s14 =	spop (v2sf)  }
0x17d: {  	[tilespmem:s0], [sflag:$0x1] =	stream.linear.gather [hbm4b:s12+s2], $0x80, $0x38;
	(v2sf) =	vpush v0, $0x4;
	[tilespmem:$0x10400] =	vst v63  }
0x17e: {  	s0 =	sadd.s32 $0x500, s30;
	s12 =	sadd.s32 s4, s1;
	s14 =	sand.u32 $0x1FFFFFF0, s14  }
0x17f: {  	[tilespmem:s0], [sflag:$0x1] =	stream.linear.gather [hbm4b:s12+s2], $0x80, $0x38;
	[tilespmem:$0x10400] =	vst v63  }
0x180: {  	s1 =	sadd.s32 s6, s1;
	s0 =	sadd.s32 s5, s14;
	s12 =	sadd.s32 $0x8500, s30  }
0x181: {  	[tilespmem:s13], [sflag:$0x1] =	stream.linear.gather [hbm4b:s0+s2], $0x80, $0x38;
	(v2sf) =	vpush v1, $0x5;
	[tilespmem:$0x10400] =	vst v63  }
0x182: {  	s0 =	sadd.s32 s7, s14;
	s13 =	spop (v2sf)  }
0x183: {  	[tilespmem:s12], [sflag:$0x1] =	stream.linear.gather [hbm4b:s1+s2], $0x80, $0x38;
	[tilespmem:$0x10400] =	vst v63  }
0x184: {  	s1 =	sadd.s32 $0xC500, s30;
	s12 =	sand.u32 $0x1FFFFFF0, s13;
	s13 =	spop (v2sf)  }
0x185: {  	[tilespmem:s1], [sflag:$0x1] =	stream.linear.gather [hbm4b:s0+s2], $0x80, $0x38;
	(v2sf) =	vpush v0, $0x5;
	[tilespmem:$0x10400] =	vst v63  }
0x186: {  	s0 =	sadd.s32 $0x580, s30;
	s1 =	sadd.s32 s4, s12;
	s13 =	sand.u32 $0x1FFFFFF0, s13  }
0x187: {  	[tilespmem:s0], [sflag:$0x1] =	stream.linear.gather [hbm4b:s1+s2], $0x80, $0x38;
	[tilespmem:$0x10400] =	vst v63  }
0x188: {  	s0 =	sadd.s32 $0x4580, s30;
	s1 =	sadd.s32 s5, s13;
	s14 =	spop (v2sf)  }
0x189: {  	[tilespmem:s0], [sflag:$0x1] =	stream.linear.gather [hbm4b:s1+s2], $0x80, $0x38;
	(v2sf) =	vpush v1, $0x6;
	[tilespmem:$0x10400] =	vst v63  }
0x18a: {  	s0 =	sadd.s32 $0x8580, s30;
	s1 =	sadd.s32 s6, s12;
	s12 =	sand.u32 $0x1FFFFFF0, s14  }
0x18b: {  	[tilespmem:s0], [sflag:$0x1] =	stream.linear.gather [hbm4b:s1+s2], $0x80, $0x38;
	[tilespmem:$0x10400] =	vst v63  }
0x18c: {  	s0 =	sadd.s32 $0xC580, s30;
	s1 =	sadd.s32 s7, s13;
	s13 =	spop (v2sf)  }
0x18d: {  	[tilespmem:s0], [sflag:$0x1] =	stream.linear.gather [hbm4b:s1+s2], $0x80, $0x38;
	(v2sf) =	vpush v0, $0x6;
	[tilespmem:$0x10400] =	vst v63  }
0x18e: {  	s0 =	sadd.s32 $0x600, s30;
	s1 =	sadd.s32 s4, s12;
	s13 =	sand.u32 $0x1FFFFFF0, s13  }
0x18f: {  	[tilespmem:s0], [sflag:$0x1] =	stream.linear.gather [hbm4b:s1+s2], $0x80, $0x38;
	[tilespmem:$0x10400] =	vst v63  }
0x190: {  	s0 =	sadd.s32 $0x4600, s30;
	s1 =	sadd.s32 s5, s13;
	s14 =	spop (v2sf)  }
0x191: {  	[tilespmem:s0], [sflag:$0x1] =	stream.linear.gather [hbm4b:s1+s2], $0x80, $0x38;
	(v2sf) =	vpush v1, $0x7;
	[tilespmem:$0x10400] =	vst v63  }
0x192: {  	s0 =	sadd.s32 $0x8600, s30;
	s1 =	sadd.s32 s6, s12;
	s12 =	sand.u32 $0x1FFFFFF0, s14  }
0x193: {  	[tilespmem:s0], [sflag:$0x1] =	stream.linear.gather [hbm4b:s1+s2], $0x80, $0x38;
	[tilespmem:$0x10400] =	vst v63  }
0x194: {  	s0 =	sadd.s32 $0xC600, s30;
	s1 =	sadd.s32 s7, s13;
	s13 =	spop (v2sf)  }
0x195: {  	[tilespmem:s0], [sflag:$0x1] =	stream.linear.gather [hbm4b:s1+s2], $0x80, $0x38;
	(v2sf) =	vpush v0, $0x7;
	[tilespmem:$0x10400] =	vst v63  }
0x196: {  	s0 =	sadd.s32 $0x680, s30;
	s1 =	sadd.s32 s4, s12;
	s13 =	sand.u32 $0x1FFFFFF0, s13  }
0x197: {  	[tilespmem:s0], [sflag:$0x1] =	stream.linear.gather [hbm4b:s1+s2], $0x80, $0x38;
	[tilespmem:$0x10400] =	vst v63  }
0x198: {  	s0 =	sadd.s32 $0x4680, s30;
	s1 =	sadd.s32 s5, s13;
	s14 =	spop (v2sf)  }
0x199: {  	[tilespmem:s0], [sflag:$0x1] =	stream.linear.gather [hbm4b:s1+s2], $0x80, $0x38;
	(v2sf) =	vpush v1, $0x8;
	[tilespmem:$0x10400] =	vst v63  }
0x19a: {  	s0 =	sadd.s32 $0x8680, s30;
	s1 =	sadd.s32 s6, s12;
	s12 =	sand.u32 $0x1FFFFFF0, s14  }
0x19b: {  	[tilespmem:s0], [sflag:$0x1] =	stream.linear.gather [hbm4b:s1+s2], $0x80, $0x38;
	[tilespmem:$0x10400] =	vst v63  }
0x19c: {  	s0 =	sadd.s32 $0xC680, s30;
	s1 =	sadd.s32 s7, s13;
	s13 =	spop (v2sf)  }
0x19d: {  	[tilespmem:s0], [sflag:$0x1] =	stream.linear.gather [hbm4b:s1+s2], $0x80, $0x38;
	(v2sf) =	vpush v0, $0x8;
	[tilespmem:$0x10400] =	vst v63  }
0x19e: {  	s0 =	sadd.s32 $0x700, s30;
	s1 =	sadd.s32 s4, s12;
	s13 =	sand.u32 $0x1FFFFFF0, s13  }
0x19f: {  	[tilespmem:s0], [sflag:$0x1] =	stream.linear.gather [hbm4b:s1+s2], $0x80, $0x38;
	[tilespmem:$0x10400] =	vst v63  }
0x1a0: {  	s0 =	sadd.s32 $0x4700, s30;
	s1 =	sadd.s32 s5, s13;
	s14 =	spop (v2sf)  }
0x1a1: {  	[tilespmem:s0], [sflag:$0x1] =	stream.linear.gather [hbm4b:s1+s2], $0x80, $0x38;
	(v2sf) =	vpush v1, $0x9;
	[tilespmem:$0x10400] =	vst v63  }
0x1a2: {  	s0 =	sadd.s32 $0x8700, s30;
	s1 =	sadd.s32 s6, s12;
	s12 =	sand.u32 $0x1FFFFFF0, s14  }
0x1a3: {  	[tilespmem:s0], [sflag:$0x1] =	stream.linear.gather [hbm4b:s1+s2], $0x80, $0x38;
	[tilespmem:$0x10400] =	vst v63  }
0x1a4: {  	s0 =	sadd.s32 $0xC700, s30;
	s1 =	sadd.s32 s7, s13;
	s13 =	spop (v2sf)  }
0x1a5: {  	[tilespmem:s0], [sflag:$0x1] =	stream.linear.gather [hbm4b:s1+s2], $0x80, $0x38;
	(v2sf) =	vpush v0, $0x9;
	[tilespmem:$0x10400] =	vst v63  }
0x1a6: {  	s0 =	sadd.s32 $0x780, s30;
	s1 =	sadd.s32 s4, s12;
	s13 =	sand.u32 $0x1FFFFFF0, s13  }
0x1a7: {  	[tilespmem:s0], [sflag:$0x1] =	stream.linear.gather [hbm4b:s1+s2], $0x80, $0x38;
	[tilespmem:$0x10400] =	vst v63  }
0x1a8: {  	s0 =	sadd.s32 $0x4780, s30;
	s1 =	sadd.s32 s5, s13;
	s14 =	spop (v2sf)  }
0x1a9: {  	[tilespmem:s0], [sflag:$0x1] =	stream.linear.gather [hbm4b:s1+s2], $0x80, $0x38;
	(v2sf) =	vpush v1, $0xA;
	[tilespmem:$0x10400] =	vst v63  }
0x1aa: {  	s0 =	sadd.s32 $0x8780, s30;
	s1 =	sadd.s32 s6, s12;
	s12 =	sand.u32 $0x1FFFFFF0, s14  }
0x1ab: {  	[tilespmem:s0], [sflag:$0x1] =	stream.linear.gather [hbm4b:s1+s2], $0x80, $0x38;
	[tilespmem:$0x10400] =	vst v63  }
0x1ac: {  	s0 =	sadd.s32 $0xC780, s30;
	s1 =	sadd.s32 s7, s13;
	s13 =	spop (v2sf)  }
0x1ad: {  	[tilespmem:s0], [sflag:$0x1] =	stream.linear.gather [hbm4b:s1+s2], $0x80, $0x38;
	(v2sf) =	vpush v0, $0xA;
	[tilespmem:$0x10400] =	vst v63  }
0x1ae: {  	s0 =	sadd.s32 $0x800, s30;
	s1 =	sadd.s32 s4, s12;
	s13 =	sand.u32 $0x1FFFFFF0, s13  }
0x1af: {  	[tilespmem:s0], [sflag:$0x1] =	stream.linear.gather [hbm4b:s1+s2], $0x80, $0x38;
	[tilespmem:$0x10400] =	vst v63  }
0x1b0: {  	s0 =	sadd.s32 $0x4800, s30;
	s1 =	sadd.s32 s5, s13;
	s14 =	spop (v2sf)  }
0x1b1: {  	[tilespmem:s0], [sflag:$0x1] =	stream.linear.gather [hbm4b:s1+s2], $0x80, $0x38;
	(v2sf) =	vpush v1, $0xB;
	[tilespmem:$0x10400] =	vst v63  }
0x1b2: {  	s0 =	sadd.s32 $0x8800, s30;
	s1 =	sadd.s32 s6, s12;
	s12 =	sand.u32 $0x1FFFFFF0, s14  }
0x1b3: {  	[tilespmem:s0], [sflag:$0x1] =	stream.linear.gather [hbm4b:s1+s2], $0x80, $0x38;
	[tilespmem:$0x10400] =	vst v63  }
0x1b4: {  	s0 =	sadd.s32 $0xC800, s30;
	s1 =	sadd.s32 s7, s13;
	s13 =	spop (v2sf)  }
0x1b5: {  	[tilespmem:s0], [sflag:$0x1] =	stream.linear.gather [hbm4b:s1+s2], $0x80, $0x38;
	(v2sf) =	vpush v0, $0xB;
	[tilespmem:$0x10400] =	vst v63  }
0x1b6: {  	s0 =	sadd.s32 $0x880, s30;
	s1 =	sadd.s32 s4, s12;
	s13 =	sand.u32 $0x1FFFFFF0, s13  }
0x1b7: {  	[tilespmem:s0], [sflag:$0x1] =	stream.linear.gather [hbm4b:s1+s2], $0x80, $0x38;
	[tilespmem:$0x10400] =	vst v63  }
0x1b8: {  	s0 =	sadd.s32 $0x4880, s30;
	s1 =	sadd.s32 s5, s13;
	s14 =	spop (v2sf)  }
0x1b9: {  	[tilespmem:s0], [sflag:$0x1] =	stream.linear.gather [hbm4b:s1+s2], $0x80, $0x38;
	(v2sf) =	vpush v1, $0xC;
	[tilespmem:$0x10400] =	vst v63  }
0x1ba: {  	s0 =	sadd.s32 $0x8880, s30;
	s1 =	sadd.s32 s6, s12;
	s12 =	sand.u32 $0x1FFFFFF0, s14  }
0x1bb: {  	[tilespmem:s0], [sflag:$0x1] =	stream.linear.gather [hbm4b:s1+s2], $0x80, $0x38;
	[tilespmem:$0x10400] =	vst v63  }
0x1bc: {  	s0 =	sadd.s32 $0xC880, s30;
	s1 =	sadd.s32 s7, s13;
	s13 =	spop (v2sf)  }
0x1bd: {  	[tilespmem:s0], [sflag:$0x1] =	stream.linear.gather [hbm4b:s1+s2], $0x80, $0x38;
	(v2sf) =	vpush v0, $0xC;
	[tilespmem:$0x10400] =	vst v63  }
0x1be: {  	s0 =	sadd.s32 $0x900, s30;
	s1 =	sadd.s32 s4, s12;
	s13 =	sand.u32 $0x1FFFFFF0, s13  }
0x1bf: {  	[tilespmem:s0], [sflag:$0x1] =	stream.linear.gather [hbm4b:s1+s2], $0x80, $0x38;
	[tilespmem:$0x10400] =	vst v63  }
0x1c0: {  	s0 =	sadd.s32 $0x4900, s30;
	s1 =	sadd.s32 s5, s13;
	s14 =	spop (v2sf)  }
0x1c1: {  	[tilespmem:s0], [sflag:$0x1] =	stream.linear.gather [hbm4b:s1+s2], $0x80, $0x38;
	(v2sf) =	vpush v1, $0xD;
	[tilespmem:$0x10400] =	vst v63  }
0x1c2: {  	s0 =	sadd.s32 $0x8900, s30;
	s1 =	sadd.s32 s6, s12;
	s12 =	sand.u32 $0x1FFFFFF0, s14  }
0x1c3: {  	[tilespmem:s0], [sflag:$0x1] =	stream.linear.gather [hbm4b:s1+s2], $0x80, $0x38;
	[tilespmem:$0x10400] =	vst v63  }
0x1c4: {  	s0 =	sadd.s32 $0xC900, s30;
	s1 =	sadd.s32 s7, s13;
	s13 =	spop (v2sf)  }
0x1c5: {  	[tilespmem:s0], [sflag:$0x1] =	stream.linear.gather [hbm4b:s1+s2], $0x80, $0x38;
	(v2sf) =	vpush v0, $0xD;
	[tilespmem:$0x10400] =	vst v63  }
0x1c6: {  	s0 =	sadd.s32 $0x980, s30;
	s1 =	sadd.s32 s4, s12;
	s13 =	sand.u32 $0x1FFFFFF0, s13  }
0x1c7: {  	[tilespmem:s0], [sflag:$0x1] =	stream.linear.gather [hbm4b:s1+s2], $0x80, $0x38;
	[tilespmem:$0x10400] =	vst v63  }
0x1c8: {  	s0 =	sadd.s32 $0x4980, s30;
	s1 =	sadd.s32 s5, s13;
	s14 =	spop (v2sf)  }
0x1c9: {  	[tilespmem:s0], [sflag:$0x1] =	stream.linear.gather [hbm4b:s1+s2], $0x80, $0x38;
	(v2sf) =	vpush v1, $0xE;
	[tilespmem:$0x10400] =	vst v63  }
0x1ca: {  	s0 =	sadd.s32 $0x8980, s30;
	s1 =	sadd.s32 s6, s12;
	s12 =	sand.u32 $0x1FFFFFF0, s14  }
0x1cb: {  	[tilespmem:s0], [sflag:$0x1] =	stream.linear.gather [hbm4b:s1+s2], $0x80, $0x38;
	[tilespmem:$0x10400] =	vst v63  }
0x1cc: {  	s0 =	sadd.s32 $0xC980, s30;
	s1 =	sadd.s32 s7, s13;
	s13 =	spop (v2sf)  }
0x1cd: {  	[tilespmem:s0], [sflag:$0x1] =	stream.linear.gather [hbm4b:s1+s2], $0x80, $0x38;
	(v2sf) =	vpush v0, $0xE;
	[tilespmem:$0x10400] =	vst v63  }
0x1ce: {  	s0 =	sadd.s32 $0xA00, s30;
	s1 =	sadd.s32 s4, s12;
	s13 =	sand.u32 $0x1FFFFFF0, s13  }
0x1cf: {  	[tilespmem:s0], [sflag:$0x1] =	stream.linear.gather [hbm4b:s1+s2], $0x80, $0x38;
	[tilespmem:$0x10400] =	vst v63  }
0x1d0: {  	s0 =	sadd.s32 $0x4A00, s30;
	s1 =	sadd.s32 s5, s13;
	s14 =	spop (v2sf)  }
0x1d1: {  	[tilespmem:s0], [sflag:$0x1] =	stream.linear.gather [hbm4b:s1+s2], $0x80, $0x38;
	(v2sf) =	vpush v1, $0xF;
	[tilespmem:$0x10400] =	vst v63  }
0x1d2: {  	s0 =	sadd.s32 $0x8A00, s30;
	s1 =	sadd.s32 s6, s12;
	s12 =	sand.u32 $0x1FFFFFF0, s14  }
0x1d3: {  	[tilespmem:s0], [sflag:$0x1] =	stream.linear.gather [hbm4b:s1+s2], $0x80, $0x38;
	[tilespmem:$0x10400] =	vst v63  }
0x1d4: {  	s0 =	sadd.s32 $0xCA00, s30;
	s1 =	sadd.s32 s7, s13;
	s13 =	spop (v2sf)  }
0x1d5: {  	[tilespmem:s0], [sflag:$0x1] =	stream.linear.gather [hbm4b:s1+s2], $0x80, $0x38;
	(v2sf) =	vpush v0, $0xF;
	[tilespmem:$0x10400] =	vst v63  }
0x1d6: {  	s0 =	sadd.s32 $0xA80, s30;
	s1 =	sadd.s32 s4, s12;
	s13 =	sand.u32 $0x1FFFFFF0, s13  }
0x1d7: {  	[tilespmem:s0], [sflag:$0x1] =	stream.linear.gather [hbm4b:s1+s2], $0x80, $0x38;
	[tilespmem:$0x10400] =	vst v63  }
0x1d8: {  	s0 =	sadd.s32 $0x4A80, s30;
	s1 =	sadd.s32 s5, s13;
	s14 =	spop (v2sf)  }
0x1d9: {  	[tilespmem:s0], [sflag:$0x1] =	stream.linear.gather [hbm4b:s1+s2], $0x80, $0x38;
	[tilespmem:$0x10400] =	vst v63  }
0x1da: {  	s0 =	sadd.s32 $0x8A80, s30;
	s1 =	sadd.s32 s6, s12;
	s12 =	sand.u32 $0x1FFFFFF0, s14  }
0x1db: {  	[tilespmem:s0], [sflag:$0x1] =	stream.linear.gather [hbm4b:s1+s2], $0x80, $0x38;
	[tilespmem:$0x10400] =	vst v63  }
0x1dc: {  	s0 =	sadd.s32 $0xCA80, s30;
	s1 =	sadd.s32 s7, s13;
	s13 =	spop (v2sf)  }
0x1dd: {  	[tilespmem:s0], [sflag:$0x1] =	stream.linear.gather [hbm4b:s1+s2], $0x80, $0x38;
	[tilespmem:$0x10400] =	vst v63  }
0x1de: {  	s0 =	sadd.s32 $0xB00, s30;
	s1 =	sadd.s32 s4, s12;
	s13 =	sand.u32 $0x1FFFFFF0, s13  }
0x1df: {  	[tilespmem:s0], [sflag:$0x1] =	stream.linear.gather [hbm4b:s1+s2], $0x80, $0x38;
	[tilespmem:$0x10400] =	vst v63  }
0x1e0: {  	s0 =	sadd.s32 $0x4B00, s30;
	s1 =	sadd.s32 s5, s13;
	s14 =	spop (v2sf)  }
0x1e1: {  	[tilespmem:s0], [sflag:$0x1] =	stream.linear.gather [hbm4b:s1+s2], $0x80, $0x38;
	[tilespmem:$0x10400] =	vst v63  }
0x1e2: {  	s0 =	sadd.s32 $0x8B00, s30;
	s1 =	sadd.s32 s6, s12;
	s12 =	sand.u32 $0x1FFFFFF0, s14  }
0x1e3: {  	[tilespmem:s0], [sflag:$0x1] =	stream.linear.gather [hbm4b:s1+s2], $0x80, $0x38;
	[tilespmem:$0x10400] =	vst v63  }
0x1e4: {  	s0 =	sadd.s32 $0xCB00, s30;
	s1 =	sadd.s32 s7, s13;
	s13 =	spop (v2sf)  }
0x1e5: {  	[tilespmem:s0], [sflag:$0x1] =	stream.linear.gather [hbm4b:s1+s2], $0x80, $0x38;
	[tilespmem:$0x10400] =	vst v63  }
0x1e6: {  	s0 =	sadd.s32 $0xB80, s30;
	s1 =	sadd.s32 s4, s12;
	s13 =	sand.u32 $0x1FFFFFF0, s13  }
0x1e7: {  	[tilespmem:s0], [sflag:$0x1] =	stream.linear.gather [hbm4b:s1+s2], $0x80, $0x38;
	[tilespmem:$0x10400] =	vst v63  }
0x1e8: {  	s0 =	sadd.s32 $0x4B80, s30;
	s1 =	sadd.s32 s5, s13  }
0x1e9: {  	[tilespmem:s0], [sflag:$0x1] =	stream.linear.gather [hbm4b:s1+s2], $0x80, $0x38;
	[tilespmem:$0x10400] =	vst v63  }
0x1ea: {  	s0 =	sadd.s32 $0x8B80, s30;
	s1 =	sadd.s32 s6, s12  }
0x1eb: {  	[tilespmem:s0], [sflag:$0x1] =	stream.linear.gather [hbm4b:s1+s2], $0x80, $0x38;
	[tilespmem:$0x10400] =	vst v63  }
0x1ec: {  	s0 =	sadd.s32 $0xCB80, s30;
	s1 =	sadd.s32 s7, s13  }
0x1ed: {  	[tilespmem:s0], [sflag:$0x1] =	stream.linear.gather [hbm4b:s1+s2], $0x80, $0x38;
	[tilespmem:$0x10400] =	vst v63  }
0x1ee: {  	_ =	swait.ge [sflag:s16], $0x80  }
0x1ef: {  	[sflag:s16] =	ssyncset.done $0x0  }
0x1f0: {  	[sflag:s16] =	ssyncadd.s32 $0xFFFFFF80  }
0x1f1: {  	_ =	swait.ge [sflag:s16], $0x80  }
0x1f2: {  	[sflag:s16] =	ssyncset.done $0x0  }
0x1f3: {  	[sflag:s16] =	ssyncadd.s32 $0xFFFFFF80  }
0x1f4: {  	_ =	swait.ge [sflag:s16], $0x80  }
0x1f5: {  	[sflag:s16] =	ssyncset.done $0x0  }
0x1f6: {  	[sflag:s16] =	ssyncadd.s32 $0xFFFFFF80  }
0x1f7: {  	_ =	swait.ge [sflag:s16], $0x80  }
0x1f8: {  	[sflag:s16] =	ssyncset.done $0x0  }
0x1f9: {  	[sflag:s16] =	ssyncadd.s32 $0xFFFFFF80  }
0x1fa: {  	_ =	swait.ge [sflag:s16], $0x80  }
0x1fb: {  	[sflag:s16] =	ssyncset.done $0x0  }
0x1fc: {  	[sflag:s16] =	ssyncadd.s32 $0xFFFFFF80  }
0x1fd: {  	_ =	swait.ge [sflag:s16], $0x80  }
0x1fe: {  	[sflag:s16] =	ssyncset.done $0x0  }
0x1ff: {  	[sflag:s16] =	ssyncadd.s32 $0xFFFFFF80  }
0x200: {  	_ =	swait.ge [sflag:s16], $0x80  }
0x201: {  	[sflag:s16] =	ssyncset.done $0x0  }
0x202: {  	[sflag:s16] =	ssyncadd.s32 $0xFFFFFF80  }
0x203: {  	_ =	swait.ge [sflag:s16], $0x80  }
0x204: {  	[sflag:s16] =	ssyncset.done $0x0  }
0x205: {  	[sflag:s16] =	ssyncadd.s32 $0xFFFFFF80  }
0x206: {  	_ =	swait.ge [sflag:s16], $0x80  }
0x207: {  	[sflag:s16] =	ssyncset.done $0x0  }
0x208: {  	[sflag:s16] =	ssyncadd.s32 $0xFFFFFF80  }
0x209: {  	_ =	swait.ge [sflag:s16], $0x80  }
0x20a: {  	[sflag:s16] =	ssyncset.done $0x0  }
0x20b: {  	[sflag:s16] =	ssyncadd.s32 $0xFFFFFF80  }
0x20c: {  	_ =	swait.ge [sflag:s16], $0x80  }
0x20d: {  	[sflag:s16] =	ssyncset.done $0x0  }
0x20e: {  	[sflag:s16] =	ssyncadd.s32 $0xFFFFFF80  }
0x20f: {  	_ =	swait.ge [sflag:s16], $0x80  }
0x210: {  	[sflag:s16] =	ssyncset.done $0x0  }
0x211: {  	[sflag:s16] =	ssyncadd.s32 $0xFFFFFF80  }
0x212: {  	_ =	swait.ge [sflag:s16], $0x80  }
0x213: {  	[sflag:s16] =	ssyncset.done $0x0  }
0x214: {  	[sflag:s16] =	ssyncadd.s32 $0xFFFFFF80  }
0x215: {  	_ =	swait.ge [sflag:s16], $0x80  }
0x216: {  	[sflag:s16] =	ssyncset.done $0x0  }
0x217: {  	[sflag:s16] =	ssyncadd.s32 $0xFFFFFF80  }
0x218: {  	_ =	swait.ge [sflag:s16], $0x80  }
0x219: {  	[sflag:s16] =	ssyncset.done $0x0  }
0x21a: {  	[sflag:s16] =	ssyncadd.s32 $0xFFFFFF80  }
0x21b: {  	_ =	swait.ge [sflag:s16], $0x80  }
0x21c: {  	[sflag:s16] =	ssyncset.done $0x0  }
0x21d: {  	[sflag:s16] =	ssyncadd.s32 $0xFFFFFF80  }
0x21e: {  	_ =	swait.ge [sflag:s16], $0x80  }
0x21f: {  	[sflag:s16] =	ssyncset.done $0x0  }
0x220: {  	[sflag:s16] =	ssyncadd.s32 $0xFFFFFF80  }
0x221: {  	_ =	swait.ge [sflag:s16], $0x80  }
0x222: {  	[sflag:s16] =	ssyncset.done $0x0  }
0x223: {  	[sflag:s16] =	ssyncadd.s32 $0xFFFFFF80  }
0x224: {  	_ =	swait.ge [sflag:s16], $0x80  }
0x225: {  	[sflag:s16] =	ssyncset.done $0x0  }
0x226: {  	[sflag:s16] =	ssyncadd.s32 $0xFFFFFF80  }
0x227: {  	_ =	swait.ge [sflag:s16], $0x80  }
0x228: {  	[sflag:s16] =	ssyncset.done $0x0  }
0x229: {  	[sflag:s16] =	ssyncadd.s32 $0xFFFFFF80  }
0x22a: {  	_ =	swait.ge [sflag:s16], $0x80  }
0x22b: {  	[sflag:s16] =	ssyncset.done $0x0  }
0x22c: {  	[sflag:s16] =	ssyncadd.s32 $0xFFFFFF80  }
0x22d: {  	_ =	swait.ge [sflag:s16], $0x80  }
0x22e: {  	[sflag:s16] =	ssyncset.done $0x0  }
0x22f: {  	[sflag:s16] =	ssyncadd.s32 $0xFFFFFF80  }
0x230: {  	_ =	swait.ge [sflag:s16], $0x80  }
0x231: {  	[sflag:s16] =	ssyncset.done $0x0  }
0x232: {  	[sflag:s16] =	ssyncadd.s32 $0xFFFFFF80  }
0x233: {  	_ =	swait.ge [sflag:s16], $0x80  }
0x234: {  	[sflag:s16] =	ssyncset.done $0x0  }
0x235: {  	[sflag:s16] =	ssyncadd.s32 $0xFFFFFF80  }
0x236: {  	_ =	swait.ge [sflag:s16], $0x80  }
0x237: {  	[sflag:s16] =	ssyncset.done $0x0  }
0x238: {  	[sflag:s16] =	ssyncadd.s32 $0xFFFFFF80  }
0x239: {  	_ =	swait.ge [sflag:s16], $0x80  }
0x23a: {  	[sflag:s16] =	ssyncset.done $0x0  }
0x23b: {  	[sflag:s16] =	ssyncadd.s32 $0xFFFFFF80  }
0x23c: {  	_ =	swait.ge [sflag:s16], $0x80  }
0x23d: {  	[sflag:s16] =	ssyncset.done $0x0  }
0x23e: {  	[sflag:s16] =	ssyncadd.s32 $0xFFFFFF80  }
0x23f: {  	_ =	swait.ge [sflag:s16], $0x80  }
0x240: {  	[sflag:s16] =	ssyncset.done $0x0  }
0x241: {  	[sflag:s16] =	ssyncadd.s32 $0xFFFFFF80  }
0x242: {  	_ =	swait.ge [sflag:s16], $0x80  }
0x243: {  	[sflag:s16] =	ssyncset.done $0x0  }
0x244: {  	[sflag:s16] =	ssyncadd.s32 $0xFFFFFF80  }
0x245: {  	_ =	swait.ge [sflag:s16], $0x80  }
0x246: {  	[sflag:s16] =	ssyncset.done $0x0  }
0x247: {  	[sflag:s16] =	ssyncadd.s32 $0xFFFFFF80  }
0x248: {  	_ =	swait.ge [sflag:s16], $0x80  }
0x249: {  	[sflag:s16] =	ssyncset.done $0x0  }
0x24a: {  	[sflag:s16] =	ssyncadd.s32 $0xFFFFFF80  }
0x24b: {  	_ =	swait.ge [sflag:s16], $0x80  }
0x24c: {  	[sflag:s16] =	ssyncset.done $0x0  }
0x24d: {  	[sflag:s16] =	ssyncadd.s32 $0xFFFFFF80  }
0x24e: {  	_ =	swait.ge [sflag:s16], $0x80  }
0x24f: {  	[sflag:s16] =	ssyncset.done $0x0  }
0x250: {  	[sflag:s16] =	ssyncadd.s32 $0xFFFFFF80  }
0x251: {  	_ =	swait.ge [sflag:s16], $0x80  }
0x252: {  	[sflag:s16] =	ssyncset.done $0x0  }
0x253: {  	[sflag:s16] =	ssyncadd.s32 $0xFFFFFF80  }
0x254: {  	_ =	swait.ge [sflag:s16], $0x80  }
0x255: {  	[sflag:s16] =	ssyncset.done $0x0  }
0x256: {  	[sflag:s16] =	ssyncadd.s32 $0xFFFFFF80  }
0x257: {  	_ =	swait.ge [sflag:s16], $0x80  }
0x258: {  	[sflag:s16] =	ssyncset.done $0x0  }
0x259: {  	[sflag:s16] =	ssyncadd.s32 $0xFFFFFF80  }
0x25a: {  	_ =	swait.ge [sflag:s16], $0x80  }
0x25b: {  	[sflag:s16] =	ssyncset.done $0x0  }
0x25c: {  	[sflag:s16] =	ssyncadd.s32 $0xFFFFFF80  }
0x25d: {  	_ =	swait.ge [sflag:s16], $0x80  }
0x25e: {  	[sflag:s16] =	ssyncset.done $0x0  }
0x25f: {  	[sflag:s16] =	ssyncadd.s32 $0xFFFFFF80  }
0x260: {  	_ =	swait.ge [sflag:s16], $0x80  }
0x261: {  	[sflag:s16] =	ssyncset.done $0x0  }
0x262: {  	[sflag:s16] =	ssyncadd.s32 $0xFFFFFF80  }
0x263: {  	_ =	swait.ge [sflag:s16], $0x80  }
0x264: {  	[sflag:s16] =	ssyncset.done $0x0  }
0x265: {  	[sflag:s16] =	ssyncadd.s32 $0xFFFFFF80  }
0x266: {  	_ =	swait.ge [sflag:s16], $0x80  }
0x267: {  	[sflag:s16] =	ssyncset.done $0x0  }
0x268: {  	[sflag:s16] =	ssyncadd.s32 $0xFFFFFF80  }
0x269: {  	_ =	swait.ge [sflag:s16], $0x80  }
0x26a: {  	[sflag:s16] =	ssyncset.done $0x0  }
0x26b: {  	[sflag:s16] =	ssyncadd.s32 $0xFFFFFF80  }
0x26c: {  	_ =	swait.ge [sflag:s16], $0x80  }
0x26d: {  	[sflag:s16] =	ssyncset.done $0x0  }
0x26e: {  	[sflag:s16] =	ssyncadd.s32 $0xFFFFFF80  }
0x26f: {  	_ =	swait.ge [sflag:s16], $0x80  }
0x270: {  	[sflag:s16] =	ssyncset.done $0x0  }
0x271: {  	[sflag:s16] =	ssyncadd.s32 $0xFFFFFF80  }
0x272: {  	_ =	swait.ge [sflag:s16], $0x80  }
0x273: {  	[sflag:s16] =	ssyncset.done $0x0  }
0x274: {  	[sflag:s16] =	ssyncadd.s32 $0xFFFFFF80  }
0x275: {  	_ =	swait.ge [sflag:s16], $0x80  }
0x276: {  	[sflag:s16] =	ssyncset.done $0x0  }
0x277: {  	[sflag:s16] =	ssyncadd.s32 $0xFFFFFF80  }
0x278: {  	_ =	swait.ge [sflag:s16], $0x80  }
0x279: {  	[sflag:s16] =	ssyncset.done $0x0  }
0x27a: {  	[sflag:s16] =	ssyncadd.s32 $0xFFFFFF80  }
0x27b: {  	_ =	swait.ge [sflag:s16], $0x80  }
0x27c: {  	[sflag:s16] =	ssyncset.done $0x0  }
0x27d: {  	[sflag:s16] =	ssyncadd.s32 $0xFFFFFF80  }
0x27e: {  	_ =	swait.ge [sflag:s16], $0x80  }
0x27f: {  	[sflag:s16] =	ssyncset.done $0x0  }
0x280: {  	[sflag:s16] =	ssyncadd.s32 $0xFFFFFF80  }
0x281: {  	_ =	swait.ge [sflag:s16], $0x80  }
0x282: {  	[sflag:s16] =	ssyncset.done $0x0  }
0x283: {  	[sflag:s16] =	ssyncadd.s32 $0xFFFFFF80  }
0x284: {  	_ =	swait.ge [sflag:s16], $0x80  }
0x285: {  	[sflag:s16] =	ssyncset.done $0x0  }
0x286: {  	[sflag:s16] =	ssyncadd.s32 $0xFFFFFF80  }
0x287: {  	_ =	swait.ge [sflag:s16], $0x80  }
0x288: {  	[sflag:s16] =	ssyncset.done $0x0  }
0x289: {  	[sflag:s16] =	ssyncadd.s32 $0xFFFFFF80  }
0x28a: {  	_ =	swait.ge [sflag:s16], $0x80  }
0x28b: {  	[sflag:s16] =	ssyncset.done $0x0  }
0x28c: {  	[sflag:s16] =	ssyncadd.s32 $0xFFFFFF80  }
0x28d: {  	_ =	swait.ge [sflag:s16], $0x80  }
0x28e: {  	[sflag:s16] =	ssyncset.done $0x0  }
0x28f: {  	[sflag:s16] =	ssyncadd.s32 $0xFFFFFF80  }
0x290: {  	_ =	swait.ge [sflag:s16], $0x80  }
0x291: {  	[sflag:s16] =	ssyncset.done $0x0  }
0x292: {  	[sflag:s16] =	ssyncadd.s32 $0xFFFFFF80  }
0x293: {  	_ =	swait.ge [sflag:s16], $0x80  }
0x294: {  	[sflag:s16] =	ssyncset.done $0x0  }
0x295: {  	[sflag:s16] =	ssyncadd.s32 $0xFFFFFF80  }
0x296: {  	_ =	swait.ge [sflag:s16], $0x80  }
0x297: {  	[sflag:s16] =	ssyncset.done $0x0  }
0x298: {  	[sflag:s16] =	ssyncadd.s32 $0xFFFFFF80  }
0x299: {  	_ =	swait.ge [sflag:s16], $0x80  }
0x29a: {  	[sflag:s16] =	ssyncset.done $0x0  }
0x29b: {  	[sflag:s16] =	ssyncadd.s32 $0xFFFFFF80  }
0x29c: {  	_ =	swait.ge [sflag:s16], $0x80  }
0x29d: {  	[sflag:s16] =	ssyncset.done $0x0  }
0x29e: {  	[sflag:s16] =	ssyncadd.s32 $0xFFFFFF80  }
0x29f: {  	_ =	swait.ge [sflag:s16], $0x80  }
0x2a0: {  	[sflag:s16] =	ssyncset.done $0x0  }
0x2a1: {  	[sflag:s16] =	ssyncadd.s32 $0xFFFFFF80  }
0x2a2: {  	_ =	swait.ge [sflag:s16], $0x80  }
0x2a3: {  	[sflag:s16] =	ssyncset.done $0x0  }
0x2a4: {  	[sflag:s16] =	ssyncadd.s32 $0xFFFFFF80  }
.Ltmp0:
0x2a5: {  	_ =	swait.ge [sflag:s16], $0x80;
	(pc) =	sbr.rel @p0 .LBB2_3-.Ltmp0, $4  }
0x2a6: {  	[sflag:s16] =	ssyncset.done $0x0  }
0x2a7: {  	[sflag:s16] =	ssyncadd.s32 $0xFFFFFF80  }
0x2a8: {  	_ =	swait.ge [sflag:s16], $0x80  }
0x2a9: {  	[sflag:s16] =	ssyncset.done $0x0  }
0x2aa: {  	[sflag:s16] =	ssyncadd.s32 $0xFFFFFF80  }
0x2ab: {  	s0 =	sor.u32 s3, s25;
	_ =	swait.ge [sflag:s16], $0x80  }
0x2ac: {  	s0 =	sshll.u32 s0, $0x4;
	[sflag:s16] =	ssyncset.done $0x0  }
0x2ad: {  	s1 =	sadd.s32 s8, s0;
	[sflag:s16] =	ssyncadd.s32 $0xFFFFFF80  }
0x2ae: {  	[hbm4b:s1+s2] =	stream.linear.scatter [tilespmem:s17], [sflag:$0x2], $0x4000, $0x38;
	[tilespmem:$0x10400] =	vst v63  }
0x2af: {  	_ =	swait.ge [sflag:s15], $0x4000  }
0x2b0: {  	[sflag:s15] =	ssyncset.done $0x0  }
0x2b1: {  	s30 =	sadd.s32 s9, s0;
	[sflag:s15] =	ssyncadd.s32 $0xFFFFC000  }
0x2b2: {  	[hbm4b:s30+s2] =	stream.linear.scatter [tilespmem:s18], [sflag:$0x2], $0x4000, $0x38;
	[tilespmem:$0x10400] =	vst v63  }
0x2b3: {  	_ =	swait.ge [sflag:s15], $0x4000  }
0x2b4: {  	[sflag:s15] =	ssyncset.done $0x0  }
0x2b5: {  	s31 =	sadd.s32 s10, s0;
	[sflag:s15] =	ssyncadd.s32 $0xFFFFC000  }
0x2b6: {  	[hbm4b:s31+s2] =	stream.linear.scatter [tilespmem:s19], [sflag:$0x2], $0x4000, $0x38;
	[tilespmem:$0x10400] =	vst v63  }
0x2b7: {  	s24 =	sadd.s32 $0x1, s24;
	_ =	swait.ge [sflag:s15], $0x4000  }
0x2b8: {  	p0 =	sne.s32 s24, $0x4;
	[sflag:s15] =	ssyncset.done $0x0  }
.Ltmp1:
0x2b9: {  	s0 =	sadd.s32 s11, s0;
	[sflag:s15] =	ssyncadd.s32 $0xFFFFC000;
	(pc) =	sbr.rel @p0 .LBB2_2-.Ltmp1, $4  }
0x2ba: {  	[hbm4b:s0+s2] =	stream.linear.scatter [tilespmem:s20], [sflag:$0x2], $0x4000, $0x38;
	[tilespmem:$0x10400] =	vst v63  }
0x2bb: {  	_ =	swait.ge [sflag:s15], $0x4000  }
0x2bc: {  	[sflag:s15] =	ssyncset.done $0x0  }
0x2bd: {  	s22 =	sadd.s32 $0x80, s22;
	s23 =	sadd.s32 $0x80, s23;
	[sflag:s15] =	ssyncadd.s32 $0xFFFFC000  }
0x2be: {  	s21 =	sadd.s32 $0x1, s21;
	s0 =	rddreg [dreg:$0x5]  }
0x2bf: {  	p0 =	sne.s32 s21, s0  }
.Ltmp2:
0x2c0: {  	_ = 	snop;
	(pc) =	sbr.rel @p0 .LBB2_1-.Ltmp2, $1  }
0x2c1: {  	_ =	sdelay $0x3  }
0x2c2: {  	_ =	sfence.sel $0x180000  }
0x2c3: {  	[bflag:$0x0] =	sbarrier.arrive $0xFFFF  }
0x2c4: {  	_ =	strace $0x90000047  }
0x2c5: {  	s0 =	stileid.u32;
	[bflag:$0x2] =	sbarrier.arrive $0xFFFF  }
0x2c6: {  	p0 =	sne.s32 s0, $0x0;
	s0 =	rddreg [dreg:$0x2]  }
0x2c7: {  	s0 =	sadd.s32 @!p0 $0x100000, s0  }
0x2c8: {  	[sflag:s0] =	ssyncadd.tile.s32 @!p0 $0x1;
	_ =	shalt  }
.Lfunc_end2:
_tile_overlayer_lowered:
.L_overlay_start_2:
0x2c9: {  	(tag) =	ssettag $0x2  }
0x2ca: {  	s0 =	rddreg [dreg:$0x0];
	s2 =	stileid.u32  }
0x2cb: {  	s1 =	rddreg [dreg:$0x1];
	p0 =	sne.s32 s2, $0x0  }
0x2cc: {  	s3 =	rddreg [dreg:$0x2];
	[bflag:$0x3] =	sbarrier.arrive $0xFFFF;
	s2 =	simm.s32 @!p0 $0x1C02  }
0x2cd: {  	[timem:s3], [sflag:s2] =	dma.local @!p0 [hbm:s0], s1  }
0x2ce: {  	s0 =	simm.s32 @!p0 $0x2  }
0x2cf: {  	_ =	swait.ge @!p0 [sflag:s0], s1  }
0x2d0: {  	s1 =	ssub.s32 @!p0 $0x0, s1;
	[sflag:s0] =	ssyncset.done @!p0 $0x0  }
0x2d1: {  	[sflag:s0] =	ssyncadd.s32 @!p0 s1  }
0x2d2: {  	[bflag:$0x3] =	sbarrier.arrive $0xFFFF  }
0x2d3: {  	_ =	shalt  }

</sc_bundles>
